<compile_context>
chip_gen: v7x
topology: tpu7x:2x2x1
jax: 0.10.2.dev20260603
libtpu: 0.0.44.dev20260713+nightly
codegen_flags: <defaults>
</compile_context>

<pallas_src>
import functools

import jax
import jax.numpy as jnp
from jax import lax
from jax.experimental import pallas as pl
from jax.experimental.pallas import tpu as pltpu
from jax.experimental.pallas import tpu_sc as plsc

E = 160000
D = 256
NW = 32
K = 80
MAIN_STEPS = 62
MAIN_E = NW * MAIN_STEPS * K
IDX_CAP = (MAIN_STEPS + 1) * K
LANES = 16
GROUPS = K // LANES
HALF_ITERS = MAIN_STEPS // 2


def _dot_decoder_body(src_hbm, dst_hbm, zsrc_hbm, zdst_hbm, out_hbm,
                      idx_s, idx_d, rows_s, rows_d, pbuf, out_all,
                      sem_s0, sem_s1, sem_d0, sem_d1):
    wid = lax.axis_index("s") * 2 + lax.axis_index("c")
    wbase = wid * MAIN_STEPS * K
    tail_base = MAIN_E + wid * K
    sems = ((sem_s0, sem_d0), (sem_s1, sem_d1))

    pltpu.sync_copy(src_hbm.at[pl.ds(wbase, MAIN_STEPS * K)],
                    idx_s.at[pl.ds(0, MAIN_STEPS * K)])
    pltpu.sync_copy(dst_hbm.at[pl.ds(wbase, MAIN_STEPS * K)],
                    idx_d.at[pl.ds(0, MAIN_STEPS * K)])

    @pl.when(wid < 16)
    def _stage_tail():
        pltpu.sync_copy(src_hbm.at[pl.ds(tail_base, K)],
                        idx_s.at[pl.ds(MAIN_STEPS * K, K)])
        pltpu.sync_copy(dst_hbm.at[pl.ds(tail_base, K)],
                        idx_d.at[pl.ds(MAIN_STEPS * K, K)])

    nsteps = jnp.where(wid < 16, MAIN_STEPS + 1, MAIN_STEPS)

    def start(s, b):
        pltpu.async_copy(zsrc_hbm.at[idx_s.at[pl.ds(s * K, K)]],
                         rows_s.at[b], sems[b][0])
        pltpu.async_copy(zdst_hbm.at[idx_d.at[pl.ds(s * K, K)]],
                         rows_d.at[b], sems[b][1])

    def wait(s, b):
        pltpu.make_async_copy(zsrc_hbm.at[idx_s.at[pl.ds(s * K, K)]],
                              rows_s.at[b], sems[b][0]).wait()
        pltpu.make_async_copy(zdst_hbm.at[idx_d.at[pl.ds(s * K, K)]],
                              rows_d.at[b], sems[b][1]).wait()

    def compute(s, b):
        rs = rows_s.at[b]
        rd = rows_d.at[b]

        def row(r, _):
            prods = [rs[r, pl.ds(j * LANES, LANES)]
                     * rd[r, pl.ds(j * LANES, LANES)]
                     for j in range(D // LANES)]
            while len(prods) > 1:
                prods = [a + b_ for a, b_ in zip(prods[::2], prods[1::2])]
            pbuf[r, :] = prods[0]
            return 0

        lax.fori_loop(0, K, row, 0)

        for g in range(GROUPS):
            rowids = jnp.arange(LANES, dtype=jnp.int32) + g * LANES
            cols = [plsc.load_gather(
                        pbuf, [rowids, jnp.full((LANES,), j, jnp.int32)])
                    for j in range(LANES)]
            while len(cols) > 1:
                cols = [a + b_ for a, b_ in zip(cols[::2], cols[1::2])]
            out_all[pl.ds(s * K + g * LANES, LANES)] = cols[0]

    start(0, 0)

    def pair(it, _):
        s0 = it * 2
        start(s0 + 1, 1)
        wait(s0, 0)
        compute(s0, 0)

        @pl.when(s0 + 2 < nsteps)
        def _start_next():
            start(s0 + 2, 0)

        wait(s0 + 1, 1)
        compute(s0 + 1, 1)
        return 0

    lax.fori_loop(0, HALF_ITERS, pair, 0)

    @pl.when(wid < 16)
    def _tail_step():
        wait(MAIN_STEPS, 0)
        compute(MAIN_STEPS, 0)

    pltpu.sync_copy(out_all.at[pl.ds(0, MAIN_STEPS * K)],
                    out_hbm.at[pl.ds(wbase, MAIN_STEPS * K)])

    @pl.when(wid < 16)
    def _store_tail():
        pltpu.sync_copy(out_all.at[pl.ds(MAIN_STEPS * K, K)],
                        out_hbm.at[pl.ds(tail_base, K)])


@jax.jit
def kernel(z_src, z_dst, edge_label_index):
    edge = edge_label_index.astype(jnp.int32)
    src_idx = edge[0]
    dst_idx = edge[1]
    f = functools.partial(
        pl.kernel,
        mesh=plsc.VectorSubcoreMesh(core_axis_name="c", subcore_axis_name="s"),
        out_type=jax.ShapeDtypeStruct((E,), jnp.float32),
        compiler_params=pltpu.CompilerParams(use_tc_tiling_on_sc=False,
                                             needs_layout_passes=False),
        scratch_types=[
            pltpu.VMEM((IDX_CAP,), jnp.int32),
            pltpu.VMEM((IDX_CAP,), jnp.int32),
            pltpu.VMEM((2, K, D), jnp.float32),
            pltpu.VMEM((2, K, D), jnp.float32),
            pltpu.VMEM((K, LANES), jnp.float32),
            pltpu.VMEM((IDX_CAP,), jnp.float32),
            pltpu.SemaphoreType.DMA,
            pltpu.SemaphoreType.DMA,
            pltpu.SemaphoreType.DMA,
            pltpu.SemaphoreType.DMA,
        ],
    )(_dot_decoder_body)
    return f(src_idx, dst_idx, z_src, z_dst)

# --- scband reference (transcript-rebuilt; emitter-appended) ---
"""Pipeline reference for scband-dot-product-decoder-3083786519225 (READ-ONLY COPY).

The authoritative reference and input builder live on the scoring server;
editing this copy changes nothing except your own understanding.
"""

import jax, jax.numpy as jnp
import numpy as np


def setup_inputs(seed: int = 0) -> dict:
    key = jax.random.key(seed)
    k1, k2, k3 = jax.random.split(key, 3)
    z_src = jax.random.normal(k1, (10000, 256), dtype=jnp.float32)
    z_dst = jax.random.normal(k2, (10000, 256), dtype=jnp.float32)
    edge_label_index = jax.random.randint(k3, (2, 160000), 0, 10000, dtype=jnp.int64 if jax.config.jax_enable_x64 else jnp.int32)
    return {"z_src": z_src, "z_dst": z_dst, "edge_label_index": edge_label_index}


def reference(z_src, z_dst, edge_label_index):
    src = edge_label_index[0]
    dst = edge_label_index[1]
    gathered_src = jnp.take(z_src, src, axis=0)
    gathered_dst = jnp.take(z_dst, dst, axis=0)
    return (gathered_src * gathered_dst).sum(axis=-1)

if __name__ == "__main__":
    import jax
    _d = setup_inputs()
    print(jax.jit(kernel)(*tuple(_d.values())))

</pallas_src>

<mosaic_0001>
#map = affine_map<(d0, d1) -> (0)>
#map1 = affine_map<(d0, d1) -> (0, 0)>
module attributes {stable_mosaic.version = 14 : i64} {
  func.func @_dot_decoder_body(%arg0: i32, %arg1: i32, %arg2: memref<160000xi32, #tpu.memory_space<hbm>>, %arg3: memref<160000xi32, #tpu.memory_space<hbm>>, %arg4: memref<10000x256xf32, #tpu.memory_space<hbm>>, %arg5: memref<10000x256xf32, #tpu.memory_space<hbm>>, %arg6: memref<160000xf32, #tpu.memory_space<hbm>>, %arg7: memref<5040xi32, #tpu.memory_space<vmem>>, %arg8: memref<5040xi32, #tpu.memory_space<vmem>>, %arg9: memref<2x80x256xf32, #tpu.memory_space<vmem>>, %arg10: memref<2x80x256xf32, #tpu.memory_space<vmem>>, %arg11: memref<80x16xf32, #tpu.memory_space<vmem>>, %arg12: memref<5040xf32, #tpu.memory_space<vmem>>, %arg13: memref<!tpu.dma_semaphore, #tpu.memory_space<semaphore_mem>>, %arg14: memref<!tpu.dma_semaphore, #tpu.memory_space<semaphore_mem>>, %arg15: memref<!tpu.dma_semaphore, #tpu.memory_space<semaphore_mem>>, %arg16: memref<!tpu.dma_semaphore, #tpu.memory_space<semaphore_mem>>) attributes {dimension_semantics = [#tpu.dimension_semantics<core_parallel>, #tpu.dimension_semantics<subcore_parallel>], iteration_bounds = array<i64: 2, 16>, scalar_prefetch = 0 : i64, scratch_operands = 10 : i64, tpu.core_type = #tpu.core_type<sc_vector_subcore>, window_params = [{transform_indices = #map}, {transform_indices = #map}, {transform_indices = #map1}, {transform_indices = #map1}, {transform_indices = #map}]} {
    %mul3A = arith.constant 2 : i32
    %mul3A_0 = arith.muli %arg1, %mul3A : i32
    %add3A = arith.addi %mul3A_0, %arg0 : i32
    %mul3A_1 = arith.constant 62 : i32
    %mul3A_2 = arith.muli %add3A, %mul3A_1 : i32
    %mul3A_3 = arith.constant 80 : i32
    %mul3A_4 = arith.muli %mul3A_2, %mul3A_3 : i32
    %mul3A_5 = arith.constant 80 : i32
    %mul3A_6 = arith.muli %add3A, %mul3A_5 : i32
    %add3A_7 = arith.constant 158720 : i32
    %add3A_8 = arith.addi %add3A_7, %mul3A_6 : i32
    "tpu.region"() ({
      %run_scoped3A = tpu.sem_alloc : memref<!tpu.dma_semaphore, #tpu.memory_space<semaphore_mem>>
      %dma_start3A_49 = arith.constant 0 : i32
      %dma_start3A_50 = tpu.memref_slice %arg7[%dma_start3A_49] : memref<5040xi32, #tpu.memory_space<vmem>> -> memref<4960xi32, #tpu.memory_space<vmem>>
      %dma_start3A_51 = tpu.memref_slice %arg2[%mul3A_4] : memref<160000xi32, #tpu.memory_space<hbm>> -> memref<4960xi32, #tpu.memory_space<hbm>>
      %dma_start3A_52 = arith.constant 0 : i32
      %dma_start3A_53 = tpu.memref_slice %arg7[%dma_start3A_52] : memref<5040xi32, #tpu.memory_space<vmem>> -> memref<4960xi32, #tpu.memory_space<vmem>>
      %dma_start3A_54 = tpu.memref_slice %arg2[%mul3A_4] : memref<160000xi32, #tpu.memory_space<hbm>> -> memref<4960xi32, #tpu.memory_space<hbm>>
      tpu.enqueue_dma source(%dma_start3A_54 : memref<4960xi32, #tpu.memory_space<hbm>>) target(%dma_start3A_53 : memref<4960xi32, #tpu.memory_space<vmem>>) target_semaphore(%run_scoped3A : memref<!tpu.dma_semaphore, #tpu.memory_space<semaphore_mem>>)
      %dma_wait3A = arith.constant 0 : i32
      %dma_wait3A_55 = tpu.memref_slice %arg7[%dma_wait3A] : memref<5040xi32, #tpu.memory_space<vmem>> -> memref<4960xi32, #tpu.memory_space<vmem>>
      %dma_wait3A_56 = tpu.memref_slice %arg2[%mul3A_4] : memref<160000xi32, #tpu.memory_space<hbm>> -> memref<4960xi32, #tpu.memory_space<hbm>>
      %dma_wait3A_57 = arith.constant 0 : i32
      %dma_wait3A_58 = tpu.memref_slice %arg7[%dma_wait3A_57] : memref<5040xi32, #tpu.memory_space<vmem>> -> memref<4960xi32, #tpu.memory_space<vmem>>
      %dma_wait3A_59 = tpu.memref_slice %arg2[%mul3A_4] : memref<160000xi32, #tpu.memory_space<hbm>> -> memref<4960xi32, #tpu.memory_space<hbm>>
      tpu.wait_dma2 semaphore(%run_scoped3A : memref<!tpu.dma_semaphore, #tpu.memory_space<semaphore_mem>>) src(%dma_wait3A_59 : memref<4960xi32, #tpu.memory_space<hbm>>) dst(%dma_wait3A_58 : memref<4960xi32, #tpu.memory_space<vmem>>)
      tpu.yield
    }) : () -> ()
    "tpu.region"() ({
      %run_scoped3A = tpu.sem_alloc : memref<!tpu.dma_semaphore, #tpu.memory_space<semaphore_mem>>
      %dma_start3A_49 = arith.constant 0 : i32
      %dma_start3A_50 = tpu.memref_slice %arg8[%dma_start3A_49] : memref<5040xi32, #tpu.memory_space<vmem>> -> memref<4960xi32, #tpu.memory_space<vmem>>
      %dma_start3A_51 = tpu.memref_slice %arg3[%mul3A_4] : memref<160000xi32, #tpu.memory_space<hbm>> -> memref<4960xi32, #tpu.memory_space<hbm>>
      %dma_start3A_52 = arith.constant 0 : i32
      %dma_start3A_53 = tpu.memref_slice %arg8[%dma_start3A_52] : memref<5040xi32, #tpu.memory_space<vmem>> -> memref<4960xi32, #tpu.memory_space<vmem>>
      %dma_start3A_54 = tpu.memref_slice %arg3[%mul3A_4] : memref<160000xi32, #tpu.memory_space<hbm>> -> memref<4960xi32, #tpu.memory_space<hbm>>
      tpu.enqueue_dma source(%dma_start3A_54 : memref<4960xi32, #tpu.memory_space<hbm>>) target(%dma_start3A_53 : memref<4960xi32, #tpu.memory_space<vmem>>) target_semaphore(%run_scoped3A : memref<!tpu.dma_semaphore, #tpu.memory_space<semaphore_mem>>)
      %dma_wait3A = arith.constant 0 : i32
      %dma_wait3A_55 = tpu.memref_slice %arg8[%dma_wait3A] : memref<5040xi32, #tpu.memory_space<vmem>> -> memref<4960xi32, #tpu.memory_space<vmem>>
      %dma_wait3A_56 = tpu.memref_slice %arg3[%mul3A_4] : memref<160000xi32, #tpu.memory_space<hbm>> -> memref<4960xi32, #tpu.memory_space<hbm>>
      %dma_wait3A_57 = arith.constant 0 : i32
      %dma_wait3A_58 = tpu.memref_slice %arg8[%dma_wait3A_57] : memref<5040xi32, #tpu.memory_space<vmem>> -> memref<4960xi32, #tpu.memory_space<vmem>>
      %dma_wait3A_59 = tpu.memref_slice %arg3[%mul3A_4] : memref<160000xi32, #tpu.memory_space<hbm>> -> memref<4960xi32, #tpu.memory_space<hbm>>
      tpu.wait_dma2 semaphore(%run_scoped3A : memref<!tpu.dma_semaphore, #tpu.memory_space<semaphore_mem>>) src(%dma_wait3A_59 : memref<4960xi32, #tpu.memory_space<hbm>>) dst(%dma_wait3A_58 : memref<4960xi32, #tpu.memory_space<vmem>>)
      tpu.yield
    }) : () -> ()
    %lt3A = arith.constant 16 : i32
    %lt3A_9 = arith.cmpi slt, %add3A, %lt3A : i32
    %convert_element_type3A = arith.extui %lt3A_9 : i1 to i32
    %cond3A = arith.constant 0 : i32
    %cond3A_10 = arith.cmpi ne, %convert_element_type3A, %cond3A : i32
    scf.if %cond3A_10 {
      "tpu.region"() ({
        %run_scoped3A = tpu.sem_alloc : memref<!tpu.dma_semaphore, #tpu.memory_space<semaphore_mem>>
        %dma_start3A_49 = arith.constant 4960 : i32
        %dma_start3A_50 = tpu.memref_slice %arg7[%dma_start3A_49] : memref<5040xi32, #tpu.memory_space<vmem>> -> memref<80xi32, #tpu.memory_space<vmem>>
        %dma_start3A_51 = tpu.memref_slice %arg2[%add3A_8] : memref<160000xi32, #tpu.memory_space<hbm>> -> memref<80xi32, #tpu.memory_space<hbm>>
        %dma_start3A_52 = arith.constant 4960 : i32
        %dma_start3A_53 = tpu.memref_slice %arg7[%dma_start3A_52] : memref<5040xi32, #tpu.memory_space<vmem>> -> memref<80xi32, #tpu.memory_space<vmem>>
        %dma_start3A_54 = tpu.memref_slice %arg2[%add3A_8] : memref<160000xi32, #tpu.memory_space<hbm>> -> memref<80xi32, #tpu.memory_space<hbm>>
        tpu.enqueue_dma source(%dma_start3A_54 : memref<80xi32, #tpu.memory_space<hbm>>) target(%dma_start3A_53 : memref<80xi32, #tpu.memory_space<vmem>>) target_semaphore(%run_scoped3A : memref<!tpu.dma_semaphore, #tpu.memory_space<semaphore_mem>>)
        %dma_wait3A = arith.constant 4960 : i32
        %dma_wait3A_55 = tpu.memref_slice %arg7[%dma_wait3A] : memref<5040xi32, #tpu.memory_space<vmem>> -> memref<80xi32, #tpu.memory_space<vmem>>
        %dma_wait3A_56 = tpu.memref_slice %arg2[%add3A_8] : memref<160000xi32, #tpu.memory_space<hbm>> -> memref<80xi32, #tpu.memory_space<hbm>>
        %dma_wait3A_57 = arith.constant 4960 : i32
        %dma_wait3A_58 = tpu.memref_slice %arg7[%dma_wait3A_57] : memref<5040xi32, #tpu.memory_space<vmem>> -> memref<80xi32, #tpu.memory_space<vmem>>
        %dma_wait3A_59 = tpu.memref_slice %arg2[%add3A_8] : memref<160000xi32, #tpu.memory_space<hbm>> -> memref<80xi32, #tpu.memory_space<hbm>>
        tpu.wait_dma2 semaphore(%run_scoped3A : memref<!tpu.dma_semaphore, #tpu.memory_space<semaphore_mem>>) src(%dma_wait3A_59 : memref<80xi32, #tpu.memory_space<hbm>>) dst(%dma_wait3A_58 : memref<80xi32, #tpu.memory_space<vmem>>)
        tpu.yield
      }) : () -> ()
      "tpu.region"() ({
        %run_scoped3A = tpu.sem_alloc : memref<!tpu.dma_semaphore, #tpu.memory_space<semaphore_mem>>
        %dma_start3A_49 = arith.constant 4960 : i32
        %dma_start3A_50 = tpu.memref_slice %arg8[%dma_start3A_49] : memref<5040xi32, #tpu.memory_space<vmem>> -> memref<80xi32, #tpu.memory_space<vmem>>
        %dma_start3A_51 = tpu.memref_slice %arg3[%add3A_8] : memref<160000xi32, #tpu.memory_space<hbm>> -> memref<80xi32, #tpu.memory_space<hbm>>
        %dma_start3A_52 = arith.constant 4960 : i32
        %dma_start3A_53 = tpu.memref_slice %arg8[%dma_start3A_52] : memref<5040xi32, #tpu.memory_space<vmem>> -> memref<80xi32, #tpu.memory_space<vmem>>
        %dma_start3A_54 = tpu.memref_slice %arg3[%add3A_8] : memref<160000xi32, #tpu.memory_space<hbm>> -> memref<80xi32, #tpu.memory_space<hbm>>
        tpu.enqueue_dma source(%dma_start3A_54 : memref<80xi32, #tpu.memory_space<hbm>>) target(%dma_start3A_53 : memref<80xi32, #tpu.memory_space<vmem>>) target_semaphore(%run_scoped3A : memref<!tpu.dma_semaphore, #tpu.memory_space<semaphore_mem>>)
        %dma_wait3A = arith.constant 4960 : i32
        %dma_wait3A_55 = tpu.memref_slice %arg8[%dma_wait3A] : memref<5040xi32, #tpu.memory_space<vmem>> -> memref<80xi32, #tpu.memory_space<vmem>>
        %dma_wait3A_56 = tpu.memref_slice %arg3[%add3A_8] : memref<160000xi32, #tpu.memory_space<hbm>> -> memref<80xi32, #tpu.memory_space<hbm>>
        %dma_wait3A_57 = arith.constant 4960 : i32
        %dma_wait3A_58 = tpu.memref_slice %arg8[%dma_wait3A_57] : memref<5040xi32, #tpu.memory_space<vmem>> -> memref<80xi32, #tpu.memory_space<vmem>>
        %dma_wait3A_59 = tpu.memref_slice %arg3[%add3A_8] : memref<160000xi32, #tpu.memory_space<hbm>> -> memref<80xi32, #tpu.memory_space<hbm>>
        tpu.wait_dma2 semaphore(%run_scoped3A : memref<!tpu.dma_semaphore, #tpu.memory_space<semaphore_mem>>) src(%dma_wait3A_59 : memref<80xi32, #tpu.memory_space<hbm>>) dst(%dma_wait3A_58 : memref<80xi32, #tpu.memory_space<vmem>>)
        tpu.yield
      }) : () -> ()
    } else {
    }
    %lt3A_11 = arith.constant 16 : i32
    %lt3A_12 = arith.cmpi slt, %add3A, %lt3A_11 : i32
    %jit3A = arith.constant 63 : i32
    %jit3A_13 = arith.constant 62 : i32
    %select_n3A = arith.select %lt3A_12, %jit3A, %jit3A_13 : i32
    %dma_start3A = arith.constant 0 : i32
    %dma_start3A_14 = arith.constant 0 : i32
    %dma_start3A_15 = arith.constant 0 : i32
    %dma_start3A_16 = tpu.memref_slice %arg9[%dma_start3A, %dma_start3A_14, %dma_start3A_15] : memref<2x80x256xf32, #tpu.memory_space<vmem>> -> memref<1x80x256xf32, #tpu.memory_space<vmem>>
    %dma_start3A_17 = tpu.memref_squeeze %dma_start3A_16 : memref<1x80x256xf32, #tpu.memory_space<vmem>> -> memref<80x256xf32, #tpu.memory_space<vmem>>
    %dma_start3A_18 = arith.constant 0 : i32
    %dma_start3A_19 = tpu.memref_slice %arg7[%dma_start3A_18] : memref<5040xi32, #tpu.memory_space<vmem>> -> memref<80xi32, #tpu.memory_space<vmem>>
    %dma_start3A_20 = arith.constant 0 : i32
    %dma_start3A_21 = arith.constant 0 : i32
    %dma_start3A_22 = tpu.memref_slice %arg4[%dma_start3A_20, %dma_start3A_21] : memref<10000x256xf32, #tpu.memory_space<hbm>> -> memref<10000x256xf32, #tpu.memory_space<hbm>>
    tpu.enqueue_indirect_dma source(%dma_start3A_22 : memref<10000x256xf32, #tpu.memory_space<hbm>>) target(%dma_start3A_17 : memref<80x256xf32, #tpu.memory_space<vmem>>) offsets(%dma_start3A_19 : memref<80xi32, #tpu.memory_space<vmem>>) semaphore(%arg13 : memref<!tpu.dma_semaphore, #tpu.memory_space<semaphore_mem>>)
    %dma_start3A_23 = arith.constant 0 : i32
    %dma_start3A_24 = arith.constant 0 : i32
    %dma_start3A_25 = arith.constant 0 : i32
    %dma_start3A_26 = tpu.memref_slice %arg10[%dma_start3A_23, %dma_start3A_24, %dma_start3A_25] : memref<2x80x256xf32, #tpu.memory_space<vmem>> -> memref<1x80x256xf32, #tpu.memory_space<vmem>>
    %dma_start3A_27 = tpu.memref_squeeze %dma_start3A_26 : memref<1x80x256xf32, #tpu.memory_space<vmem>> -> memref<80x256xf32, #tpu.memory_space<vmem>>
    %dma_start3A_28 = arith.constant 0 : i32
    %dma_start3A_29 = tpu.memref_slice %arg8[%dma_start3A_28] : memref<5040xi32, #tpu.memory_space<vmem>> -> memref<80xi32, #tpu.memory_space<vmem>>
    %dma_start3A_30 = arith.constant 0 : i32
    %dma_start3A_31 = arith.constant 0 : i32
    %dma_start3A_32 = tpu.memref_slice %arg5[%dma_start3A_30, %dma_start3A_31] : memref<10000x256xf32, #tpu.memory_space<hbm>> -> memref<10000x256xf32, #tpu.memory_space<hbm>>
    tpu.enqueue_indirect_dma source(%dma_start3A_32 : memref<10000x256xf32, #tpu.memory_space<hbm>>) target(%dma_start3A_27 : memref<80x256xf32, #tpu.memory_space<vmem>>) offsets(%dma_start3A_29 : memref<80xi32, #tpu.memory_space<vmem>>) semaphore(%arg15 : memref<!tpu.dma_semaphore, #tpu.memory_space<semaphore_mem>>)
    %scan3A = arith.constant 0 : i32
    %scan3A_33 = arith.constant 0 : i32
    %scan3A_34 = arith.constant 31 : i32
    %scan3A_35 = arith.addi %scan3A_33, %scan3A_34 : i32
    %scan3A_36 = arith.constant 1 : i32
    %scan3A_37 = scf.for %scan3A_49 = %scan3A_33 to %scan3A_35 step %scan3A_36 iter_args(%scan3A_50 = %scan3A) -> (i32)  : i32 {
      %mul3A_51 = arith.constant 2 : i32
      %mul3A_52 = arith.muli %scan3A_49, %mul3A_51 : i32
      %add3A_53 = arith.constant 1 : i32
      %add3A_54 = arith.addi %mul3A_52, %add3A_53 : i32
      %mul3A_55 = arith.constant 80 : i32
      %mul3A_56 = arith.muli %add3A_54, %mul3A_55 : i32
      %dma_start3A_57 = arith.constant 1 : i32
      %dma_start3A_58 = arith.constant 0 : i32
      %dma_start3A_59 = arith.constant 0 : i32
      %dma_start3A_60 = tpu.memref_slice %arg9[%dma_start3A_57, %dma_start3A_58, %dma_start3A_59] : memref<2x80x256xf32, #tpu.memory_space<vmem>> -> memref<1x80x256xf32, #tpu.memory_space<vmem>>
      %dma_start3A_61 = tpu.memref_squeeze %dma_start3A_60 : memref<1x80x256xf32, #tpu.memory_space<vmem>> -> memref<80x256xf32, #tpu.memory_space<vmem>>
      %dma_start3A_62 = tpu.memref_slice %arg7[%mul3A_56] : memref<5040xi32, #tpu.memory_space<vmem>> -> memref<80xi32, #tpu.memory_space<vmem>>
      %dma_start3A_63 = arith.constant 0 : i32
      %dma_start3A_64 = arith.constant 0 : i32
      %dma_start3A_65 = tpu.memref_slice %arg4[%dma_start3A_63, %dma_start3A_64] : memref<10000x256xf32, #tpu.memory_space<hbm>> -> memref<10000x256xf32, #tpu.memory_space<hbm>>
      tpu.enqueue_indirect_dma source(%dma_start3A_65 : memref<10000x256xf32, #tpu.memory_space<hbm>>) target(%dma_start3A_61 : memref<80x256xf32, #tpu.memory_space<vmem>>) offsets(%dma_start3A_62 : memref<80xi32, #tpu.memory_space<vmem>>) semaphore(%arg14 : memref<!tpu.dma_semaphore, #tpu.memory_space<semaphore_mem>>)
      %mul3A_66 = arith.constant 80 : i32
      %mul3A_67 = arith.muli %add3A_54, %mul3A_66 : i32
      %dma_start3A_68 = arith.constant 1 : i32
      %dma_start3A_69 = arith.constant 0 : i32
      %dma_start3A_70 = arith.constant 0 : i32
      %dma_start3A_71 = tpu.memref_slice %arg10[%dma_start3A_68, %dma_start3A_69, %dma_start3A_70] : memref<2x80x256xf32, #tpu.memory_space<vmem>> -> memref<1x80x256xf32, #tpu.memory_space<vmem>>
      %dma_start3A_72 = tpu.memref_squeeze %dma_start3A_71 : memref<1x80x256xf32, #tpu.memory_space<vmem>> -> memref<80x256xf32, #tpu.memory_space<vmem>>
      %dma_start3A_73 = tpu.memref_slice %arg8[%mul3A_67] : memref<5040xi32, #tpu.memory_space<vmem>> -> memref<80xi32, #tpu.memory_space<vmem>>
      %dma_start3A_74 = arith.constant 0 : i32
      %dma_start3A_75 = arith.constant 0 : i32
      %dma_start3A_76 = tpu.memref_slice %arg5[%dma_start3A_74, %dma_start3A_75] : memref<10000x256xf32, #tpu.memory_space<hbm>> -> memref<10000x256xf32, #tpu.memory_space<hbm>>
      tpu.enqueue_indirect_dma source(%dma_start3A_76 : memref<10000x256xf32, #tpu.memory_space<hbm>>) target(%dma_start3A_72 : memref<80x256xf32, #tpu.memory_space<vmem>>) offsets(%dma_start3A_73 : memref<80xi32, #tpu.memory_space<vmem>>) semaphore(%arg16 : memref<!tpu.dma_semaphore, #tpu.memory_space<semaphore_mem>>)
      %mul3A_77 = arith.constant 80 : i32
      %mul3A_78 = arith.muli %mul3A_52, %mul3A_77 : i32
      %dma_wait3A = arith.constant 0 : i32
      %dma_wait3A_79 = arith.constant 0 : i32
      %dma_wait3A_80 = arith.constant 0 : i32
      %dma_wait3A_81 = tpu.memref_slice %arg9[%dma_wait3A, %dma_wait3A_79, %dma_wait3A_80] : memref<2x80x256xf32, #tpu.memory_space<vmem>> -> memref<1x80x256xf32, #tpu.memory_space<vmem>>
      %dma_wait3A_82 = tpu.memref_squeeze %dma_wait3A_81 : memref<1x80x256xf32, #tpu.memory_space<vmem>> -> memref<80x256xf32, #tpu.memory_space<vmem>>
      %dma_wait3A_83 = tpu.memref_slice %arg7[%mul3A_78] : memref<5040xi32, #tpu.memory_space<vmem>> -> memref<80xi32, #tpu.memory_space<vmem>>
      %dma_wait3A_84 = arith.constant 0 : i32
      %dma_wait3A_85 = arith.constant 0 : i32
      %dma_wait3A_86 = tpu.memref_slice %arg4[%dma_wait3A_84, %dma_wait3A_85] : memref<10000x256xf32, #tpu.memory_space<hbm>> -> memref<10000x256xf32, #tpu.memory_space<hbm>>
      tpu.wait_indirect_dma semaphore(%arg13 : memref<!tpu.dma_semaphore, #tpu.memory_space<semaphore_mem>>) src(%dma_wait3A_86 : memref<10000x256xf32, #tpu.memory_space<hbm>>) dst(%dma_wait3A_82 : memref<80x256xf32, #tpu.memory_space<vmem>>)
      %mul3A_87 = arith.constant 80 : i32
      %mul3A_88 = arith.muli %mul3A_52, %mul3A_87 : i32
      %dma_wait3A_89 = arith.constant 0 : i32
      %dma_wait3A_90 = arith.constant 0 : i32
      %dma_wait3A_91 = arith.constant 0 : i32
      %dma_wait3A_92 = tpu.memref_slice %arg10[%dma_wait3A_89, %dma_wait3A_90, %dma_wait3A_91] : memref<2x80x256xf32, #tpu.memory_space<vmem>> -> memref<1x80x256xf32, #tpu.memory_space<vmem>>
      %dma_wait3A_93 = tpu.memref_squeeze %dma_wait3A_92 : memref<1x80x256xf32, #tpu.memory_space<vmem>> -> memref<80x256xf32, #tpu.memory_space<vmem>>
      %dma_wait3A_94 = tpu.memref_slice %arg8[%mul3A_88] : memref<5040xi32, #tpu.memory_space<vmem>> -> memref<80xi32, #tpu.memory_space<vmem>>
      %dma_wait3A_95 = arith.constant 0 : i32
      %dma_wait3A_96 = arith.constant 0 : i32
      %dma_wait3A_97 = tpu.memref_slice %arg5[%dma_wait3A_95, %dma_wait3A_96] : memref<10000x256xf32, #tpu.memory_space<hbm>> -> memref<10000x256xf32, #tpu.memory_space<hbm>>
      tpu.wait_indirect_dma semaphore(%arg15 : memref<!tpu.dma_semaphore, #tpu.memory_space<semaphore_mem>>) src(%dma_wait3A_97 : memref<10000x256xf32, #tpu.memory_space<hbm>>) dst(%dma_wait3A_93 : memref<80x256xf32, #tpu.memory_space<vmem>>)
      %scan3A_98 = arith.constant 0 : i32
      %scan3A_99 = arith.constant 0 : i32
      %scan3A_100 = arith.constant 0 : i32
      %scan3A_101 = arith.constant 0 : i32
      %scan3A_102 = arith.constant 80 : i32
      %scan3A_103 = arith.addi %scan3A_101, %scan3A_102 : i32
      %scan3A_104 = arith.constant 1 : i32
      %scan3A_105 = scf.for %scan3A_875 = %scan3A_101 to %scan3A_103 step %scan3A_104 iter_args(%scan3A_876 = %scan3A_100) -> (i32)  : i32 {
        %get3A = arith.constant 0 : i32
        %get3A_877 = arith.constant 0 : i32
        %get3A_878 = tpu.memref_slice %arg9[%scan3A_98, %get3A, %get3A_877] : memref<2x80x256xf32, #tpu.memory_space<vmem>> -> memref<1x80x256xf32, #tpu.memory_space<vmem>>
        %get3A_879 = tpu.memref_squeeze %get3A_878 : memref<1x80x256xf32, #tpu.memory_space<vmem>> -> memref<80x256xf32, #tpu.memory_space<vmem>>
        %get3A_880 = arith.index_cast %scan3A_875 : i32 to index
        %get3A_881 = arith.constant 0 : index
        %get3A_882 = tpu.vector_load %get3A_879[%get3A_880, %get3A_881] {strides = array<i32>} : memref<80x256xf32, #tpu.memory_space<vmem>>, vector<16xf32>,
        %get3A_883 = arith.constant 0 : i32
        %get3A_884 = arith.constant 0 : i32
        %get3A_885 = tpu.memref_slice %arg10[%scan3A_99, %get3A_883, %get3A_884] : memref<2x80x256xf32, #tpu.memory_space<vmem>> -> memref<1x80x256xf32, #tpu.memory_space<vmem>>
        %get3A_886 = tpu.memref_squeeze %get3A_885 : memref<1x80x256xf32, #tpu.memory_space<vmem>> -> memref<80x256xf32, #tpu.memory_space<vmem>>
        %get3A_887 = arith.index_cast %scan3A_875 : i32 to index
        %get3A_888 = arith.constant 0 : index
        %get3A_889 = tpu.vector_load %get3A_886[%get3A_887, %get3A_888] {strides = array<i32>} : memref<80x256xf32, #tpu.memory_space<vmem>>, vector<16xf32>,
        %mul3A_890 = arith.mulf %get3A_882, %get3A_889 : vector<16xf32>
        %get3A_891 = arith.constant 0 : i32
        %get3A_892 = arith.constant 0 : i32
        %get3A_893 = tpu.memref_slice %arg9[%scan3A_98, %get3A_891, %get3A_892] : memref<2x80x256xf32, #tpu.memory_space<vmem>> -> memref<1x80x256xf32, #tpu.memory_space<vmem>>
        %get3A_894 = tpu.memref_squeeze %get3A_893 : memref<1x80x256xf32, #tpu.memory_space<vmem>> -> memref<80x256xf32, #tpu.memory_space<vmem>>
        %get3A_895 = arith.index_cast %scan3A_875 : i32 to index
        %get3A_896 = arith.constant 16 : index
        %get3A_897 = tpu.vector_load %get3A_894[%get3A_895, %get3A_896] {strides = array<i32>} : memref<80x256xf32, #tpu.memory_space<vmem>>, vector<16xf32>,
        %get3A_898 = arith.constant 0 : i32
        %get3A_899 = arith.constant 0 : i32
        %get3A_900 = tpu.memref_slice %arg10[%scan3A_99, %get3A_898, %get3A_899] : memref<2x80x256xf32, #tpu.memory_space<vmem>> -> memref<1x80x256xf32, #tpu.memory_space<vmem>>
        %get3A_901 = tpu.memref_squeeze %get3A_900 : memref<1x80x256xf32, #tpu.memory_space<vmem>> -> memref<80x256xf32, #tpu.memory_space<vmem>>
        %get3A_902 = arith.index_cast %scan3A_875 : i32 to index
        %get3A_903 = arith.constant 16 : index
        %get3A_904 = tpu.vector_load %get3A_901[%get3A_902, %get3A_903] {strides = array<i32>} : memref<80x256xf32, #tpu.memory_space<vmem>>, vector<16xf32>,
        %mul3A_905 = arith.mulf %get3A_897, %get3A_904 : vector<16xf32>
        %get3A_906 = arith.constant 0 : i32
        %get3A_907 = arith.constant 0 : i32
        %get3A_908 = tpu.memref_slice %arg9[%scan3A_98, %get3A_906, %get3A_907] : memref<2x80x256xf32, #tpu.memory_space<vmem>> -> memref<1x80x256xf32, #tpu.memory_space<vmem>>
        %get3A_909 = tpu.memref_squeeze %get3A_908 : memref<1x80x256xf32, #tpu.memory_space<vmem>> -> memref<80x256xf32, #tpu.memory_space<vmem>>
        %get3A_910 = arith.index_cast %scan3A_875 : i32 to index
        %get3A_911 = arith.constant 32 : index
        %get3A_912 = tpu.vector_load %get3A_909[%get3A_910, %get3A_911] {strides = array<i32>} : memref<80x256xf32, #tpu.memory_space<vmem>>, vector<16xf32>,
        %get3A_913 = arith.constant 0 : i32
        %get3A_914 = arith.constant 0 : i32
        %get3A_915 = tpu.memref_slice %arg10[%scan3A_99, %get3A_913, %get3A_914] : memref<2x80x256xf32, #tpu.memory_space<vmem>> -> memref<1x80x256xf32, #tpu.memory_space<vmem>>
        %get3A_916 = tpu.memref_squeeze %get3A_915 : memref<1x80x256xf32, #tpu.memory_space<vmem>> -> memref<80x256xf32, #tpu.memory_space<vmem>>
        %get3A_917 = arith.index_cast %scan3A_875 : i32 to index
        %get3A_918 = arith.constant 32 : index
        %get3A_919 = tpu.vector_load %get3A_916[%get3A_917, %get3A_918] {strides = array<i32>} : memref<80x256xf32, #tpu.memory_space<vmem>>, vector<16xf32>,
        %mul3A_920 = arith.mulf %get3A_912, %get3A_919 : vector<16xf32>
        %get3A_921 = arith.constant 0 : i32
        %get3A_922 = arith.constant 0 : i32
        %get3A_923 = tpu.memref_slice %arg9[%scan3A_98, %get3A_921, %get3A_922] : memref<2x80x256xf32, #tpu.memory_space<vmem>> -> memref<1x80x256xf32, #tpu.memory_space<vmem>>
        %get3A_924 = tpu.memref_squeeze %get3A_923 : memref<1x80x256xf32, #tpu.memory_space<vmem>> -> memref<80x256xf32, #tpu.memory_space<vmem>>
        %get3A_925 = arith.index_cast %scan3A_875 : i32 to index
        %get3A_926 = arith.constant 48 : index
        %get3A_927 = tpu.vector_load %get3A_924[%get3A_925, %get3A_926] {strides = array<i32>} : memref<80x256xf32, #tpu.memory_space<vmem>>, vector<16xf32>,
        %get3A_928 = arith.constant 0 : i32
        %get3A_929 = arith.constant 0 : i32
        %get3A_930 = tpu.memref_slice %arg10[%scan3A_99, %get3A_928, %get3A_929] : memref<2x80x256xf32, #tpu.memory_space<vmem>> -> memref<1x80x256xf32, #tpu.memory_space<vmem>>
        %get3A_931 = tpu.memref_squeeze %get3A_930 : memref<1x80x256xf32, #tpu.memory_space<vmem>> -> memref<80x256xf32, #tpu.memory_space<vmem>>
        %get3A_932 = arith.index_cast %scan3A_875 : i32 to index
        %get3A_933 = arith.constant 48 : index
        %get3A_934 = tpu.vector_load %get3A_931[%get3A_932, %get3A_933] {strides = array<i32>} : memref<80x256xf32, #tpu.memory_space<vmem>>, vector<16xf32>,
        %mul3A_935 = arith.mulf %get3A_927, %get3A_934 : vector<16xf32>
        %get3A_936 = arith.constant 0 : i32
        %get3A_937 = arith.constant 0 : i32
        %get3A_938 = tpu.memref_slice %arg9[%scan3A_98, %get3A_936, %get3A_937] : memref<2x80x256xf32, #tpu.memory_space<vmem>> -> memref<1x80x256xf32, #tpu.memory_space<vmem>>
        %get3A_939 = tpu.memref_squeeze %get3A_938 : memref<1x80x256xf32, #tpu.memory_space<vmem>> -> memref<80x256xf32, #tpu.memory_space<vmem>>
        %get3A_940 = arith.index_cast %scan3A_875 : i32 to index
        %get3A_941 = arith.constant 64 : index
        %get3A_942 = tpu.vector_load %get3A_939[%get3A_940, %get3A_941] {strides = array<i32>} : memref<80x256xf32, #tpu.memory_space<vmem>>, vector<16xf32>,
        %get3A_943 = arith.constant 0 : i32
        %get3A_944 = arith.constant 0 : i32
        %get3A_945 = tpu.memref_slice %arg10[%scan3A_99, %get3A_943, %get3A_944] : memref<2x80x256xf32, #tpu.memory_space<vmem>> -> memref<1x80x256xf32, #tpu.memory_space<vmem>>
        %get3A_946 = tpu.memref_squeeze %get3A_945 : memref<1x80x256xf32, #tpu.memory_space<vmem>> -> memref<80x256xf32, #tpu.memory_space<vmem>>
        %get3A_947 = arith.index_cast %scan3A_875 : i32 to index
        %get3A_948 = arith.constant 64 : index
        %get3A_949 = tpu.vector_load %get3A_946[%get3A_947, %get3A_948] {strides = array<i32>} : memref<80x256xf32, #tpu.memory_space<vmem>>, vector<16xf32>,
        %mul3A_950 = arith.mulf %get3A_942, %get3A_949 : vector<16xf32>
        %get3A_951 = arith.constant 0 : i32
        %get3A_952 = arith.constant 0 : i32
        %get3A_953 = tpu.memref_slice %arg9[%scan3A_98, %get3A_951, %get3A_952] : memref<2x80x256xf32, #tpu.memory_space<vmem>> -> memref<1x80x256xf32, #tpu.memory_space<vmem>>
        %get3A_954 = tpu.memref_squeeze %get3A_953 : memref<1x80x256xf32, #tpu.memory_space<vmem>> -> memref<80x256xf32, #tpu.memory_space<vmem>>
        %get3A_955 = arith.index_cast %scan3A_875 : i32 to index
        %get3A_956 = arith.constant 80 : index
        %get3A_957 = tpu.vector_load %get3A_954[%get3A_955, %get3A_956] {strides = array<i32>} : memref<80x256xf32, #tpu.memory_space<vmem>>, vector<16xf32>,
        %get3A_958 = arith.constant 0 : i32
        %get3A_959 = arith.constant 0 : i32
        %get3A_960 = tpu.memref_slice %arg10[%scan3A_99, %get3A_958, %get3A_959] : memref<2x80x256xf32, #tpu.memory_space<vmem>> -> memref<1x80x256xf32, #tpu.memory_space<vmem>>
        %get3A_961 = tpu.memref_squeeze %get3A_960 : memref<1x80x256xf32, #tpu.memory_space<vmem>> -> memref<80x256xf32, #tpu.memory_space<vmem>>
        %get3A_962 = arith.index_cast %scan3A_875 : i32 to index
        %get3A_963 = arith.constant 80 : index
        %get3A_964 = tpu.vector_load %get3A_961[%get3A_962, %get3A_963] {strides = array<i32>} : memref<80x256xf32, #tpu.memory_space<vmem>>, vector<16xf32>,
        %mul3A_965 = arith.mulf %get3A_957, %get3A_964 : vector<16xf32>
        %get3A_966 = arith.constant 0 : i32
        %get3A_967 = arith.constant 0 : i32
        %get3A_968 = tpu.memref_slice %arg9[%scan3A_98, %get3A_966, %get3A_967] : memref<2x80x256xf32, #tpu.memory_space<vmem>> -> memref<1x80x256xf32, #tpu.memory_space<vmem>>
        %get3A_969 = tpu.memref_squeeze %get3A_968 : memref<1x80x256xf32, #tpu.memory_space<vmem>> -> memref<80x256xf32, #tpu.memory_space<vmem>>
        %get3A_970 = arith.index_cast %scan3A_875 : i32 to index
        %get3A_971 = arith.constant 96 : index
        %get3A_972 = tpu.vector_load %get3A_969[%get3A_970, %get3A_971] {strides = array<i32>} : memref<80x256xf32, #tpu.memory_space<vmem>>, vector<16xf32>,
        %get3A_973 = arith.constant 0 : i32
        %get3A_974 = arith.constant 0 : i32
        %get3A_975 = tpu.memref_slice %arg10[%scan3A_99, %get3A_973, %get3A_974] : memref<2x80x256xf32, #tpu.memory_space<vmem>> -> memref<1x80x256xf32, #tpu.memory_space<vmem>>
        %get3A_976 = tpu.memref_squeeze %get3A_975 : memref<1x80x256xf32, #tpu.memory_space<vmem>> -> memref<80x256xf32, #tpu.memory_space<vmem>>
        %get3A_977 = arith.index_cast %scan3A_875 : i32 to index
        %get3A_978 = arith.constant 96 : index
        %get3A_979 = tpu.vector_load %get3A_976[%get3A_977, %get3A_978] {strides = array<i32>} : memref<80x256xf32, #tpu.memory_space<vmem>>, vector<16xf32>,
        %mul3A_980 = arith.mulf %get3A_972, %get3A_979 : vector<16xf32>
        %get3A_981 = arith.constant 0 : i32
        %get3A_982 = arith.constant 0 : i32
        %get3A_983 = tpu.memref_slice %arg9[%scan3A_98, %get3A_981, %get3A_982] : memref<2x80x256xf32, #tpu.memory_space<vmem>> -> memref<1x80x256xf32, #tpu.memory_space<vmem>>
        %get3A_984 = tpu.memref_squeeze %get3A_983 : memref<1x80x256xf32, #tpu.memory_space<vmem>> -> memref<80x256xf32, #tpu.memory_space<vmem>>
        %get3A_985 = arith.index_cast %scan3A_875 : i32 to index
        %get3A_986 = arith.constant 112 : index
        %get3A_987 = tpu.vector_load %get3A_984[%get3A_985, %get3A_986] {strides = array<i32>} : memref<80x256xf32, #tpu.memory_space<vmem>>, vector<16xf32>,
        %get3A_988 = arith.constant 0 : i32
        %get3A_989 = arith.constant 0 : i32
        %get3A_990 = tpu.memref_slice %arg10[%scan3A_99, %get3A_988, %get3A_989] : memref<2x80x256xf32, #tpu.memory_space<vmem>> -> memref<1x80x256xf32, #tpu.memory_space<vmem>>
        %get3A_991 = tpu.memref_squeeze %get3A_990 : memref<1x80x256xf32, #tpu.memory_space<vmem>> -> memref<80x256xf32, #tpu.memory_space<vmem>>
        %get3A_992 = arith.index_cast %scan3A_875 : i32 to index
        %get3A_993 = arith.constant 112 : index
        %get3A_994 = tpu.vector_load %get3A_991[%get3A_992, %get3A_993] {strides = array<i32>} : memref<80x256xf32, #tpu.memory_space<vmem>>, vector<16xf32>,
        %mul3A_995 = arith.mulf %get3A_987, %get3A_994 : vector<16xf32>
        %get3A_996 = arith.constant 0 : i32
        %get3A_997 = arith.constant 0 : i32
        %get3A_998 = tpu.memref_slice %arg9[%scan3A_98, %get3A_996, %get3A_997] : memref<2x80x256xf32, #tpu.memory_space<vmem>> -> memref<1x80x256xf32, #tpu.memory_space<vmem>>
        %get3A_999 = tpu.memref_squeeze %get3A_998 : memref<1x80x256xf32, #tpu.memory_space<vmem>> -> memref<80x256xf32, #tpu.memory_space<vmem>>
        %get3A_1000 = arith.index_cast %scan3A_875 : i32 to index
        %get3A_1001 = arith.constant 128 : index
        %get3A_1002 = tpu.vector_load %get3A_999[%get3A_1000, %get3A_1001] {strides = array<i32>} : memref<80x256xf32, #tpu.memory_space<vmem>>, vector<16xf32>,
        %get3A_1003 = arith.constant 0 : i32
        %get3A_1004 = arith.constant 0 : i32
        %get3A_1005 = tpu.memref_slice %arg10[%scan3A_99, %get3A_1003, %get3A_1004] : memref<2x80x256xf32, #tpu.memory_space<vmem>> -> memref<1x80x256xf32, #tpu.memory_space<vmem>>
        %get3A_1006 = tpu.memref_squeeze %get3A_1005 : memref<1x80x256xf32, #tpu.memory_space<vmem>> -> memref<80x256xf32, #tpu.memory_space<vmem>>
        %get3A_1007 = arith.index_cast %scan3A_875 : i32 to index
        %get3A_1008 = arith.constant 128 : index
        %get3A_1009 = tpu.vector_load %get3A_1006[%get3A_1007, %get3A_1008] {strides = array<i32>} : memref<80x256xf32, #tpu.memory_space<vmem>>, vector<16xf32>,
        %mul3A_1010 = arith.mulf %get3A_1002, %get3A_1009 : vector<16xf32>
        %get3A_1011 = arith.constant 0 : i32
        %get3A_1012 = arith.constant 0 : i32
        %get3A_1013 = tpu.memref_slice %arg9[%scan3A_98, %get3A_1011, %get3A_1012] : memref<2x80x256xf32, #tpu.memory_space<vmem>> -> memref<1x80x256xf32, #tpu.memory_space<vmem>>
        %get3A_1014 = tpu.memref_squeeze %get3A_1013 : memref<1x80x256xf32, #tpu.memory_space<vmem>> -> memref<80x256xf32, #tpu.memory_space<vmem>>
        %get3A_1015 = arith.index_cast %scan3A_875 : i32 to index
        %get3A_1016 = arith.constant 144 : index
        %get3A_1017 = tpu.vector_load %get3A_1014[%get3A_1015, %get3A_1016] {strides = array<i32>} : memref<80x256xf32, #tpu.memory_space<vmem>>, vector<16xf32>,
        %get3A_1018 = arith.constant 0 : i32
        %get3A_1019 = arith.constant 0 : i32
        %get3A_1020 = tpu.memref_slice %arg10[%scan3A_99, %get3A_1018, %get3A_1019] : memref<2x80x256xf32, #tpu.memory_space<vmem>> -> memref<1x80x256xf32, #tpu.memory_space<vmem>>
        %get3A_1021 = tpu.memref_squeeze %get3A_1020 : memref<1x80x256xf32, #tpu.memory_space<vmem>> -> memref<80x256xf32, #tpu.memory_space<vmem>>
        %get3A_1022 = arith.index_cast %scan3A_875 : i32 to index
        %get3A_1023 = arith.constant 144 : index
        %get3A_1024 = tpu.vector_load %get3A_1021[%get3A_1022, %get3A_1023] {strides = array<i32>} : memref<80x256xf32, #tpu.memory_space<vmem>>, vector<16xf32>,
        %mul3A_1025 = arith.mulf %get3A_1017, %get3A_1024 : vector<16xf32>
        %get3A_1026 = arith.constant 0 : i32
        %get3A_1027 = arith.constant 0 : i32
        %get3A_1028 = tpu.memref_slice %arg9[%scan3A_98, %get3A_1026, %get3A_1027] : memref<2x80x256xf32, #tpu.memory_space<vmem>> -> memref<1x80x256xf32, #tpu.memory_space<vmem>>
        %get3A_1029 = tpu.memref_squeeze %get3A_1028 : memref<1x80x256xf32, #tpu.memory_space<vmem>> -> memref<80x256xf32, #tpu.memory_space<vmem>>
        %get3A_1030 = arith.index_cast %scan3A_875 : i32 to index
        %get3A_1031 = arith.constant 160 : index
        %get3A_1032 = tpu.vector_load %get3A_1029[%get3A_1030, %get3A_1031] {strides = array<i32>} : memref<80x256xf32, #tpu.memory_space<vmem>>, vector<16xf32>,
        %get3A_1033 = arith.constant 0 : i32
        %get3A_1034 = arith.constant 0 : i32
        %get3A_1035 = tpu.memref_slice %arg10[%scan3A_99, %get3A_1033, %get3A_1034] : memref<2x80x256xf32, #tpu.memory_space<vmem>> -> memref<1x80x256xf32, #tpu.memory_space<vmem>>
        %get3A_1036 = tpu.memref_squeeze %get3A_1035 : memref<1x80x256xf32, #tpu.memory_space<vmem>> -> memref<80x256xf32, #tpu.memory_space<vmem>>
        %get3A_1037 = arith.index_cast %scan3A_875 : i32 to index
        %get3A_1038 = arith.constant 160 : index
        %get3A_1039 = tpu.vector_load %get3A_1036[%get3A_1037, %get3A_1038] {strides = array<i32>} : memref<80x256xf32, #tpu.memory_space<vmem>>, vector<16xf32>,
        %mul3A_1040 = arith.mulf %get3A_1032, %get3A_1039 : vector<16xf32>
        %get3A_1041 = arith.constant 0 : i32
        %get3A_1042 = arith.constant 0 : i32
        %get3A_1043 = tpu.memref_slice %arg9[%scan3A_98, %get3A_1041, %get3A_1042] : memref<2x80x256xf32, #tpu.memory_space<vmem>> -> memref<1x80x256xf32, #tpu.memory_space<vmem>>
        %get3A_1044 = tpu.memref_squeeze %get3A_1043 : memref<1x80x256xf32, #tpu.memory_space<vmem>> -> memref<80x256xf32, #tpu.memory_space<vmem>>
        %get3A_1045 = arith.index_cast %scan3A_875 : i32 to index
        %get3A_1046 = arith.constant 176 : index
        %get3A_1047 = tpu.vector_load %get3A_1044[%get3A_1045, %get3A_1046] {strides = array<i32>} : memref<80x256xf32, #tpu.memory_space<vmem>>, vector<16xf32>,
        %get3A_1048 = arith.constant 0 : i32
        %get3A_1049 = arith.constant 0 : i32
        %get3A_1050 = tpu.memref_slice %arg10[%scan3A_99, %get3A_1048, %get3A_1049] : memref<2x80x256xf32, #tpu.memory_space<vmem>> -> memref<1x80x256xf32, #tpu.memory_space<vmem>>
        %get3A_1051 = tpu.memref_squeeze %get3A_1050 : memref<1x80x256xf32, #tpu.memory_space<vmem>> -> memref<80x256xf32, #tpu.memory_space<vmem>>
        %get3A_1052 = arith.index_cast %scan3A_875 : i32 to index
        %get3A_1053 = arith.constant 176 : index
        %get3A_1054 = tpu.vector_load %get3A_1051[%get3A_1052, %get3A_1053] {strides = array<i32>} : memref<80x256xf32, #tpu.memory_space<vmem>>, vector<16xf32>,
        %mul3A_1055 = arith.mulf %get3A_1047, %get3A_1054 : vector<16xf32>
        %get3A_1056 = arith.constant 0 : i32
        %get3A_1057 = arith.constant 0 : i32
        %get3A_1058 = tpu.memref_slice %arg9[%scan3A_98, %get3A_1056, %get3A_1057] : memref<2x80x256xf32, #tpu.memory_space<vmem>> -> memref<1x80x256xf32, #tpu.memory_space<vmem>>
        %get3A_1059 = tpu.memref_squeeze %get3A_1058 : memref<1x80x256xf32, #tpu.memory_space<vmem>> -> memref<80x256xf32, #tpu.memory_space<vmem>>
        %get3A_1060 = arith.index_cast %scan3A_875 : i32 to index
        %get3A_1061 = arith.constant 192 : index
        %get3A_1062 = tpu.vector_load %get3A_1059[%get3A_1060, %get3A_1061] {strides = array<i32>} : memref<80x256xf32, #tpu.memory_space<vmem>>, vector<16xf32>,
        %get3A_1063 = arith.constant 0 : i32
        %get3A_1064 = arith.constant 0 : i32
        %get3A_1065 = tpu.memref_slice %arg10[%scan3A_99, %get3A_1063, %get3A_1064] : memref<2x80x256xf32, #tpu.memory_space<vmem>> -> memref<1x80x256xf32, #tpu.memory_space<vmem>>
        %get3A_1066 = tpu.memref_squeeze %get3A_1065 : memref<1x80x256xf32, #tpu.memory_space<vmem>> -> memref<80x256xf32, #tpu.memory_space<vmem>>
        %get3A_1067 = arith.index_cast %scan3A_875 : i32 to index
        %get3A_1068 = arith.constant 192 : index
        %get3A_1069 = tpu.vector_load %get3A_1066[%get3A_1067, %get3A_1068] {strides = array<i32>} : memref<80x256xf32, #tpu.memory_space<vmem>>, vector<16xf32>,
        %mul3A_1070 = arith.mulf %get3A_1062, %get3A_1069 : vector<16xf32>
        %get3A_1071 = arith.constant 0 : i32
        %get3A_1072 = arith.constant 0 : i32
        %get3A_1073 = tpu.memref_slice %arg9[%scan3A_98, %get3A_1071, %get3A_1072] : memref<2x80x256xf32, #tpu.memory_space<vmem>> -> memref<1x80x256xf32, #tpu.memory_space<vmem>>
        %get3A_1074 = tpu.memref_squeeze %get3A_1073 : memref<1x80x256xf32, #tpu.memory_space<vmem>> -> memref<80x256xf32, #tpu.memory_space<vmem>>
        %get3A_1075 = arith.index_cast %scan3A_875 : i32 to index
        %get3A_1076 = arith.constant 208 : index
        %get3A_1077 = tpu.vector_load %get3A_1074[%get3A_1075, %get3A_1076] {strides = array<i32>} : memref<80x256xf32, #tpu.memory_space<vmem>>, vector<16xf32>,
        %get3A_1078 = arith.constant 0 : i32
        %get3A_1079 = arith.constant 0 : i32
        %get3A_1080 = tpu.memref_slice %arg10[%scan3A_99, %get3A_1078, %get3A_1079] : memref<2x80x256xf32, #tpu.memory_space<vmem>> -> memref<1x80x256xf32, #tpu.memory_space<vmem>>
        %get3A_1081 = tpu.memref_squeeze %get3A_1080 : memref<1x80x256xf32, #tpu.memory_space<vmem>> -> memref<80x256xf32, #tpu.memory_space<vmem>>
        %get3A_1082 = arith.index_cast %scan3A_875 : i32 to index
        %get3A_1083 = arith.constant 208 : index
        %get3A_1084 = tpu.vector_load %get3A_1081[%get3A_1082, %get3A_1083] {strides = array<i32>} : memref<80x256xf32, #tpu.memory_space<vmem>>, vector<16xf32>,
        %mul3A_1085 = arith.mulf %get3A_1077, %get3A_1084 : vector<16xf32>
        %get3A_1086 = arith.constant 0 : i32
        %get3A_1087 = arith.constant 0 : i32
        %get3A_1088 = tpu.memref_slice %arg9[%scan3A_98, %get3A_1086, %get3A_1087] : memref<2x80x256xf32, #tpu.memory_space<vmem>> -> memref<1x80x256xf32, #tpu.memory_space<vmem>>
        %get3A_1089 = tpu.memref_squeeze %get3A_1088 : memref<1x80x256xf32, #tpu.memory_space<vmem>> -> memref<80x256xf32, #tpu.memory_space<vmem>>
        %get3A_1090 = arith.index_cast %scan3A_875 : i32 to index
        %get3A_1091 = arith.constant 224 : index
        %get3A_1092 = tpu.vector_load %get3A_1089[%get3A_1090, %get3A_1091] {strides = array<i32>} : memref<80x256xf32, #tpu.memory_space<vmem>>, vector<16xf32>,
        %get3A_1093 = arith.constant 0 : i32
        %get3A_1094 = arith.constant 0 : i32
        %get3A_1095 = tpu.memref_slice %arg10[%scan3A_99, %get3A_1093, %get3A_1094] : memref<2x80x256xf32, #tpu.memory_space<vmem>> -> memref<1x80x256xf32, #tpu.memory_space<vmem>>
        %get3A_1096 = tpu.memref_squeeze %get3A_1095 : memref<1x80x256xf32, #tpu.memory_space<vmem>> -> memref<80x256xf32, #tpu.memory_space<vmem>>
        %get3A_1097 = arith.index_cast %scan3A_875 : i32 to index
        %get3A_1098 = arith.constant 224 : index
        %get3A_1099 = tpu.vector_load %get3A_1096[%get3A_1097, %get3A_1098] {strides = array<i32>} : memref<80x256xf32, #tpu.memory_space<vmem>>, vector<16xf32>,
        %mul3A_1100 = arith.mulf %get3A_1092, %get3A_1099 : vector<16xf32>
        %get3A_1101 = arith.constant 0 : i32
        %get3A_1102 = arith.constant 0 : i32
        %get3A_1103 = tpu.memref_slice %arg9[%scan3A_98, %get3A_1101, %get3A_1102] : memref<2x80x256xf32, #tpu.memory_space<vmem>> -> memref<1x80x256xf32, #tpu.memory_space<vmem>>
        %get3A_1104 = tpu.memref_squeeze %get3A_1103 : memref<1x80x256xf32, #tpu.memory_space<vmem>> -> memref<80x256xf32, #tpu.memory_space<vmem>>
        %get3A_1105 = arith.index_cast %scan3A_875 : i32 to index
        %get3A_1106 = arith.constant 240 : index
        %get3A_1107 = tpu.vector_load %get3A_1104[%get3A_1105, %get3A_1106] {strides = array<i32>} : memref<80x256xf32, #tpu.memory_space<vmem>>, vector<16xf32>,
        %get3A_1108 = arith.constant 0 : i32
        %get3A_1109 = arith.constant 0 : i32
        %get3A_1110 = tpu.memref_slice %arg10[%scan3A_99, %get3A_1108, %get3A_1109] : memref<2x80x256xf32, #tpu.memory_space<vmem>> -> memref<1x80x256xf32, #tpu.memory_space<vmem>>
        %get3A_1111 = tpu.memref_squeeze %get3A_1110 : memref<1x80x256xf32, #tpu.memory_space<vmem>> -> memref<80x256xf32, #tpu.memory_space<vmem>>
        %get3A_1112 = arith.index_cast %scan3A_875 : i32 to index
        %get3A_1113 = arith.constant 240 : index
        %get3A_1114 = tpu.vector_load %get3A_1111[%get3A_1112, %get3A_1113] {strides = array<i32>} : memref<80x256xf32, #tpu.memory_space<vmem>>, vector<16xf32>,
        %mul3A_1115 = arith.mulf %get3A_1107, %get3A_1114 : vector<16xf32>
        %add3A_1116 = arith.addf %mul3A_890, %mul3A_905 : vector<16xf32>
        %add3A_1117 = arith.addf %mul3A_920, %mul3A_935 : vector<16xf32>
        %add3A_1118 = arith.addf %mul3A_950, %mul3A_965 : vector<16xf32>
        %add3A_1119 = arith.addf %mul3A_980, %mul3A_995 : vector<16xf32>
        %add3A_1120 = arith.addf %mul3A_1010, %mul3A_1025 : vector<16xf32>
        %add3A_1121 = arith.addf %mul3A_1040, %mul3A_1055 : vector<16xf32>
        %add3A_1122 = arith.addf %mul3A_1070, %mul3A_1085 : vector<16xf32>
        %add3A_1123 = arith.addf %mul3A_1100, %mul3A_1115 : vector<16xf32>
        %add3A_1124 = arith.addf %add3A_1116, %add3A_1117 : vector<16xf32>
        %add3A_1125 = arith.addf %add3A_1118, %add3A_1119 : vector<16xf32>
        %add3A_1126 = arith.addf %add3A_1120, %add3A_1121 : vector<16xf32>
        %add3A_1127 = arith.addf %add3A_1122, %add3A_1123 : vector<16xf32>
        %add3A_1128 = arith.addf %add3A_1124, %add3A_1125 : vector<16xf32>
        %add3A_1129 = arith.addf %add3A_1126, %add3A_1127 : vector<16xf32>
        %add3A_1130 = arith.addf %add3A_1128, %add3A_1129 : vector<16xf32>
        %swap3A_1131 = arith.index_cast %scan3A_875 : i32 to index
        %swap3A_1132 = arith.constant 0 : index
        %swap3A_1133 = tpu.vector_load %arg11[%swap3A_1131, %swap3A_1132] {strides = array<i32>} : memref<80x16xf32, #tpu.memory_space<vmem>>, vector<16xf32>,
        tpu.vector_store %arg11[%swap3A_1131, %swap3A_1132], %add3A_1130 {strides = array<i32>} : memref<80x16xf32, #tpu.memory_space<vmem>>, vector<16xf32>,
        %scan3A_1134 = arith.constant 0 : i32
        scf.yield %scan3A_1134 : i32
      }
      %scan3A_106 = arith.constant 80 : i32
      %iota3A = tpu.iota {dimensions = array<i32: 0>} : vector<16xi32>
      %add3A_107 = arith.constant 0 : i32
      %add3A_108 = vector.broadcast %add3A_107 : i32 to vector<16xi32>
      %add3A_109 = arith.addi %iota3A, %add3A_108 : vector<16xi32>
      %broadcast_in_dim3A = arith.constant 0 : i32
      %broadcast_in_dim3A_110 = vector.broadcast %broadcast_in_dim3A : i32 to vector<16xi32>
      %gather3A = tpu.vector_load_idx %arg11[%add3A_109, %broadcast_in_dim3A_110] : memref<80x16xf32, #tpu.memory_space<vmem>>[vector<16xi32>, vector<16xi32>], vector<16xf32>,
      %broadcast_in_dim3A_111 = arith.constant 1 : i32
      %broadcast_in_dim3A_112 = vector.broadcast %broadcast_in_dim3A_111 : i32 to vector<16xi32>
      %gather3A_113 = tpu.vector_load_idx %arg11[%add3A_109, %broadcast_in_dim3A_112] : memref<80x16xf32, #tpu.memory_space<vmem>>[vector<16xi32>, vector<16xi32>], vector<16xf32>,
      %broadcast_in_dim3A_114 = arith.constant 2 : i32
      %broadcast_in_dim3A_115 = vector.broadcast %broadcast_in_dim3A_114 : i32 to vector<16xi32>
      %gather3A_116 = tpu.vector_load_idx %arg11[%add3A_109, %broadcast_in_dim3A_115] : memref<80x16xf32, #tpu.memory_space<vmem>>[vector<16xi32>, vector<16xi32>], vector<16xf32>,
      %broadcast_in_dim3A_117 = arith.constant 3 : i32
      %broadcast_in_dim3A_118 = vector.broadcast %broadcast_in_dim3A_117 : i32 to vector<16xi32>
      %gather3A_119 = tpu.vector_load_idx %arg11[%add3A_109, %broadcast_in_dim3A_118] : memref<80x16xf32, #tpu.memory_space<vmem>>[vector<16xi32>, vector<16xi32>], vector<16xf32>,
      %broadcast_in_dim3A_120 = arith.constant 4 : i32
      %broadcast_in_dim3A_121 = vector.broadcast %broadcast_in_dim3A_120 : i32 to vector<16xi32>
      %gather3A_122 = tpu.vector_load_idx %arg11[%add3A_109, %broadcast_in_dim3A_121] : memref<80x16xf32, #tpu.memory_space<vmem>>[vector<16xi32>, vector<16xi32>], vector<16xf32>,
      %broadcast_in_dim3A_123 = arith.constant 5 : i32
      %broadcast_in_dim3A_124 = vector.broadcast %broadcast_in_dim3A_123 : i32 to vector<16xi32>
      %gather3A_125 = tpu.vector_load_idx %arg11[%add3A_109, %broadcast_in_dim3A_124] : memref<80x16xf32, #tpu.memory_space<vmem>>[vector<16xi32>, vector<16xi32>], vector<16xf32>,
      %broadcast_in_dim3A_126 = arith.constant 6 : i32
      %broadcast_in_dim3A_127 = vector.broadcast %broadcast_in_dim3A_126 : i32 to vector<16xi32>
      %gather3A_128 = tpu.vector_load_idx %arg11[%add3A_109, %broadcast_in_dim3A_127] : memref<80x16xf32, #tpu.memory_space<vmem>>[vector<16xi32>, vector<16xi32>], vector<16xf32>,
      %broadcast_in_dim3A_129 = arith.constant 7 : i32
      %broadcast_in_dim3A_130 = vector.broadcast %broadcast_in_dim3A_129 : i32 to vector<16xi32>
      %gather3A_131 = tpu.vector_load_idx %arg11[%add3A_109, %broadcast_in_dim3A_130] : memref<80x16xf32, #tpu.memory_space<vmem>>[vector<16xi32>, vector<16xi32>], vector<16xf32>,
      %broadcast_in_dim3A_132 = arith.constant 8 : i32
      %broadcast_in_dim3A_133 = vector.broadcast %broadcast_in_dim3A_132 : i32 to vector<16xi32>
      %gather3A_134 = tpu.vector_load_idx %arg11[%add3A_109, %broadcast_in_dim3A_133] : memref<80x16xf32, #tpu.memory_space<vmem>>[vector<16xi32>, vector<16xi32>], vector<16xf32>,
      %broadcast_in_dim3A_135 = arith.constant 9 : i32
      %broadcast_in_dim3A_136 = vector.broadcast %broadcast_in_dim3A_135 : i32 to vector<16xi32>
      %gather3A_137 = tpu.vector_load_idx %arg11[%add3A_109, %broadcast_in_dim3A_136] : memref<80x16xf32, #tpu.memory_space<vmem>>[vector<16xi32>, vector<16xi32>], vector<16xf32>,
      %broadcast_in_dim3A_138 = arith.constant 10 : i32
      %broadcast_in_dim3A_139 = vector.broadcast %broadcast_in_dim3A_138 : i32 to vector<16xi32>
      %gather3A_140 = tpu.vector_load_idx %arg11[%add3A_109, %broadcast_in_dim3A_139] : memref<80x16xf32, #tpu.memory_space<vmem>>[vector<16xi32>, vector<16xi32>], vector<16xf32>,
      %broadcast_in_dim3A_141 = arith.constant 11 : i32
      %broadcast_in_dim3A_142 = vector.broadcast %broadcast_in_dim3A_141 : i32 to vector<16xi32>
      %gather3A_143 = tpu.vector_load_idx %arg11[%add3A_109, %broadcast_in_dim3A_142] : memref<80x16xf32, #tpu.memory_space<vmem>>[vector<16xi32>, vector<16xi32>], vector<16xf32>,
      %broadcast_in_dim3A_144 = arith.constant 12 : i32
      %broadcast_in_dim3A_145 = vector.broadcast %broadcast_in_dim3A_144 : i32 to vector<16xi32>
      %gather3A_146 = tpu.vector_load_idx %arg11[%add3A_109, %broadcast_in_dim3A_145] : memref<80x16xf32, #tpu.memory_space<vmem>>[vector<16xi32>, vector<16xi32>], vector<16xf32>,
      %broadcast_in_dim3A_147 = arith.constant 13 : i32
      %broadcast_in_dim3A_148 = vector.broadcast %broadcast_in_dim3A_147 : i32 to vector<16xi32>
      %gather3A_149 = tpu.vector_load_idx %arg11[%add3A_109, %broadcast_in_dim3A_148] : memref<80x16xf32, #tpu.memory_space<vmem>>[vector<16xi32>, vector<16xi32>], vector<16xf32>,
      %broadcast_in_dim3A_150 = arith.constant 14 : i32
      %broadcast_in_dim3A_151 = vector.broadcast %broadcast_in_dim3A_150 : i32 to vector<16xi32>
      %gather3A_152 = tpu.vector_load_idx %arg11[%add3A_109, %broadcast_in_dim3A_151] : memref<80x16xf32, #tpu.memory_space<vmem>>[vector<16xi32>, vector<16xi32>], vector<16xf32>,
      %broadcast_in_dim3A_153 = arith.constant 15 : i32
      %broadcast_in_dim3A_154 = vector.broadcast %broadcast_in_dim3A_153 : i32 to vector<16xi32>
      %gather3A_155 = tpu.vector_load_idx %arg11[%add3A_109, %broadcast_in_dim3A_154] : memref<80x16xf32, #tpu.memory_space<vmem>>[vector<16xi32>, vector<16xi32>], vector<16xf32>,
      %add3A_156 = arith.addf %gather3A, %gather3A_113 : vector<16xf32>
      %add3A_157 = arith.addf %gather3A_116, %gather3A_119 : vector<16xf32>
      %add3A_158 = arith.addf %gather3A_122, %gather3A_125 : vector<16xf32>
      %add3A_159 = arith.addf %gather3A_128, %gather3A_131 : vector<16xf32>
      %add3A_160 = arith.addf %gather3A_134, %gather3A_137 : vector<16xf32>
      %add3A_161 = arith.addf %gather3A_140, %gather3A_143 : vector<16xf32>
      %add3A_162 = arith.addf %gather3A_146, %gather3A_149 : vector<16xf32>
      %add3A_163 = arith.addf %gather3A_152, %gather3A_155 : vector<16xf32>
      %add3A_164 = arith.addf %add3A_156, %add3A_157 : vector<16xf32>
      %add3A_165 = arith.addf %add3A_158, %add3A_159 : vector<16xf32>
      %add3A_166 = arith.addf %add3A_160, %add3A_161 : vector<16xf32>
      %add3A_167 = arith.addf %add3A_162, %add3A_163 : vector<16xf32>
      %add3A_168 = arith.addf %add3A_164, %add3A_165 : vector<16xf32>
      %add3A_169 = arith.addf %add3A_166, %add3A_167 : vector<16xf32>
      %add3A_170 = arith.addf %add3A_168, %add3A_169 : vector<16xf32>
      %mul3A_171 = arith.constant 80 : i32
      %mul3A_172 = arith.muli %mul3A_52, %mul3A_171 : i32
      %add3A_173 = arith.constant 0 : i32
      %add3A_174 = arith.addi %mul3A_172, %add3A_173 : i32
      %swap3A = arith.index_cast %add3A_174 : i32 to index
      %swap3A_175 = tpu.vector_load %arg12[%swap3A] {strides = array<i32>} : memref<5040xf32, #tpu.memory_space<vmem>>, vector<16xf32>,
      tpu.vector_store %arg12[%swap3A], %add3A_170 {strides = array<i32>} : memref<5040xf32, #tpu.memory_space<vmem>>, vector<16xf32>,
      %iota3A_176 = tpu.iota {dimensions = array<i32: 0>} : vector<16xi32>
      %add3A_177 = arith.constant 16 : i32
      %add3A_178 = vector.broadcast %add3A_177 : i32 to vector<16xi32>
      %add3A_179 = arith.addi %iota3A_176, %add3A_178 : vector<16xi32>
      %broadcast_in_dim3A_180 = arith.constant 0 : i32
      %broadcast_in_dim3A_181 = vector.broadcast %broadcast_in_dim3A_180 : i32 to vector<16xi32>
      %gather3A_182 = tpu.vector_load_idx %arg11[%add3A_179, %broadcast_in_dim3A_181] : memref<80x16xf32, #tpu.memory_space<vmem>>[vector<16xi32>, vector<16xi32>], vector<16xf32>,
      %broadcast_in_dim3A_183 = arith.constant 1 : i32
      %broadcast_in_dim3A_184 = vector.broadcast %broadcast_in_dim3A_183 : i32 to vector<16xi32>
      %gather3A_185 = tpu.vector_load_idx %arg11[%add3A_179, %broadcast_in_dim3A_184] : memref<80x16xf32, #tpu.memory_space<vmem>>[vector<16xi32>, vector<16xi32>], vector<16xf32>,
      %broadcast_in_dim3A_186 = arith.constant 2 : i32
      %broadcast_in_dim3A_187 = vector.broadcast %broadcast_in_dim3A_186 : i32 to vector<16xi32>
      %gather3A_188 = tpu.vector_load_idx %arg11[%add3A_179, %broadcast_in_dim3A_187] : memref<80x16xf32, #tpu.memory_space<vmem>>[vector<16xi32>, vector<16xi32>], vector<16xf32>,
      %broadcast_in_dim3A_189 = arith.constant 3 : i32
      %broadcast_in_dim3A_190 = vector.broadcast %broadcast_in_dim3A_189 : i32 to vector<16xi32>
      %gather3A_191 = tpu.vector_load_idx %arg11[%add3A_179, %broadcast_in_dim3A_190] : memref<80x16xf32, #tpu.memory_space<vmem>>[vector<16xi32>, vector<16xi32>], vector<16xf32>,
      %broadcast_in_dim3A_192 = arith.constant 4 : i32
      %broadcast_in_dim3A_193 = vector.broadcast %broadcast_in_dim3A_192 : i32 to vector<16xi32>
      %gather3A_194 = tpu.vector_load_idx %arg11[%add3A_179, %broadcast_in_dim3A_193] : memref<80x16xf32, #tpu.memory_space<vmem>>[vector<16xi32>, vector<16xi32>], vector<16xf32>,
      %broadcast_in_dim3A_195 = arith.constant 5 : i32
      %broadcast_in_dim3A_196 = vector.broadcast %broadcast_in_dim3A_195 : i32 to vector<16xi32>
      %gather3A_197 = tpu.vector_load_idx %arg11[%add3A_179, %broadcast_in_dim3A_196] : memref<80x16xf32, #tpu.memory_space<vmem>>[vector<16xi32>, vector<16xi32>], vector<16xf32>,
      %broadcast_in_dim3A_198 = arith.constant 6 : i32
      %broadcast_in_dim3A_199 = vector.broadcast %broadcast_in_dim3A_198 : i32 to vector<16xi32>
      %gather3A_200 = tpu.vector_load_idx %arg11[%add3A_179, %broadcast_in_dim3A_199] : memref<80x16xf32, #tpu.memory_space<vmem>>[vector<16xi32>, vector<16xi32>], vector<16xf32>,
      %broadcast_in_dim3A_201 = arith.constant 7 : i32
      %broadcast_in_dim3A_202 = vector.broadcast %broadcast_in_dim3A_201 : i32 to vector<16xi32>
      %gather3A_203 = tpu.vector_load_idx %arg11[%add3A_179, %broadcast_in_dim3A_202] : memref<80x16xf32, #tpu.memory_space<vmem>>[vector<16xi32>, vector<16xi32>], vector<16xf32>,
      %broadcast_in_dim3A_204 = arith.constant 8 : i32
      %broadcast_in_dim3A_205 = vector.broadcast %broadcast_in_dim3A_204 : i32 to vector<16xi32>
      %gather3A_206 = tpu.vector_load_idx %arg11[%add3A_179, %broadcast_in_dim3A_205] : memref<80x16xf32, #tpu.memory_space<vmem>>[vector<16xi32>, vector<16xi32>], vector<16xf32>,
      %broadcast_in_dim3A_207 = arith.constant 9 : i32
      %broadcast_in_dim3A_208 = vector.broadcast %broadcast_in_dim3A_207 : i32 to vector<16xi32>
      %gather3A_209 = tpu.vector_load_idx %arg11[%add3A_179, %broadcast_in_dim3A_208] : memref<80x16xf32, #tpu.memory_space<vmem>>[vector<16xi32>, vector<16xi32>], vector<16xf32>,
      %broadcast_in_dim3A_210 = arith.constant 10 : i32
      %broadcast_in_dim3A_211 = vector.broadcast %broadcast_in_dim3A_210 : i32 to vector<16xi32>
      %gather3A_212 = tpu.vector_load_idx %arg11[%add3A_179, %broadcast_in_dim3A_211] : memref<80x16xf32, #tpu.memory_space<vmem>>[vector<16xi32>, vector<16xi32>], vector<16xf32>,
      %broadcast_in_dim3A_213 = arith.constant 11 : i32
      %broadcast_in_dim3A_214 = vector.broadcast %broadcast_in_dim3A_213 : i32 to vector<16xi32>
      %gather3A_215 = tpu.vector_load_idx %arg11[%add3A_179, %broadcast_in_dim3A_214] : memref<80x16xf32, #tpu.memory_space<vmem>>[vector<16xi32>, vector<16xi32>], vector<16xf32>,
      %broadcast_in_dim3A_216 = arith.constant 12 : i32
      %broadcast_in_dim3A_217 = vector.broadcast %broadcast_in_dim3A_216 : i32 to vector<16xi32>
      %gather3A_218 = tpu.vector_load_idx %arg11[%add3A_179, %broadcast_in_dim3A_217] : memref<80x16xf32, #tpu.memory_space<vmem>>[vector<16xi32>, vector<16xi32>], vector<16xf32>,
      %broadcast_in_dim3A_219 = arith.constant 13 : i32
      %broadcast_in_dim3A_220 = vector.broadcast %broadcast_in_dim3A_219 : i32 to vector<16xi32>
      %gather3A_221 = tpu.vector_load_idx %arg11[%add3A_179, %broadcast_in_dim3A_220] : memref<80x16xf32, #tpu.memory_space<vmem>>[vector<16xi32>, vector<16xi32>], vector<16xf32>,
      %broadcast_in_dim3A_222 = arith.constant 14 : i32
      %broadcast_in_dim3A_223 = vector.broadcast %broadcast_in_dim3A_222 : i32 to vector<16xi32>
      %gather3A_224 = tpu.vector_load_idx %arg11[%add3A_179, %broadcast_in_dim3A_223] : memref<80x16xf32, #tpu.memory_space<vmem>>[vector<16xi32>, vector<16xi32>], vector<16xf32>,
      %broadcast_in_dim3A_225 = arith.constant 15 : i32
      %broadcast_in_dim3A_226 = vector.broadcast %broadcast_in_dim3A_225 : i32 to vector<16xi32>
      %gather3A_227 = tpu.vector_load_idx %arg11[%add3A_179, %broadcast_in_dim3A_226] : memref<80x16xf32, #tpu.memory_space<vmem>>[vector<16xi32>, vector<16xi32>], vector<16xf32>,
      %add3A_228 = arith.addf %gather3A_182, %gather3A_185 : vector<16xf32>
      %add3A_229 = arith.addf %gather3A_188, %gather3A_191 : vector<16xf32>
      %add3A_230 = arith.addf %gather3A_194, %gather3A_197 : vector<16xf32>
      %add3A_231 = arith.addf %gather3A_200, %gather3A_203 : vector<16xf32>
      %add3A_232 = arith.addf %gather3A_206, %gather3A_209 : vector<16xf32>
      %add3A_233 = arith.addf %gather3A_212, %gather3A_215 : vector<16xf32>
      %add3A_234 = arith.addf %gather3A_218, %gather3A_221 : vector<16xf32>
      %add3A_235 = arith.addf %gather3A_224, %gather3A_227 : vector<16xf32>
      %add3A_236 = arith.addf %add3A_228, %add3A_229 : vector<16xf32>
      %add3A_237 = arith.addf %add3A_230, %add3A_231 : vector<16xf32>
      %add3A_238 = arith.addf %add3A_232, %add3A_233 : vector<16xf32>
      %add3A_239 = arith.addf %add3A_234, %add3A_235 : vector<16xf32>
      %add3A_240 = arith.addf %add3A_236, %add3A_237 : vector<16xf32>
      %add3A_241 = arith.addf %add3A_238, %add3A_239 : vector<16xf32>
      %add3A_242 = arith.addf %add3A_240, %add3A_241 : vector<16xf32>
      %mul3A_243 = arith.constant 80 : i32
      %mul3A_244 = arith.muli %mul3A_52, %mul3A_243 : i32
      %add3A_245 = arith.constant 16 : i32
      %add3A_246 = arith.addi %mul3A_244, %add3A_245 : i32
      %swap3A_247 = arith.index_cast %add3A_246 : i32 to index
      %swap3A_248 = tpu.vector_load %arg12[%swap3A_247] {strides = array<i32>} : memref<5040xf32, #tpu.memory_space<vmem>>, vector<16xf32>,
      tpu.vector_store %arg12[%swap3A_247], %add3A_242 {strides = array<i32>} : memref<5040xf32, #tpu.memory_space<vmem>>, vector<16xf32>,
      %iota3A_249 = tpu.iota {dimensions = array<i32: 0>} : vector<16xi32>
      %add3A_250 = arith.constant 32 : i32
      %add3A_251 = vector.broadcast %add3A_250 : i32 to vector<16xi32>
      %add3A_252 = arith.addi %iota3A_249, %add3A_251 : vector<16xi32>
      %broadcast_in_dim3A_253 = arith.constant 0 : i32
      %broadcast_in_dim3A_254 = vector.broadcast %broadcast_in_dim3A_253 : i32 to vector<16xi32>
      %gather3A_255 = tpu.vector_load_idx %arg11[%add3A_252, %broadcast_in_dim3A_254] : memref<80x16xf32, #tpu.memory_space<vmem>>[vector<16xi32>, vector<16xi32>], vector<16xf32>,
      %broadcast_in_dim3A_256 = arith.constant 1 : i32
      %broadcast_in_dim3A_257 = vector.broadcast %broadcast_in_dim3A_256 : i32 to vector<16xi32>
      %gather3A_258 = tpu.vector_load_idx %arg11[%add3A_252, %broadcast_in_dim3A_257] : memref<80x16xf32, #tpu.memory_space<vmem>>[vector<16xi32>, vector<16xi32>], vector<16xf32>,
      %broadcast_in_dim3A_259 = arith.constant 2 : i32
      %broadcast_in_dim3A_260 = vector.broadcast %broadcast_in_dim3A_259 : i32 to vector<16xi32>
      %gather3A_261 = tpu.vector_load_idx %arg11[%add3A_252, %broadcast_in_dim3A_260] : memref<80x16xf32, #tpu.memory_space<vmem>>[vector<16xi32>, vector<16xi32>], vector<16xf32>,
      %broadcast_in_dim3A_262 = arith.constant 3 : i32
      %broadcast_in_dim3A_263 = vector.broadcast %broadcast_in_dim3A_262 : i32 to vector<16xi32>
      %gather3A_264 = tpu.vector_load_idx %arg11[%add3A_252, %broadcast_in_dim3A_263] : memref<80x16xf32, #tpu.memory_space<vmem>>[vector<16xi32>, vector<16xi32>], vector<16xf32>,
      %broadcast_in_dim3A_265 = arith.constant 4 : i32
      %broadcast_in_dim3A_266 = vector.broadcast %broadcast_in_dim3A_265 : i32 to vector<16xi32>
      %gather3A_267 = tpu.vector_load_idx %arg11[%add3A_252, %broadcast_in_dim3A_266] : memref<80x16xf32, #tpu.memory_space<vmem>>[vector<16xi32>, vector<16xi32>], vector<16xf32>,
      %broadcast_in_dim3A_268 = arith.constant 5 : i32
      %broadcast_in_dim3A_269 = vector.broadcast %broadcast_in_dim3A_268 : i32 to vector<16xi32>
      %gather3A_270 = tpu.vector_load_idx %arg11[%add3A_252, %broadcast_in_dim3A_269] : memref<80x16xf32, #tpu.memory_space<vmem>>[vector<16xi32>, vector<16xi32>], vector<16xf32>,
      %broadcast_in_dim3A_271 = arith.constant 6 : i32
      %broadcast_in_dim3A_272 = vector.broadcast %broadcast_in_dim3A_271 : i32 to vector<16xi32>
      %gather3A_273 = tpu.vector_load_idx %arg11[%add3A_252, %broadcast_in_dim3A_272] : memref<80x16xf32, #tpu.memory_space<vmem>>[vector<16xi32>, vector<16xi32>], vector<16xf32>,
      %broadcast_in_dim3A_274 = arith.constant 7 : i32
      %broadcast_in_dim3A_275 = vector.broadcast %broadcast_in_dim3A_274 : i32 to vector<16xi32>
      %gather3A_276 = tpu.vector_load_idx %arg11[%add3A_252, %broadcast_in_dim3A_275] : memref<80x16xf32, #tpu.memory_space<vmem>>[vector<16xi32>, vector<16xi32>], vector<16xf32>,
      %broadcast_in_dim3A_277 = arith.constant 8 : i32
      %broadcast_in_dim3A_278 = vector.broadcast %broadcast_in_dim3A_277 : i32 to vector<16xi32>
      %gather3A_279 = tpu.vector_load_idx %arg11[%add3A_252, %broadcast_in_dim3A_278] : memref<80x16xf32, #tpu.memory_space<vmem>>[vector<16xi32>, vector<16xi32>], vector<16xf32>,
      %broadcast_in_dim3A_280 = arith.constant 9 : i32
      %broadcast_in_dim3A_281 = vector.broadcast %broadcast_in_dim3A_280 : i32 to vector<16xi32>
      %gather3A_282 = tpu.vector_load_idx %arg11[%add3A_252, %broadcast_in_dim3A_281] : memref<80x16xf32, #tpu.memory_space<vmem>>[vector<16xi32>, vector<16xi32>], vector<16xf32>,
      %broadcast_in_dim3A_283 = arith.constant 10 : i32
      %broadcast_in_dim3A_284 = vector.broadcast %broadcast_in_dim3A_283 : i32 to vector<16xi32>
      %gather3A_285 = tpu.vector_load_idx %arg11[%add3A_252, %broadcast_in_dim3A_284] : memref<80x16xf32, #tpu.memory_space<vmem>>[vector<16xi32>, vector<16xi32>], vector<16xf32>,
      %broadcast_in_dim3A_286 = arith.constant 11 : i32
      %broadcast_in_dim3A_287 = vector.broadcast %broadcast_in_dim3A_286 : i32 to vector<16xi32>
      %gather3A_288 = tpu.vector_load_idx %arg11[%add3A_252, %broadcast_in_dim3A_287] : memref<80x16xf32, #tpu.memory_space<vmem>>[vector<16xi32>, vector<16xi32>], vector<16xf32>,
      %broadcast_in_dim3A_289 = arith.constant 12 : i32
      %broadcast_in_dim3A_290 = vector.broadcast %broadcast_in_dim3A_289 : i32 to vector<16xi32>
      %gather3A_291 = tpu.vector_load_idx %arg11[%add3A_252, %broadcast_in_dim3A_290] : memref<80x16xf32, #tpu.memory_space<vmem>>[vector<16xi32>, vector<16xi32>], vector<16xf32>,
      %broadcast_in_dim3A_292 = arith.constant 13 : i32
      %broadcast_in_dim3A_293 = vector.broadcast %broadcast_in_dim3A_292 : i32 to vector<16xi32>
      %gather3A_294 = tpu.vector_load_idx %arg11[%add3A_252, %broadcast_in_dim3A_293] : memref<80x16xf32, #tpu.memory_space<vmem>>[vector<16xi32>, vector<16xi32>], vector<16xf32>,
      %broadcast_in_dim3A_295 = arith.constant 14 : i32
      %broadcast_in_dim3A_296 = vector.broadcast %broadcast_in_dim3A_295 : i32 to vector<16xi32>
      %gather3A_297 = tpu.vector_load_idx %arg11[%add3A_252, %broadcast_in_dim3A_296] : memref<80x16xf32, #tpu.memory_space<vmem>>[vector<16xi32>, vector<16xi32>], vector<16xf32>,
      %broadcast_in_dim3A_298 = arith.constant 15 : i32
      %broadcast_in_dim3A_299 = vector.broadcast %broadcast_in_dim3A_298 : i32 to vector<16xi32>
      %gather3A_300 = tpu.vector_load_idx %arg11[%add3A_252, %broadcast_in_dim3A_299] : memref<80x16xf32, #tpu.memory_space<vmem>>[vector<16xi32>, vector<16xi32>], vector<16xf32>,
      %add3A_301 = arith.addf %gather3A_255, %gather3A_258 : vector<16xf32>
      %add3A_302 = arith.addf %gather3A_261, %gather3A_264 : vector<16xf32>
      %add3A_303 = arith.addf %gather3A_267, %gather3A_270 : vector<16xf32>
      %add3A_304 = arith.addf %gather3A_273, %gather3A_276 : vector<16xf32>
      %add3A_305 = arith.addf %gather3A_279, %gather3A_282 : vector<16xf32>
      %add3A_306 = arith.addf %gather3A_285, %gather3A_288 : vector<16xf32>
      %add3A_307 = arith.addf %gather3A_291, %gather3A_294 : vector<16xf32>
      %add3A_308 = arith.addf %gather3A_297, %gather3A_300 : vector<16xf32>
      %add3A_309 = arith.addf %add3A_301, %add3A_302 : vector<16xf32>
      %add3A_310 = arith.addf %add3A_303, %add3A_304 : vector<16xf32>
      %add3A_311 = arith.addf %add3A_305, %add3A_306 : vector<16xf32>
      %add3A_312 = arith.addf %add3A_307, %add3A_308 : vector<16xf32>
      %add3A_313 = arith.addf %add3A_309, %add3A_310 : vector<16xf32>
      %add3A_314 = arith.addf %add3A_311, %add3A_312 : vector<16xf32>
      %add3A_315 = arith.addf %add3A_313, %add3A_314 : vector<16xf32>
      %mul3A_316 = arith.constant 80 : i32
      %mul3A_317 = arith.muli %mul3A_52, %mul3A_316 : i32
      %add3A_318 = arith.constant 32 : i32
      %add3A_319 = arith.addi %mul3A_317, %add3A_318 : i32
      %swap3A_320 = arith.index_cast %add3A_319 : i32 to index
      %swap3A_321 = tpu.vector_load %arg12[%swap3A_320] {strides = array<i32>} : memref<5040xf32, #tpu.memory_space<vmem>>, vector<16xf32>,
      tpu.vector_store %arg12[%swap3A_320], %add3A_315 {strides = array<i32>} : memref<5040xf32, #tpu.memory_space<vmem>>, vector<16xf32>,
      %iota3A_322 = tpu.iota {dimensions = array<i32: 0>} : vector<16xi32>
      %add3A_323 = arith.constant 48 : i32
      %add3A_324 = vector.broadcast %add3A_323 : i32 to vector<16xi32>
      %add3A_325 = arith.addi %iota3A_322, %add3A_324 : vector<16xi32>
      %broadcast_in_dim3A_326 = arith.constant 0 : i32
      %broadcast_in_dim3A_327 = vector.broadcast %broadcast_in_dim3A_326 : i32 to vector<16xi32>
      %gather3A_328 = tpu.vector_load_idx %arg11[%add3A_325, %broadcast_in_dim3A_327] : memref<80x16xf32, #tpu.memory_space<vmem>>[vector<16xi32>, vector<16xi32>], vector<16xf32>,
      %broadcast_in_dim3A_329 = arith.constant 1 : i32
      %broadcast_in_dim3A_330 = vector.broadcast %broadcast_in_dim3A_329 : i32 to vector<16xi32>
      %gather3A_331 = tpu.vector_load_idx %arg11[%add3A_325, %broadcast_in_dim3A_330] : memref<80x16xf32, #tpu.memory_space<vmem>>[vector<16xi32>, vector<16xi32>], vector<16xf32>,
      %broadcast_in_dim3A_332 = arith.constant 2 : i32
      %broadcast_in_dim3A_333 = vector.broadcast %broadcast_in_dim3A_332 : i32 to vector<16xi32>
      %gather3A_334 = tpu.vector_load_idx %arg11[%add3A_325, %broadcast_in_dim3A_333] : memref<80x16xf32, #tpu.memory_space<vmem>>[vector<16xi32>, vector<16xi32>], vector<16xf32>,
      %broadcast_in_dim3A_335 = arith.constant 3 : i32
      %broadcast_in_dim3A_336 = vector.broadcast %broadcast_in_dim3A_335 : i32 to vector<16xi32>
      %gather3A_337 = tpu.vector_load_idx %arg11[%add3A_325, %broadcast_in_dim3A_336] : memref<80x16xf32, #tpu.memory_space<vmem>>[vector<16xi32>, vector<16xi32>], vector<16xf32>,
      %broadcast_in_dim3A_338 = arith.constant 4 : i32
      %broadcast_in_dim3A_339 = vector.broadcast %broadcast_in_dim3A_338 : i32 to vector<16xi32>
      %gather3A_340 = tpu.vector_load_idx %arg11[%add3A_325, %broadcast_in_dim3A_339] : memref<80x16xf32, #tpu.memory_space<vmem>>[vector<16xi32>, vector<16xi32>], vector<16xf32>,
      %broadcast_in_dim3A_341 = arith.constant 5 : i32
      %broadcast_in_dim3A_342 = vector.broadcast %broadcast_in_dim3A_341 : i32 to vector<16xi32>
      %gather3A_343 = tpu.vector_load_idx %arg11[%add3A_325, %broadcast_in_dim3A_342] : memref<80x16xf32, #tpu.memory_space<vmem>>[vector<16xi32>, vector<16xi32>], vector<16xf32>,
      %broadcast_in_dim3A_344 = arith.constant 6 : i32
      %broadcast_in_dim3A_345 = vector.broadcast %broadcast_in_dim3A_344 : i32 to vector<16xi32>
      %gather3A_346 = tpu.vector_load_idx %arg11[%add3A_325, %broadcast_in_dim3A_345] : memref<80x16xf32, #tpu.memory_space<vmem>>[vector<16xi32>, vector<16xi32>], vector<16xf32>,
      %broadcast_in_dim3A_347 = arith.constant 7 : i32
      %broadcast_in_dim3A_348 = vector.broadcast %broadcast_in_dim3A_347 : i32 to vector<16xi32>
      %gather3A_349 = tpu.vector_load_idx %arg11[%add3A_325, %broadcast_in_dim3A_348] : memref<80x16xf32, #tpu.memory_space<vmem>>[vector<16xi32>, vector<16xi32>], vector<16xf32>,
      %broadcast_in_dim3A_350 = arith.constant 8 : i32
      %broadcast_in_dim3A_351 = vector.broadcast %broadcast_in_dim3A_350 : i32 to vector<16xi32>
      %gather3A_352 = tpu.vector_load_idx %arg11[%add3A_325, %broadcast_in_dim3A_351] : memref<80x16xf32, #tpu.memory_space<vmem>>[vector<16xi32>, vector<16xi32>], vector<16xf32>,
      %broadcast_in_dim3A_353 = arith.constant 9 : i32
      %broadcast_in_dim3A_354 = vector.broadcast %broadcast_in_dim3A_353 : i32 to vector<16xi32>
      %gather3A_355 = tpu.vector_load_idx %arg11[%add3A_325, %broadcast_in_dim3A_354] : memref<80x16xf32, #tpu.memory_space<vmem>>[vector<16xi32>, vector<16xi32>], vector<16xf32>,
      %broadcast_in_dim3A_356 = arith.constant 10 : i32
      %broadcast_in_dim3A_357 = vector.broadcast %broadcast_in_dim3A_356 : i32 to vector<16xi32>
      %gather3A_358 = tpu.vector_load_idx %arg11[%add3A_325, %broadcast_in_dim3A_357] : memref<80x16xf32, #tpu.memory_space<vmem>>[vector<16xi32>, vector<16xi32>], vector<16xf32>,
      %broadcast_in_dim3A_359 = arith.constant 11 : i32
      %broadcast_in_dim3A_360 = vector.broadcast %broadcast_in_dim3A_359 : i32 to vector<16xi32>
      %gather3A_361 = tpu.vector_load_idx %arg11[%add3A_325, %broadcast_in_dim3A_360] : memref<80x16xf32, #tpu.memory_space<vmem>>[vector<16xi32>, vector<16xi32>], vector<16xf32>,
      %broadcast_in_dim3A_362 = arith.constant 12 : i32
      %broadcast_in_dim3A_363 = vector.broadcast %broadcast_in_dim3A_362 : i32 to vector<16xi32>
      %gather3A_364 = tpu.vector_load_idx %arg11[%add3A_325, %broadcast_in_dim3A_363] : memref<80x16xf32, #tpu.memory_space<vmem>>[vector<16xi32>, vector<16xi32>], vector<16xf32>,
      %broadcast_in_dim3A_365 = arith.constant 13 : i32
      %broadcast_in_dim3A_366 = vector.broadcast %broadcast_in_dim3A_365 : i32 to vector<16xi32>
      %gather3A_367 = tpu.vector_load_idx %arg11[%add3A_325, %broadcast_in_dim3A_366] : memref<80x16xf32, #tpu.memory_space<vmem>>[vector<16xi32>, vector<16xi32>], vector<16xf32>,
      %broadcast_in_dim3A_368 = arith.constant 14 : i32
      %broadcast_in_dim3A_369 = vector.broadcast %broadcast_in_dim3A_368 : i32 to vector<16xi32>
      %gather3A_370 = tpu.vector_load_idx %arg11[%add3A_325, %broadcast_in_dim3A_369] : memref<80x16xf32, #tpu.memory_space<vmem>>[vector<16xi32>, vector<16xi32>], vector<16xf32>,
      %broadcast_in_dim3A_371 = arith.constant 15 : i32
      %broadcast_in_dim3A_372 = vector.broadcast %broadcast_in_dim3A_371 : i32 to vector<16xi32>
      %gather3A_373 = tpu.vector_load_idx %arg11[%add3A_325, %broadcast_in_dim3A_372] : memref<80x16xf32, #tpu.memory_space<vmem>>[vector<16xi32>, vector<16xi32>], vector<16xf32>,
      %add3A_374 = arith.addf %gather3A_328, %gather3A_331 : vector<16xf32>
      %add3A_375 = arith.addf %gather3A_334, %gather3A_337 : vector<16xf32>
      %add3A_376 = arith.addf %gather3A_340, %gather3A_343 : vector<16xf32>
      %add3A_377 = arith.addf %gather3A_346, %gather3A_349 : vector<16xf32>
      %add3A_378 = arith.addf %gather3A_352, %gather3A_355 : vector<16xf32>
      %add3A_379 = arith.addf %gather3A_358, %gather3A_361 : vector<16xf32>
      %add3A_380 = arith.addf %gather3A_364, %gather3A_367 : vector<16xf32>
      %add3A_381 = arith.addf %gather3A_370, %gather3A_373 : vector<16xf32>
      %add3A_382 = arith.addf %add3A_374, %add3A_375 : vector<16xf32>
      %add3A_383 = arith.addf %add3A_376, %add3A_377 : vector<16xf32>
      %add3A_384 = arith.addf %add3A_378, %add3A_379 : vector<16xf32>
      %add3A_385 = arith.addf %add3A_380, %add3A_381 : vector<16xf32>
      %add3A_386 = arith.addf %add3A_382, %add3A_383 : vector<16xf32>
      %add3A_387 = arith.addf %add3A_384, %add3A_385 : vector<16xf32>
      %add3A_388 = arith.addf %add3A_386, %add3A_387 : vector<16xf32>
      %mul3A_389 = arith.constant 80 : i32
      %mul3A_390 = arith.muli %mul3A_52, %mul3A_389 : i32
      %add3A_391 = arith.constant 48 : i32
      %add3A_392 = arith.addi %mul3A_390, %add3A_391 : i32
      %swap3A_393 = arith.index_cast %add3A_392 : i32 to index
      %swap3A_394 = tpu.vector_load %arg12[%swap3A_393] {strides = array<i32>} : memref<5040xf32, #tpu.memory_space<vmem>>, vector<16xf32>,
      tpu.vector_store %arg12[%swap3A_393], %add3A_388 {strides = array<i32>} : memref<5040xf32, #tpu.memory_space<vmem>>, vector<16xf32>,
      %iota3A_395 = tpu.iota {dimensions = array<i32: 0>} : vector<16xi32>
      %add3A_396 = arith.constant 64 : i32
      %add3A_397 = vector.broadcast %add3A_396 : i32 to vector<16xi32>
      %add3A_398 = arith.addi %iota3A_395, %add3A_397 : vector<16xi32>
      %broadcast_in_dim3A_399 = arith.constant 0 : i32
      %broadcast_in_dim3A_400 = vector.broadcast %broadcast_in_dim3A_399 : i32 to vector<16xi32>
      %gather3A_401 = tpu.vector_load_idx %arg11[%add3A_398, %broadcast_in_dim3A_400] : memref<80x16xf32, #tpu.memory_space<vmem>>[vector<16xi32>, vector<16xi32>], vector<16xf32>,
      %broadcast_in_dim3A_402 = arith.constant 1 : i32
      %broadcast_in_dim3A_403 = vector.broadcast %broadcast_in_dim3A_402 : i32 to vector<16xi32>
      %gather3A_404 = tpu.vector_load_idx %arg11[%add3A_398, %broadcast_in_dim3A_403] : memref<80x16xf32, #tpu.memory_space<vmem>>[vector<16xi32>, vector<16xi32>], vector<16xf32>,
      %broadcast_in_dim3A_405 = arith.constant 2 : i32
      %broadcast_in_dim3A_406 = vector.broadcast %broadcast_in_dim3A_405 : i32 to vector<16xi32>
      %gather3A_407 = tpu.vector_load_idx %arg11[%add3A_398, %broadcast_in_dim3A_406] : memref<80x16xf32, #tpu.memory_space<vmem>>[vector<16xi32>, vector<16xi32>], vector<16xf32>,
      %broadcast_in_dim3A_408 = arith.constant 3 : i32
      %broadcast_in_dim3A_409 = vector.broadcast %broadcast_in_dim3A_408 : i32 to vector<16xi32>
      %gather3A_410 = tpu.vector_load_idx %arg11[%add3A_398, %broadcast_in_dim3A_409] : memref<80x16xf32, #tpu.memory_space<vmem>>[vector<16xi32>, vector<16xi32>], vector<16xf32>,
      %broadcast_in_dim3A_411 = arith.constant 4 : i32
      %broadcast_in_dim3A_412 = vector.broadcast %broadcast_in_dim3A_411 : i32 to vector<16xi32>
      %gather3A_413 = tpu.vector_load_idx %arg11[%add3A_398, %broadcast_in_dim3A_412] : memref<80x16xf32, #tpu.memory_space<vmem>>[vector<16xi32>, vector<16xi32>], vector<16xf32>,
      %broadcast_in_dim3A_414 = arith.constant 5 : i32
      %broadcast_in_dim3A_415 = vector.broadcast %broadcast_in_dim3A_414 : i32 to vector<16xi32>
      %gather3A_416 = tpu.vector_load_idx %arg11[%add3A_398, %broadcast_in_dim3A_415] : memref<80x16xf32, #tpu.memory_space<vmem>>[vector<16xi32>, vector<16xi32>], vector<16xf32>,
      %broadcast_in_dim3A_417 = arith.constant 6 : i32
      %broadcast_in_dim3A_418 = vector.broadcast %broadcast_in_dim3A_417 : i32 to vector<16xi32>
      %gather3A_419 = tpu.vector_load_idx %arg11[%add3A_398, %broadcast_in_dim3A_418] : memref<80x16xf32, #tpu.memory_space<vmem>>[vector<16xi32>, vector<16xi32>], vector<16xf32>,
      %broadcast_in_dim3A_420 = arith.constant 7 : i32
      %broadcast_in_dim3A_421 = vector.broadcast %broadcast_in_dim3A_420 : i32 to vector<16xi32>
      %gather3A_422 = tpu.vector_load_idx %arg11[%add3A_398, %broadcast_in_dim3A_421] : memref<80x16xf32, #tpu.memory_space<vmem>>[vector<16xi32>, vector<16xi32>], vector<16xf32>,
      %broadcast_in_dim3A_423 = arith.constant 8 : i32
      %broadcast_in_dim3A_424 = vector.broadcast %broadcast_in_dim3A_423 : i32 to vector<16xi32>
      %gather3A_425 = tpu.vector_load_idx %arg11[%add3A_398, %broadcast_in_dim3A_424] : memref<80x16xf32, #tpu.memory_space<vmem>>[vector<16xi32>, vector<16xi32>], vector<16xf32>,
      %broadcast_in_dim3A_426 = arith.constant 9 : i32
      %broadcast_in_dim3A_427 = vector.broadcast %broadcast_in_dim3A_426 : i32 to vector<16xi32>
      %gather3A_428 = tpu.vector_load_idx %arg11[%add3A_398, %broadcast_in_dim3A_427] : memref<80x16xf32, #tpu.memory_space<vmem>>[vector<16xi32>, vector<16xi32>], vector<16xf32>,
      %broadcast_in_dim3A_429 = arith.constant 10 : i32
      %broadcast_in_dim3A_430 = vector.broadcast %broadcast_in_dim3A_429 : i32 to vector<16xi32>
      %gather3A_431 = tpu.vector_load_idx %arg11[%add3A_398, %broadcast_in_dim3A_430] : memref<80x16xf32, #tpu.memory_space<vmem>>[vector<16xi32>, vector<16xi32>], vector<16xf32>,
      %broadcast_in_dim3A_432 = arith.constant 11 : i32
      %broadcast_in_dim3A_433 = vector.broadcast %broadcast_in_dim3A_432 : i32 to vector<16xi32>
      %gather3A_434 = tpu.vector_load_idx %arg11[%add3A_398, %broadcast_in_dim3A_433] : memref<80x16xf32, #tpu.memory_space<vmem>>[vector<16xi32>, vector<16xi32>], vector<16xf32>,
      %broadcast_in_dim3A_435 = arith.constant 12 : i32
      %broadcast_in_dim3A_436 = vector.broadcast %broadcast_in_dim3A_435 : i32 to vector<16xi32>
      %gather3A_437 = tpu.vector_load_idx %arg11[%add3A_398, %broadcast_in_dim3A_436] : memref<80x16xf32, #tpu.memory_space<vmem>>[vector<16xi32>, vector<16xi32>], vector<16xf32>,
      %broadcast_in_dim3A_438 = arith.constant 13 : i32
      %broadcast_in_dim3A_439 = vector.broadcast %broadcast_in_dim3A_438 : i32 to vector<16xi32>
      %gather3A_440 = tpu.vector_load_idx %arg11[%add3A_398, %broadcast_in_dim3A_439] : memref<80x16xf32, #tpu.memory_space<vmem>>[vector<16xi32>, vector<16xi32>], vector<16xf32>,
      %broadcast_in_dim3A_441 = arith.constant 14 : i32
      %broadcast_in_dim3A_442 = vector.broadcast %broadcast_in_dim3A_441 : i32 to vector<16xi32>
      %gather3A_443 = tpu.vector_load_idx %arg11[%add3A_398, %broadcast_in_dim3A_442] : memref<80x16xf32, #tpu.memory_space<vmem>>[vector<16xi32>, vector<16xi32>], vector<16xf32>,
      %broadcast_in_dim3A_444 = arith.constant 15 : i32
      %broadcast_in_dim3A_445 = vector.broadcast %broadcast_in_dim3A_444 : i32 to vector<16xi32>
      %gather3A_446 = tpu.vector_load_idx %arg11[%add3A_398, %broadcast_in_dim3A_445] : memref<80x16xf32, #tpu.memory_space<vmem>>[vector<16xi32>, vector<16xi32>], vector<16xf32>,
      %add3A_447 = arith.addf %gather3A_401, %gather3A_404 : vector<16xf32>
      %add3A_448 = arith.addf %gather3A_407, %gather3A_410 : vector<16xf32>
      %add3A_449 = arith.addf %gather3A_413, %gather3A_416 : vector<16xf32>
      %add3A_450 = arith.addf %gather3A_419, %gather3A_422 : vector<16xf32>
      %add3A_451 = arith.addf %gather3A_425, %gather3A_428 : vector<16xf32>
      %add3A_452 = arith.addf %gather3A_431, %gather3A_434 : vector<16xf32>
      %add3A_453 = arith.addf %gather3A_437, %gather3A_440 : vector<16xf32>
      %add3A_454 = arith.addf %gather3A_443, %gather3A_446 : vector<16xf32>
      %add3A_455 = arith.addf %add3A_447, %add3A_448 : vector<16xf32>
      %add3A_456 = arith.addf %add3A_449, %add3A_450 : vector<16xf32>
      %add3A_457 = arith.addf %add3A_451, %add3A_452 : vector<16xf32>
      %add3A_458 = arith.addf %add3A_453, %add3A_454 : vector<16xf32>
      %add3A_459 = arith.addf %add3A_455, %add3A_456 : vector<16xf32>
      %add3A_460 = arith.addf %add3A_457, %add3A_458 : vector<16xf32>
      %add3A_461 = arith.addf %add3A_459, %add3A_460 : vector<16xf32>
      %mul3A_462 = arith.constant 80 : i32
      %mul3A_463 = arith.muli %mul3A_52, %mul3A_462 : i32
      %add3A_464 = arith.constant 64 : i32
      %add3A_465 = arith.addi %mul3A_463, %add3A_464 : i32
      %swap3A_466 = arith.index_cast %add3A_465 : i32 to index
      %swap3A_467 = tpu.vector_load %arg12[%swap3A_466] {strides = array<i32>} : memref<5040xf32, #tpu.memory_space<vmem>>, vector<16xf32>,
      tpu.vector_store %arg12[%swap3A_466], %add3A_461 {strides = array<i32>} : memref<5040xf32, #tpu.memory_space<vmem>>, vector<16xf32>,
      %add3A_468 = arith.constant 2 : i32
      %add3A_469 = arith.addi %mul3A_52, %add3A_468 : i32
      %lt3A_470 = arith.cmpi slt, %add3A_469, %select_n3A : i32
      %convert_element_type3A_471 = arith.extui %lt3A_470 : i1 to i32
      %cond3A_472 = arith.constant 0 : i32
      %cond3A_473 = arith.cmpi ne, %convert_element_type3A_471, %cond3A_472 : i32
      scf.if %cond3A_473 {
        %add3A_875 = arith.constant 2 : i32
        %add3A_876 = arith.addi %mul3A_52, %add3A_875 : i32
        %mul3A_877 = arith.constant 80 : i32
        %mul3A_878 = arith.muli %add3A_876, %mul3A_877 : i32
        %dma_start3A_879 = arith.constant 0 : i32
        %dma_start3A_880 = arith.constant 0 : i32
        %dma_start3A_881 = arith.constant 0 : i32
        %dma_start3A_882 = tpu.memref_slice %arg9[%dma_start3A_879, %dma_start3A_880, %dma_start3A_881] : memref<2x80x256xf32, #tpu.memory_space<vmem>> -> memref<1x80x256xf32, #tpu.memory_space<vmem>>
        %dma_start3A_883 = tpu.memref_squeeze %dma_start3A_882 : memref<1x80x256xf32, #tpu.memory_space<vmem>> -> memref<80x256xf32, #tpu.memory_space<vmem>>
        %dma_start3A_884 = tpu.memref_slice %arg7[%mul3A_878] : memref<5040xi32, #tpu.memory_space<vmem>> -> memref<80xi32, #tpu.memory_space<vmem>>
        %dma_start3A_885 = arith.constant 0 : i32
        %dma_start3A_886 = arith.constant 0 : i32
        %dma_start3A_887 = tpu.memref_slice %arg4[%dma_start3A_885, %dma_start3A_886] : memref<10000x256xf32, #tpu.memory_space<hbm>> -> memref<10000x256xf32, #tpu.memory_space<hbm>>
        tpu.enqueue_indirect_dma source(%dma_start3A_887 : memref<10000x256xf32, #tpu.memory_space<hbm>>) target(%dma_start3A_883 : memref<80x256xf32, #tpu.memory_space<vmem>>) offsets(%dma_start3A_884 : memref<80xi32, #tpu.memory_space<vmem>>) semaphore(%arg13 : memref<!tpu.dma_semaphore, #tpu.memory_space<semaphore_mem>>)
        %mul3A_888 = arith.constant 80 : i32
        %mul3A_889 = arith.muli %add3A_876, %mul3A_888 : i32
        %dma_start3A_890 = arith.constant 0 : i32
        %dma_start3A_891 = arith.constant 0 : i32
        %dma_start3A_892 = arith.constant 0 : i32
        %dma_start3A_893 = tpu.memref_slice %arg10[%dma_start3A_890, %dma_start3A_891, %dma_start3A_892] : memref<2x80x256xf32, #tpu.memory_space<vmem>> -> memref<1x80x256xf32, #tpu.memory_space<vmem>>
        %dma_start3A_894 = tpu.memref_squeeze %dma_start3A_893 : memref<1x80x256xf32, #tpu.memory_space<vmem>> -> memref<80x256xf32, #tpu.memory_space<vmem>>
        %dma_start3A_895 = tpu.memref_slice %arg8[%mul3A_889] : memref<5040xi32, #tpu.memory_space<vmem>> -> memref<80xi32, #tpu.memory_space<vmem>>
        %dma_start3A_896 = arith.constant 0 : i32
        %dma_start3A_897 = arith.constant 0 : i32
        %dma_start3A_898 = tpu.memref_slice %arg5[%dma_start3A_896, %dma_start3A_897] : memref<10000x256xf32, #tpu.memory_space<hbm>> -> memref<10000x256xf32, #tpu.memory_space<hbm>>
        tpu.enqueue_indirect_dma source(%dma_start3A_898 : memref<10000x256xf32, #tpu.memory_space<hbm>>) target(%dma_start3A_894 : memref<80x256xf32, #tpu.memory_space<vmem>>) offsets(%dma_start3A_895 : memref<80xi32, #tpu.memory_space<vmem>>) semaphore(%arg15 : memref<!tpu.dma_semaphore, #tpu.memory_space<semaphore_mem>>)
      } else {
      }
      %add3A_474 = arith.constant 1 : i32
      %add3A_475 = arith.addi %mul3A_52, %add3A_474 : i32
      %mul3A_476 = arith.constant 80 : i32
      %mul3A_477 = arith.muli %add3A_475, %mul3A_476 : i32
      %dma_wait3A_478 = arith.constant 1 : i32
      %dma_wait3A_479 = arith.constant 0 : i32
      %dma_wait3A_480 = arith.constant 0 : i32
      %dma_wait3A_481 = tpu.memref_slice %arg9[%dma_wait3A_478, %dma_wait3A_479, %dma_wait3A_480] : memref<2x80x256xf32, #tpu.memory_space<vmem>> -> memref<1x80x256xf32, #tpu.memory_space<vmem>>
      %dma_wait3A_482 = tpu.memref_squeeze %dma_wait3A_481 : memref<1x80x256xf32, #tpu.memory_space<vmem>> -> memref<80x256xf32, #tpu.memory_space<vmem>>
      %dma_wait3A_483 = tpu.memref_slice %arg7[%mul3A_477] : memref<5040xi32, #tpu.memory_space<vmem>> -> memref<80xi32, #tpu.memory_space<vmem>>
      %dma_wait3A_484 = arith.constant 0 : i32
      %dma_wait3A_485 = arith.constant 0 : i32
      %dma_wait3A_486 = tpu.memref_slice %arg4[%dma_wait3A_484, %dma_wait3A_485] : memref<10000x256xf32, #tpu.memory_space<hbm>> -> memref<10000x256xf32, #tpu.memory_space<hbm>>
      tpu.wait_indirect_dma semaphore(%arg14 : memref<!tpu.dma_semaphore, #tpu.memory_space<semaphore_mem>>) src(%dma_wait3A_486 : memref<10000x256xf32, #tpu.memory_space<hbm>>) dst(%dma_wait3A_482 : memref<80x256xf32, #tpu.memory_space<vmem>>)
      %mul3A_487 = arith.constant 80 : i32
      %mul3A_488 = arith.muli %add3A_475, %mul3A_487 : i32
      %dma_wait3A_489 = arith.constant 1 : i32
      %dma_wait3A_490 = arith.constant 0 : i32
      %dma_wait3A_491 = arith.constant 0 : i32
      %dma_wait3A_492 = tpu.memref_slice %arg10[%dma_wait3A_489, %dma_wait3A_490, %dma_wait3A_491] : memref<2x80x256xf32, #tpu.memory_space<vmem>> -> memref<1x80x256xf32, #tpu.memory_space<vmem>>
      %dma_wait3A_493 = tpu.memref_squeeze %dma_wait3A_492 : memref<1x80x256xf32, #tpu.memory_space<vmem>> -> memref<80x256xf32, #tpu.memory_space<vmem>>
      %dma_wait3A_494 = tpu.memref_slice %arg8[%mul3A_488] : memref<5040xi32, #tpu.memory_space<vmem>> -> memref<80xi32, #tpu.memory_space<vmem>>
      %dma_wait3A_495 = arith.constant 0 : i32
      %dma_wait3A_496 = arith.constant 0 : i32
      %dma_wait3A_497 = tpu.memref_slice %arg5[%dma_wait3A_495, %dma_wait3A_496] : memref<10000x256xf32, #tpu.memory_space<hbm>> -> memref<10000x256xf32, #tpu.memory_space<hbm>>
      tpu.wait_indirect_dma semaphore(%arg16 : memref<!tpu.dma_semaphore, #tpu.memory_space<semaphore_mem>>) src(%dma_wait3A_497 : memref<10000x256xf32, #tpu.memory_space<hbm>>) dst(%dma_wait3A_493 : memref<80x256xf32, #tpu.memory_space<vmem>>)
      %add3A_498 = arith.constant 1 : i32
      %add3A_499 = arith.addi %mul3A_52, %add3A_498 : i32
      %scan3A_500 = arith.constant 1 : i32
      %scan3A_501 = arith.constant 1 : i32
      %scan3A_502 = arith.constant 0 : i32
      %scan3A_503 = arith.constant 0 : i32
      %scan3A_504 = arith.constant 80 : i32
      %scan3A_505 = arith.addi %scan3A_503, %scan3A_504 : i32
      %scan3A_506 = arith.constant 1 : i32
      %scan3A_507 = scf.for %scan3A_875 = %scan3A_503 to %scan3A_505 step %scan3A_506 iter_args(%scan3A_876 = %scan3A_502) -> (i32)  : i32 {
        %get3A = arith.constant 0 : i32
        %get3A_877 = arith.constant 0 : i32
        %get3A_878 = tpu.memref_slice %arg9[%scan3A_500, %get3A, %get3A_877] : memref<2x80x256xf32, #tpu.memory_space<vmem>> -> memref<1x80x256xf32, #tpu.memory_space<vmem>>
        %get3A_879 = tpu.memref_squeeze %get3A_878 : memref<1x80x256xf32, #tpu.memory_space<vmem>> -> memref<80x256xf32, #tpu.memory_space<vmem>>
        %get3A_880 = arith.index_cast %scan3A_875 : i32 to index
        %get3A_881 = arith.constant 0 : index
        %get3A_882 = tpu.vector_load %get3A_879[%get3A_880, %get3A_881] {strides = array<i32>} : memref<80x256xf32, #tpu.memory_space<vmem>>, vector<16xf32>,
        %get3A_883 = arith.constant 0 : i32
        %get3A_884 = arith.constant 0 : i32
        %get3A_885 = tpu.memref_slice %arg10[%scan3A_501, %get3A_883, %get3A_884] : memref<2x80x256xf32, #tpu.memory_space<vmem>> -> memref<1x80x256xf32, #tpu.memory_space<vmem>>
        %get3A_886 = tpu.memref_squeeze %get3A_885 : memref<1x80x256xf32, #tpu.memory_space<vmem>> -> memref<80x256xf32, #tpu.memory_space<vmem>>
        %get3A_887 = arith.index_cast %scan3A_875 : i32 to index
        %get3A_888 = arith.constant 0 : index
        %get3A_889 = tpu.vector_load %get3A_886[%get3A_887, %get3A_888] {strides = array<i32>} : memref<80x256xf32, #tpu.memory_space<vmem>>, vector<16xf32>,
        %mul3A_890 = arith.mulf %get3A_882, %get3A_889 : vector<16xf32>
        %get3A_891 = arith.constant 0 : i32
        %get3A_892 = arith.constant 0 : i32
        %get3A_893 = tpu.memref_slice %arg9[%scan3A_500, %get3A_891, %get3A_892] : memref<2x80x256xf32, #tpu.memory_space<vmem>> -> memref<1x80x256xf32, #tpu.memory_space<vmem>>
        %get3A_894 = tpu.memref_squeeze %get3A_893 : memref<1x80x256xf32, #tpu.memory_space<vmem>> -> memref<80x256xf32, #tpu.memory_space<vmem>>
        %get3A_895 = arith.index_cast %scan3A_875 : i32 to index
        %get3A_896 = arith.constant 16 : index
        %get3A_897 = tpu.vector_load %get3A_894[%get3A_895, %get3A_896] {strides = array<i32>} : memref<80x256xf32, #tpu.memory_space<vmem>>, vector<16xf32>,
        %get3A_898 = arith.constant 0 : i32
        %get3A_899 = arith.constant 0 : i32
        %get3A_900 = tpu.memref_slice %arg10[%scan3A_501, %get3A_898, %get3A_899] : memref<2x80x256xf32, #tpu.memory_space<vmem>> -> memref<1x80x256xf32, #tpu.memory_space<vmem>>
        %get3A_901 = tpu.memref_squeeze %get3A_900 : memref<1x80x256xf32, #tpu.memory_space<vmem>> -> memref<80x256xf32, #tpu.memory_space<vmem>>
        %get3A_902 = arith.index_cast %scan3A_875 : i32 to index
        %get3A_903 = arith.constant 16 : index
        %get3A_904 = tpu.vector_load %get3A_901[%get3A_902, %get3A_903] {strides = array<i32>} : memref<80x256xf32, #tpu.memory_space<vmem>>, vector<16xf32>,
        %mul3A_905 = arith.mulf %get3A_897, %get3A_904 : vector<16xf32>
        %get3A_906 = arith.constant 0 : i32
        %get3A_907 = arith.constant 0 : i32
        %get3A_908 = tpu.memref_slice %arg9[%scan3A_500, %get3A_906, %get3A_907] : memref<2x80x256xf32, #tpu.memory_space<vmem>> -> memref<1x80x256xf32, #tpu.memory_space<vmem>>
        %get3A_909 = tpu.memref_squeeze %get3A_908 : memref<1x80x256xf32, #tpu.memory_space<vmem>> -> memref<80x256xf32, #tpu.memory_space<vmem>>
        %get3A_910 = arith.index_cast %scan3A_875 : i32 to index
        %get3A_911 = arith.constant 32 : index
        %get3A_912 = tpu.vector_load %get3A_909[%get3A_910, %get3A_911] {strides = array<i32>} : memref<80x256xf32, #tpu.memory_space<vmem>>, vector<16xf32>,
        %get3A_913 = arith.constant 0 : i32
        %get3A_914 = arith.constant 0 : i32
        %get3A_915 = tpu.memref_slice %arg10[%scan3A_501, %get3A_913, %get3A_914] : memref<2x80x256xf32, #tpu.memory_space<vmem>> -> memref<1x80x256xf32, #tpu.memory_space<vmem>>
        %get3A_916 = tpu.memref_squeeze %get3A_915 : memref<1x80x256xf32, #tpu.memory_space<vmem>> -> memref<80x256xf32, #tpu.memory_space<vmem>>
        %get3A_917 = arith.index_cast %scan3A_875 : i32 to index
        %get3A_918 = arith.constant 32 : index
        %get3A_919 = tpu.vector_load %get3A_916[%get3A_917, %get3A_918] {strides = array<i32>} : memref<80x256xf32, #tpu.memory_space<vmem>>, vector<16xf32>,
        %mul3A_920 = arith.mulf %get3A_912, %get3A_919 : vector<16xf32>
        %get3A_921 = arith.constant 0 : i32
        %get3A_922 = arith.constant 0 : i32
        %get3A_923 = tpu.memref_slice %arg9[%scan3A_500, %get3A_921, %get3A_922] : memref<2x80x256xf32, #tpu.memory_space<vmem>> -> memref<1x80x256xf32, #tpu.memory_space<vmem>>
        %get3A_924 = tpu.memref_squeeze %get3A_923 : memref<1x80x256xf32, #tpu.memory_space<vmem>> -> memref<80x256xf32, #tpu.memory_space<vmem>>
        %get3A_925 = arith.index_cast %scan3A_875 : i32 to index
        %get3A_926 = arith.constant 48 : index
        %get3A_927 = tpu.vector_load %get3A_924[%get3A_925, %get3A_926] {strides = array<i32>} : memref<80x256xf32, #tpu.memory_space<vmem>>, vector<16xf32>,
        %get3A_928 = arith.constant 0 : i32
        %get3A_929 = arith.constant 0 : i32
        %get3A_930 = tpu.memref_slice %arg10[%scan3A_501, %get3A_928, %get3A_929] : memref<2x80x256xf32, #tpu.memory_space<vmem>> -> memref<1x80x256xf32, #tpu.memory_space<vmem>>
        %get3A_931 = tpu.memref_squeeze %get3A_930 : memref<1x80x256xf32, #tpu.memory_space<vmem>> -> memref<80x256xf32, #tpu.memory_space<vmem>>
        %get3A_932 = arith.index_cast %scan3A_875 : i32 to index
        %get3A_933 = arith.constant 48 : index
        %get3A_934 = tpu.vector_load %get3A_931[%get3A_932, %get3A_933] {strides = array<i32>} : memref<80x256xf32, #tpu.memory_space<vmem>>, vector<16xf32>,
        %mul3A_935 = arith.mulf %get3A_927, %get3A_934 : vector<16xf32>
        %get3A_936 = arith.constant 0 : i32
        %get3A_937 = arith.constant 0 : i32
        %get3A_938 = tpu.memref_slice %arg9[%scan3A_500, %get3A_936, %get3A_937] : memref<2x80x256xf32, #tpu.memory_space<vmem>> -> memref<1x80x256xf32, #tpu.memory_space<vmem>>
        %get3A_939 = tpu.memref_squeeze %get3A_938 : memref<1x80x256xf32, #tpu.memory_space<vmem>> -> memref<80x256xf32, #tpu.memory_space<vmem>>
        %get3A_940 = arith.index_cast %scan3A_875 : i32 to index
        %get3A_941 = arith.constant 64 : index
        %get3A_942 = tpu.vector_load %get3A_939[%get3A_940, %get3A_941] {strides = array<i32>} : memref<80x256xf32, #tpu.memory_space<vmem>>, vector<16xf32>,
        %get3A_943 = arith.constant 0 : i32
        %get3A_944 = arith.constant 0 : i32
        %get3A_945 = tpu.memref_slice %arg10[%scan3A_501, %get3A_943, %get3A_944] : memref<2x80x256xf32, #tpu.memory_space<vmem>> -> memref<1x80x256xf32, #tpu.memory_space<vmem>>
        %get3A_946 = tpu.memref_squeeze %get3A_945 : memref<1x80x256xf32, #tpu.memory_space<vmem>> -> memref<80x256xf32, #tpu.memory_space<vmem>>
        %get3A_947 = arith.index_cast %scan3A_875 : i32 to index
        %get3A_948 = arith.constant 64 : index
        %get3A_949 = tpu.vector_load %get3A_946[%get3A_947, %get3A_948] {strides = array<i32>} : memref<80x256xf32, #tpu.memory_space<vmem>>, vector<16xf32>,
        %mul3A_950 = arith.mulf %get3A_942, %get3A_949 : vector<16xf32>
        %get3A_951 = arith.constant 0 : i32
        %get3A_952 = arith.constant 0 : i32
        %get3A_953 = tpu.memref_slice %arg9[%scan3A_500, %get3A_951, %get3A_952] : memref<2x80x256xf32, #tpu.memory_space<vmem>> -> memref<1x80x256xf32, #tpu.memory_space<vmem>>
        %get3A_954 = tpu.memref_squeeze %get3A_953 : memref<1x80x256xf32, #tpu.memory_space<vmem>> -> memref<80x256xf32, #tpu.memory_space<vmem>>
        %get3A_955 = arith.index_cast %scan3A_875 : i32 to index
        %get3A_956 = arith.constant 80 : index
        %get3A_957 = tpu.vector_load %get3A_954[%get3A_955, %get3A_956] {strides = array<i32>} : memref<80x256xf32, #tpu.memory_space<vmem>>, vector<16xf32>,
        %get3A_958 = arith.constant 0 : i32
        %get3A_959 = arith.constant 0 : i32
        %get3A_960 = tpu.memref_slice %arg10[%scan3A_501, %get3A_958, %get3A_959] : memref<2x80x256xf32, #tpu.memory_space<vmem>> -> memref<1x80x256xf32, #tpu.memory_space<vmem>>
        %get3A_961 = tpu.memref_squeeze %get3A_960 : memref<1x80x256xf32, #tpu.memory_space<vmem>> -> memref<80x256xf32, #tpu.memory_space<vmem>>
        %get3A_962 = arith.index_cast %scan3A_875 : i32 to index
        %get3A_963 = arith.constant 80 : index
        %get3A_964 = tpu.vector_load %get3A_961[%get3A_962, %get3A_963] {strides = array<i32>} : memref<80x256xf32, #tpu.memory_space<vmem>>, vector<16xf32>,
        %mul3A_965 = arith.mulf %get3A_957, %get3A_964 : vector<16xf32>
        %get3A_966 = arith.constant 0 : i32
        %get3A_967 = arith.constant 0 : i32
        %get3A_968 = tpu.memref_slice %arg9[%scan3A_500, %get3A_966, %get3A_967] : memref<2x80x256xf32, #tpu.memory_space<vmem>> -> memref<1x80x256xf32, #tpu.memory_space<vmem>>
        %get3A_969 = tpu.memref_squeeze %get3A_968 : memref<1x80x256xf32, #tpu.memory_space<vmem>> -> memref<80x256xf32, #tpu.memory_space<vmem>>
        %get3A_970 = arith.index_cast %scan3A_875 : i32 to index
        %get3A_971 = arith.constant 96 : index
        %get3A_972 = tpu.vector_load %get3A_969[%get3A_970, %get3A_971] {strides = array<i32>} : memref<80x256xf32, #tpu.memory_space<vmem>>, vector<16xf32>,
        %get3A_973 = arith.constant 0 : i32
        %get3A_974 = arith.constant 0 : i32
        %get3A_975 = tpu.memref_slice %arg10[%scan3A_501, %get3A_973, %get3A_974] : memref<2x80x256xf32, #tpu.memory_space<vmem>> -> memref<1x80x256xf32, #tpu.memory_space<vmem>>
        %get3A_976 = tpu.memref_squeeze %get3A_975 : memref<1x80x256xf32, #tpu.memory_space<vmem>> -> memref<80x256xf32, #tpu.memory_space<vmem>>
        %get3A_977 = arith.index_cast %scan3A_875 : i32 to index
        %get3A_978 = arith.constant 96 : index
        %get3A_979 = tpu.vector_load %get3A_976[%get3A_977, %get3A_978] {strides = array<i32>} : memref<80x256xf32, #tpu.memory_space<vmem>>, vector<16xf32>,
        %mul3A_980 = arith.mulf %get3A_972, %get3A_979 : vector<16xf32>
        %get3A_981 = arith.constant 0 : i32
        %get3A_982 = arith.constant 0 : i32
        %get3A_983 = tpu.memref_slice %arg9[%scan3A_500, %get3A_981, %get3A_982] : memref<2x80x256xf32, #tpu.memory_space<vmem>> -> memref<1x80x256xf32, #tpu.memory_space<vmem>>
        %get3A_984 = tpu.memref_squeeze %get3A_983 : memref<1x80x256xf32, #tpu.memory_space<vmem>> -> memref<80x256xf32, #tpu.memory_space<vmem>>
        %get3A_985 = arith.index_cast %scan3A_875 : i32 to index
        %get3A_986 = arith.constant 112 : index
        %get3A_987 = tpu.vector_load %get3A_984[%get3A_985, %get3A_986] {strides = array<i32>} : memref<80x256xf32, #tpu.memory_space<vmem>>, vector<16xf32>,
        %get3A_988 = arith.constant 0 : i32
        %get3A_989 = arith.constant 0 : i32
        %get3A_990 = tpu.memref_slice %arg10[%scan3A_501, %get3A_988, %get3A_989] : memref<2x80x256xf32, #tpu.memory_space<vmem>> -> memref<1x80x256xf32, #tpu.memory_space<vmem>>
        %get3A_991 = tpu.memref_squeeze %get3A_990 : memref<1x80x256xf32, #tpu.memory_space<vmem>> -> memref<80x256xf32, #tpu.memory_space<vmem>>
        %get3A_992 = arith.index_cast %scan3A_875 : i32 to index
        %get3A_993 = arith.constant 112 : index
        %get3A_994 = tpu.vector_load %get3A_991[%get3A_992, %get3A_993] {strides = array<i32>} : memref<80x256xf32, #tpu.memory_space<vmem>>, vector<16xf32>,
        %mul3A_995 = arith.mulf %get3A_987, %get3A_994 : vector<16xf32>
        %get3A_996 = arith.constant 0 : i32
        %get3A_997 = arith.constant 0 : i32
        %get3A_998 = tpu.memref_slice %arg9[%scan3A_500, %get3A_996, %get3A_997] : memref<2x80x256xf32, #tpu.memory_space<vmem>> -> memref<1x80x256xf32, #tpu.memory_space<vmem>>
        %get3A_999 = tpu.memref_squeeze %get3A_998 : memref<1x80x256xf32, #tpu.memory_space<vmem>> -> memref<80x256xf32, #tpu.memory_space<vmem>>
        %get3A_1000 = arith.index_cast %scan3A_875 : i32 to index
        %get3A_1001 = arith.constant 128 : index
        %get3A_1002 = tpu.vector_load %get3A_999[%get3A_1000, %get3A_1001] {strides = array<i32>} : memref<80x256xf32, #tpu.memory_space<vmem>>, vector<16xf32>,
        %get3A_1003 = arith.constant 0 : i32
        %get3A_1004 = arith.constant 0 : i32
        %get3A_1005 = tpu.memref_slice %arg10[%scan3A_501, %get3A_1003, %get3A_1004] : memref<2x80x256xf32, #tpu.memory_space<vmem>> -> memref<1x80x256xf32, #tpu.memory_space<vmem>>
        %get3A_1006 = tpu.memref_squeeze %get3A_1005 : memref<1x80x256xf32, #tpu.memory_space<vmem>> -> memref<80x256xf32, #tpu.memory_space<vmem>>
        %get3A_1007 = arith.index_cast %scan3A_875 : i32 to index
        %get3A_1008 = arith.constant 128 : index
        %get3A_1009 = tpu.vector_load %get3A_1006[%get3A_1007, %get3A_1008] {strides = array<i32>} : memref<80x256xf32, #tpu.memory_space<vmem>>, vector<16xf32>,
        %mul3A_1010 = arith.mulf %get3A_1002, %get3A_1009 : vector<16xf32>
        %get3A_1011 = arith.constant 0 : i32
        %get3A_1012 = arith.constant 0 : i32
        %get3A_1013 = tpu.memref_slice %arg9[%scan3A_500, %get3A_1011, %get3A_1012] : memref<2x80x256xf32, #tpu.memory_space<vmem>> -> memref<1x80x256xf32, #tpu.memory_space<vmem>>
        %get3A_1014 = tpu.memref_squeeze %get3A_1013 : memref<1x80x256xf32, #tpu.memory_space<vmem>> -> memref<80x256xf32, #tpu.memory_space<vmem>>
        %get3A_1015 = arith.index_cast %scan3A_875 : i32 to index
        %get3A_1016 = arith.constant 144 : index
        %get3A_1017 = tpu.vector_load %get3A_1014[%get3A_1015, %get3A_1016] {strides = array<i32>} : memref<80x256xf32, #tpu.memory_space<vmem>>, vector<16xf32>,
        %get3A_1018 = arith.constant 0 : i32
        %get3A_1019 = arith.constant 0 : i32
        %get3A_1020 = tpu.memref_slice %arg10[%scan3A_501, %get3A_1018, %get3A_1019] : memref<2x80x256xf32, #tpu.memory_space<vmem>> -> memref<1x80x256xf32, #tpu.memory_space<vmem>>
        %get3A_1021 = tpu.memref_squeeze %get3A_1020 : memref<1x80x256xf32, #tpu.memory_space<vmem>> -> memref<80x256xf32, #tpu.memory_space<vmem>>
        %get3A_1022 = arith.index_cast %scan3A_875 : i32 to index
        %get3A_1023 = arith.constant 144 : index
        %get3A_1024 = tpu.vector_load %get3A_1021[%get3A_1022, %get3A_1023] {strides = array<i32>} : memref<80x256xf32, #tpu.memory_space<vmem>>, vector<16xf32>,
        %mul3A_1025 = arith.mulf %get3A_1017, %get3A_1024 : vector<16xf32>
        %get3A_1026 = arith.constant 0 : i32
        %get3A_1027 = arith.constant 0 : i32
        %get3A_1028 = tpu.memref_slice %arg9[%scan3A_500, %get3A_1026, %get3A_1027] : memref<2x80x256xf32, #tpu.memory_space<vmem>> -> memref<1x80x256xf32, #tpu.memory_space<vmem>>
        %get3A_1029 = tpu.memref_squeeze %get3A_1028 : memref<1x80x256xf32, #tpu.memory_space<vmem>> -> memref<80x256xf32, #tpu.memory_space<vmem>>
        %get3A_1030 = arith.index_cast %scan3A_875 : i32 to index
        %get3A_1031 = arith.constant 160 : index
        %get3A_1032 = tpu.vector_load %get3A_1029[%get3A_1030, %get3A_1031] {strides = array<i32>} : memref<80x256xf32, #tpu.memory_space<vmem>>, vector<16xf32>,
        %get3A_1033 = arith.constant 0 : i32
        %get3A_1034 = arith.constant 0 : i32
        %get3A_1035 = tpu.memref_slice %arg10[%scan3A_501, %get3A_1033, %get3A_1034] : memref<2x80x256xf32, #tpu.memory_space<vmem>> -> memref<1x80x256xf32, #tpu.memory_space<vmem>>
        %get3A_1036 = tpu.memref_squeeze %get3A_1035 : memref<1x80x256xf32, #tpu.memory_space<vmem>> -> memref<80x256xf32, #tpu.memory_space<vmem>>
        %get3A_1037 = arith.index_cast %scan3A_875 : i32 to index
        %get3A_1038 = arith.constant 160 : index
        %get3A_1039 = tpu.vector_load %get3A_1036[%get3A_1037, %get3A_1038] {strides = array<i32>} : memref<80x256xf32, #tpu.memory_space<vmem>>, vector<16xf32>,
        %mul3A_1040 = arith.mulf %get3A_1032, %get3A_1039 : vector<16xf32>
        %get3A_1041 = arith.constant 0 : i32
        %get3A_1042 = arith.constant 0 : i32
        %get3A_1043 = tpu.memref_slice %arg9[%scan3A_500, %get3A_1041, %get3A_1042] : memref<2x80x256xf32, #tpu.memory_space<vmem>> -> memref<1x80x256xf32, #tpu.memory_space<vmem>>
        %get3A_1044 = tpu.memref_squeeze %get3A_1043 : memref<1x80x256xf32, #tpu.memory_space<vmem>> -> memref<80x256xf32, #tpu.memory_space<vmem>>
        %get3A_1045 = arith.index_cast %scan3A_875 : i32 to index
        %get3A_1046 = arith.constant 176 : index
        %get3A_1047 = tpu.vector_load %get3A_1044[%get3A_1045, %get3A_1046] {strides = array<i32>} : memref<80x256xf32, #tpu.memory_space<vmem>>, vector<16xf32>,
        %get3A_1048 = arith.constant 0 : i32
        %get3A_1049 = arith.constant 0 : i32
        %get3A_1050 = tpu.memref_slice %arg10[%scan3A_501, %get3A_1048, %get3A_1049] : memref<2x80x256xf32, #tpu.memory_space<vmem>> -> memref<1x80x256xf32, #tpu.memory_space<vmem>>
        %get3A_1051 = tpu.memref_squeeze %get3A_1050 : memref<1x80x256xf32, #tpu.memory_space<vmem>> -> memref<80x256xf32, #tpu.memory_space<vmem>>
        %get3A_1052 = arith.index_cast %scan3A_875 : i32 to index
        %get3A_1053 = arith.constant 176 : index
        %get3A_1054 = tpu.vector_load %get3A_1051[%get3A_1052, %get3A_1053] {strides = array<i32>} : memref<80x256xf32, #tpu.memory_space<vmem>>, vector<16xf32>,
        %mul3A_1055 = arith.mulf %get3A_1047, %get3A_1054 : vector<16xf32>
        %get3A_1056 = arith.constant 0 : i32
        %get3A_1057 = arith.constant 0 : i32
        %get3A_1058 = tpu.memref_slice %arg9[%scan3A_500, %get3A_1056, %get3A_1057] : memref<2x80x256xf32, #tpu.memory_space<vmem>> -> memref<1x80x256xf32, #tpu.memory_space<vmem>>
        %get3A_1059 = tpu.memref_squeeze %get3A_1058 : memref<1x80x256xf32, #tpu.memory_space<vmem>> -> memref<80x256xf32, #tpu.memory_space<vmem>>
        %get3A_1060 = arith.index_cast %scan3A_875 : i32 to index
        %get3A_1061 = arith.constant 192 : index
        %get3A_1062 = tpu.vector_load %get3A_1059[%get3A_1060, %get3A_1061] {strides = array<i32>} : memref<80x256xf32, #tpu.memory_space<vmem>>, vector<16xf32>,
        %get3A_1063 = arith.constant 0 : i32
        %get3A_1064 = arith.constant 0 : i32
        %get3A_1065 = tpu.memref_slice %arg10[%scan3A_501, %get3A_1063, %get3A_1064] : memref<2x80x256xf32, #tpu.memory_space<vmem>> -> memref<1x80x256xf32, #tpu.memory_space<vmem>>
        %get3A_1066 = tpu.memref_squeeze %get3A_1065 : memref<1x80x256xf32, #tpu.memory_space<vmem>> -> memref<80x256xf32, #tpu.memory_space<vmem>>
        %get3A_1067 = arith.index_cast %scan3A_875 : i32 to index
        %get3A_1068 = arith.constant 192 : index
        %get3A_1069 = tpu.vector_load %get3A_1066[%get3A_1067, %get3A_1068] {strides = array<i32>} : memref<80x256xf32, #tpu.memory_space<vmem>>, vector<16xf32>,
        %mul3A_1070 = arith.mulf %get3A_1062, %get3A_1069 : vector<16xf32>
        %get3A_1071 = arith.constant 0 : i32
        %get3A_1072 = arith.constant 0 : i32
        %get3A_1073 = tpu.memref_slice %arg9[%scan3A_500, %get3A_1071, %get3A_1072] : memref<2x80x256xf32, #tpu.memory_space<vmem>> -> memref<1x80x256xf32, #tpu.memory_space<vmem>>
        %get3A_1074 = tpu.memref_squeeze %get3A_1073 : memref<1x80x256xf32, #tpu.memory_space<vmem>> -> memref<80x256xf32, #tpu.memory_space<vmem>>
        %get3A_1075 = arith.index_cast %scan3A_875 : i32 to index
        %get3A_1076 = arith.constant 208 : index
        %get3A_1077 = tpu.vector_load %get3A_1074[%get3A_1075, %get3A_1076] {strides = array<i32>} : memref<80x256xf32, #tpu.memory_space<vmem>>, vector<16xf32>,
        %get3A_1078 = arith.constant 0 : i32
        %get3A_1079 = arith.constant 0 : i32
        %get3A_1080 = tpu.memref_slice %arg10[%scan3A_501, %get3A_1078, %get3A_1079] : memref<2x80x256xf32, #tpu.memory_space<vmem>> -> memref<1x80x256xf32, #tpu.memory_space<vmem>>
        %get3A_1081 = tpu.memref_squeeze %get3A_1080 : memref<1x80x256xf32, #tpu.memory_space<vmem>> -> memref<80x256xf32, #tpu.memory_space<vmem>>
        %get3A_1082 = arith.index_cast %scan3A_875 : i32 to index
        %get3A_1083 = arith.constant 208 : index
        %get3A_1084 = tpu.vector_load %get3A_1081[%get3A_1082, %get3A_1083] {strides = array<i32>} : memref<80x256xf32, #tpu.memory_space<vmem>>, vector<16xf32>,
        %mul3A_1085 = arith.mulf %get3A_1077, %get3A_1084 : vector<16xf32>
        %get3A_1086 = arith.constant 0 : i32
        %get3A_1087 = arith.constant 0 : i32
        %get3A_1088 = tpu.memref_slice %arg9[%scan3A_500, %get3A_1086, %get3A_1087] : memref<2x80x256xf32, #tpu.memory_space<vmem>> -> memref<1x80x256xf32, #tpu.memory_space<vmem>>
        %get3A_1089 = tpu.memref_squeeze %get3A_1088 : memref<1x80x256xf32, #tpu.memory_space<vmem>> -> memref<80x256xf32, #tpu.memory_space<vmem>>
        %get3A_1090 = arith.index_cast %scan3A_875 : i32 to index
        %get3A_1091 = arith.constant 224 : index
        %get3A_1092 = tpu.vector_load %get3A_1089[%get3A_1090, %get3A_1091] {strides = array<i32>} : memref<80x256xf32, #tpu.memory_space<vmem>>, vector<16xf32>,
        %get3A_1093 = arith.constant 0 : i32
        %get3A_1094 = arith.constant 0 : i32
        %get3A_1095 = tpu.memref_slice %arg10[%scan3A_501, %get3A_1093, %get3A_1094] : memref<2x80x256xf32, #tpu.memory_space<vmem>> -> memref<1x80x256xf32, #tpu.memory_space<vmem>>
        %get3A_1096 = tpu.memref_squeeze %get3A_1095 : memref<1x80x256xf32, #tpu.memory_space<vmem>> -> memref<80x256xf32, #tpu.memory_space<vmem>>
        %get3A_1097 = arith.index_cast %scan3A_875 : i32 to index
        %get3A_1098 = arith.constant 224 : index
        %get3A_1099 = tpu.vector_load %get3A_1096[%get3A_1097, %get3A_1098] {strides = array<i32>} : memref<80x256xf32, #tpu.memory_space<vmem>>, vector<16xf32>,
        %mul3A_1100 = arith.mulf %get3A_1092, %get3A_1099 : vector<16xf32>
        %get3A_1101 = arith.constant 0 : i32
        %get3A_1102 = arith.constant 0 : i32
        %get3A_1103 = tpu.memref_slice %arg9[%scan3A_500, %get3A_1101, %get3A_1102] : memref<2x80x256xf32, #tpu.memory_space<vmem>> -> memref<1x80x256xf32, #tpu.memory_space<vmem>>
        %get3A_1104 = tpu.memref_squeeze %get3A_1103 : memref<1x80x256xf32, #tpu.memory_space<vmem>> -> memref<80x256xf32, #tpu.memory_space<vmem>>
        %get3A_1105 = arith.index_cast %scan3A_875 : i32 to index
        %get3A_1106 = arith.constant 240 : index
        %get3A_1107 = tpu.vector_load %get3A_1104[%get3A_1105, %get3A_1106] {strides = array<i32>} : memref<80x256xf32, #tpu.memory_space<vmem>>, vector<16xf32>,
        %get3A_1108 = arith.constant 0 : i32
        %get3A_1109 = arith.constant 0 : i32
        %get3A_1110 = tpu.memref_slice %arg10[%scan3A_501, %get3A_1108, %get3A_1109] : memref<2x80x256xf32, #tpu.memory_space<vmem>> -> memref<1x80x256xf32, #tpu.memory_space<vmem>>
        %get3A_1111 = tpu.memref_squeeze %get3A_1110 : memref<1x80x256xf32, #tpu.memory_space<vmem>> -> memref<80x256xf32, #tpu.memory_space<vmem>>
        %get3A_1112 = arith.index_cast %scan3A_875 : i32 to index
        %get3A_1113 = arith.constant 240 : index
        %get3A_1114 = tpu.vector_load %get3A_1111[%get3A_1112, %get3A_1113] {strides = array<i32>} : memref<80x256xf32, #tpu.memory_space<vmem>>, vector<16xf32>,
        %mul3A_1115 = arith.mulf %get3A_1107, %get3A_1114 : vector<16xf32>
        %add3A_1116 = arith.addf %mul3A_890, %mul3A_905 : vector<16xf32>
        %add3A_1117 = arith.addf %mul3A_920, %mul3A_935 : vector<16xf32>
        %add3A_1118 = arith.addf %mul3A_950, %mul3A_965 : vector<16xf32>
        %add3A_1119 = arith.addf %mul3A_980, %mul3A_995 : vector<16xf32>
        %add3A_1120 = arith.addf %mul3A_1010, %mul3A_1025 : vector<16xf32>
        %add3A_1121 = arith.addf %mul3A_1040, %mul3A_1055 : vector<16xf32>
        %add3A_1122 = arith.addf %mul3A_1070, %mul3A_1085 : vector<16xf32>
        %add3A_1123 = arith.addf %mul3A_1100, %mul3A_1115 : vector<16xf32>
        %add3A_1124 = arith.addf %add3A_1116, %add3A_1117 : vector<16xf32>
        %add3A_1125 = arith.addf %add3A_1118, %add3A_1119 : vector<16xf32>
        %add3A_1126 = arith.addf %add3A_1120, %add3A_1121 : vector<16xf32>
        %add3A_1127 = arith.addf %add3A_1122, %add3A_1123 : vector<16xf32>
        %add3A_1128 = arith.addf %add3A_1124, %add3A_1125 : vector<16xf32>
        %add3A_1129 = arith.addf %add3A_1126, %add3A_1127 : vector<16xf32>
        %add3A_1130 = arith.addf %add3A_1128, %add3A_1129 : vector<16xf32>
        %swap3A_1131 = arith.index_cast %scan3A_875 : i32 to index
        %swap3A_1132 = arith.constant 0 : index
        %swap3A_1133 = tpu.vector_load %arg11[%swap3A_1131, %swap3A_1132] {strides = array<i32>} : memref<80x16xf32, #tpu.memory_space<vmem>>, vector<16xf32>,
        tpu.vector_store %arg11[%swap3A_1131, %swap3A_1132], %add3A_1130 {strides = array<i32>} : memref<80x16xf32, #tpu.memory_space<vmem>>, vector<16xf32>,
        %scan3A_1134 = arith.constant 0 : i32
        scf.yield %scan3A_1134 : i32
      }
      %scan3A_508 = arith.constant 80 : i32
      %iota3A_509 = tpu.iota {dimensions = array<i32: 0>} : vector<16xi32>
      %add3A_510 = arith.constant 0 : i32
      %add3A_511 = vector.broadcast %add3A_510 : i32 to vector<16xi32>
      %add3A_512 = arith.addi %iota3A_509, %add3A_511 : vector<16xi32>
      %broadcast_in_dim3A_513 = arith.constant 0 : i32
      %broadcast_in_dim3A_514 = vector.broadcast %broadcast_in_dim3A_513 : i32 to vector<16xi32>
      %gather3A_515 = tpu.vector_load_idx %arg11[%add3A_512, %broadcast_in_dim3A_514] : memref<80x16xf32, #tpu.memory_space<vmem>>[vector<16xi32>, vector<16xi32>], vector<16xf32>,
      %broadcast_in_dim3A_516 = arith.constant 1 : i32
      %broadcast_in_dim3A_517 = vector.broadcast %broadcast_in_dim3A_516 : i32 to vector<16xi32>
      %gather3A_518 = tpu.vector_load_idx %arg11[%add3A_512, %broadcast_in_dim3A_517] : memref<80x16xf32, #tpu.memory_space<vmem>>[vector<16xi32>, vector<16xi32>], vector<16xf32>,
      %broadcast_in_dim3A_519 = arith.constant 2 : i32
      %broadcast_in_dim3A_520 = vector.broadcast %broadcast_in_dim3A_519 : i32 to vector<16xi32>
      %gather3A_521 = tpu.vector_load_idx %arg11[%add3A_512, %broadcast_in_dim3A_520] : memref<80x16xf32, #tpu.memory_space<vmem>>[vector<16xi32>, vector<16xi32>], vector<16xf32>,
      %broadcast_in_dim3A_522 = arith.constant 3 : i32
      %broadcast_in_dim3A_523 = vector.broadcast %broadcast_in_dim3A_522 : i32 to vector<16xi32>
      %gather3A_524 = tpu.vector_load_idx %arg11[%add3A_512, %broadcast_in_dim3A_523] : memref<80x16xf32, #tpu.memory_space<vmem>>[vector<16xi32>, vector<16xi32>], vector<16xf32>,
      %broadcast_in_dim3A_525 = arith.constant 4 : i32
      %broadcast_in_dim3A_526 = vector.broadcast %broadcast_in_dim3A_525 : i32 to vector<16xi32>
      %gather3A_527 = tpu.vector_load_idx %arg11[%add3A_512, %broadcast_in_dim3A_526] : memref<80x16xf32, #tpu.memory_space<vmem>>[vector<16xi32>, vector<16xi32>], vector<16xf32>,
      %broadcast_in_dim3A_528 = arith.constant 5 : i32
      %broadcast_in_dim3A_529 = vector.broadcast %broadcast_in_dim3A_528 : i32 to vector<16xi32>
      %gather3A_530 = tpu.vector_load_idx %arg11[%add3A_512, %broadcast_in_dim3A_529] : memref<80x16xf32, #tpu.memory_space<vmem>>[vector<16xi32>, vector<16xi32>], vector<16xf32>,
      %broadcast_in_dim3A_531 = arith.constant 6 : i32
      %broadcast_in_dim3A_532 = vector.broadcast %broadcast_in_dim3A_531 : i32 to vector<16xi32>
      %gather3A_533 = tpu.vector_load_idx %arg11[%add3A_512, %broadcast_in_dim3A_532] : memref<80x16xf32, #tpu.memory_space<vmem>>[vector<16xi32>, vector<16xi32>], vector<16xf32>,
      %broadcast_in_dim3A_534 = arith.constant 7 : i32
      %broadcast_in_dim3A_535 = vector.broadcast %broadcast_in_dim3A_534 : i32 to vector<16xi32>
      %gather3A_536 = tpu.vector_load_idx %arg11[%add3A_512, %broadcast_in_dim3A_535] : memref<80x16xf32, #tpu.memory_space<vmem>>[vector<16xi32>, vector<16xi32>], vector<16xf32>,
      %broadcast_in_dim3A_537 = arith.constant 8 : i32
      %broadcast_in_dim3A_538 = vector.broadcast %broadcast_in_dim3A_537 : i32 to vector<16xi32>
      %gather3A_539 = tpu.vector_load_idx %arg11[%add3A_512, %broadcast_in_dim3A_538] : memref<80x16xf32, #tpu.memory_space<vmem>>[vector<16xi32>, vector<16xi32>], vector<16xf32>,
      %broadcast_in_dim3A_540 = arith.constant 9 : i32
      %broadcast_in_dim3A_541 = vector.broadcast %broadcast_in_dim3A_540 : i32 to vector<16xi32>
      %gather3A_542 = tpu.vector_load_idx %arg11[%add3A_512, %broadcast_in_dim3A_541] : memref<80x16xf32, #tpu.memory_space<vmem>>[vector<16xi32>, vector<16xi32>], vector<16xf32>,
      %broadcast_in_dim3A_543 = arith.constant 10 : i32
      %broadcast_in_dim3A_544 = vector.broadcast %broadcast_in_dim3A_543 : i32 to vector<16xi32>
      %gather3A_545 = tpu.vector_load_idx %arg11[%add3A_512, %broadcast_in_dim3A_544] : memref<80x16xf32, #tpu.memory_space<vmem>>[vector<16xi32>, vector<16xi32>], vector<16xf32>,
      %broadcast_in_dim3A_546 = arith.constant 11 : i32
      %broadcast_in_dim3A_547 = vector.broadcast %broadcast_in_dim3A_546 : i32 to vector<16xi32>
      %gather3A_548 = tpu.vector_load_idx %arg11[%add3A_512, %broadcast_in_dim3A_547] : memref<80x16xf32, #tpu.memory_space<vmem>>[vector<16xi32>, vector<16xi32>], vector<16xf32>,
      %broadcast_in_dim3A_549 = arith.constant 12 : i32
      %broadcast_in_dim3A_550 = vector.broadcast %broadcast_in_dim3A_549 : i32 to vector<16xi32>
      %gather3A_551 = tpu.vector_load_idx %arg11[%add3A_512, %broadcast_in_dim3A_550] : memref<80x16xf32, #tpu.memory_space<vmem>>[vector<16xi32>, vector<16xi32>], vector<16xf32>,
      %broadcast_in_dim3A_552 = arith.constant 13 : i32
      %broadcast_in_dim3A_553 = vector.broadcast %broadcast_in_dim3A_552 : i32 to vector<16xi32>
      %gather3A_554 = tpu.vector_load_idx %arg11[%add3A_512, %broadcast_in_dim3A_553] : memref<80x16xf32, #tpu.memory_space<vmem>>[vector<16xi32>, vector<16xi32>], vector<16xf32>,
      %broadcast_in_dim3A_555 = arith.constant 14 : i32
      %broadcast_in_dim3A_556 = vector.broadcast %broadcast_in_dim3A_555 : i32 to vector<16xi32>
      %gather3A_557 = tpu.vector_load_idx %arg11[%add3A_512, %broadcast_in_dim3A_556] : memref<80x16xf32, #tpu.memory_space<vmem>>[vector<16xi32>, vector<16xi32>], vector<16xf32>,
      %broadcast_in_dim3A_558 = arith.constant 15 : i32
      %broadcast_in_dim3A_559 = vector.broadcast %broadcast_in_dim3A_558 : i32 to vector<16xi32>
      %gather3A_560 = tpu.vector_load_idx %arg11[%add3A_512, %broadcast_in_dim3A_559] : memref<80x16xf32, #tpu.memory_space<vmem>>[vector<16xi32>, vector<16xi32>], vector<16xf32>,
      %add3A_561 = arith.addf %gather3A_515, %gather3A_518 : vector<16xf32>
      %add3A_562 = arith.addf %gather3A_521, %gather3A_524 : vector<16xf32>
      %add3A_563 = arith.addf %gather3A_527, %gather3A_530 : vector<16xf32>
      %add3A_564 = arith.addf %gather3A_533, %gather3A_536 : vector<16xf32>
      %add3A_565 = arith.addf %gather3A_539, %gather3A_542 : vector<16xf32>
      %add3A_566 = arith.addf %gather3A_545, %gather3A_548 : vector<16xf32>
      %add3A_567 = arith.addf %gather3A_551, %gather3A_554 : vector<16xf32>
      %add3A_568 = arith.addf %gather3A_557, %gather3A_560 : vector<16xf32>
      %add3A_569 = arith.addf %add3A_561, %add3A_562 : vector<16xf32>
      %add3A_570 = arith.addf %add3A_563, %add3A_564 : vector<16xf32>
      %add3A_571 = arith.addf %add3A_565, %add3A_566 : vector<16xf32>
      %add3A_572 = arith.addf %add3A_567, %add3A_568 : vector<16xf32>
      %add3A_573 = arith.addf %add3A_569, %add3A_570 : vector<16xf32>
      %add3A_574 = arith.addf %add3A_571, %add3A_572 : vector<16xf32>
      %add3A_575 = arith.addf %add3A_573, %add3A_574 : vector<16xf32>
      %mul3A_576 = arith.constant 80 : i32
      %mul3A_577 = arith.muli %add3A_499, %mul3A_576 : i32
      %add3A_578 = arith.constant 0 : i32
      %add3A_579 = arith.addi %mul3A_577, %add3A_578 : i32
      %swap3A_580 = arith.index_cast %add3A_579 : i32 to index
      %swap3A_581 = tpu.vector_load %arg12[%swap3A_580] {strides = array<i32>} : memref<5040xf32, #tpu.memory_space<vmem>>, vector<16xf32>,
      tpu.vector_store %arg12[%swap3A_580], %add3A_575 {strides = array<i32>} : memref<5040xf32, #tpu.memory_space<vmem>>, vector<16xf32>,
      %iota3A_582 = tpu.iota {dimensions = array<i32: 0>} : vector<16xi32>
      %add3A_583 = arith.constant 16 : i32
      %add3A_584 = vector.broadcast %add3A_583 : i32 to vector<16xi32>
      %add3A_585 = arith.addi %iota3A_582, %add3A_584 : vector<16xi32>
      %broadcast_in_dim3A_586 = arith.constant 0 : i32
      %broadcast_in_dim3A_587 = vector.broadcast %broadcast_in_dim3A_586 : i32 to vector<16xi32>
      %gather3A_588 = tpu.vector_load_idx %arg11[%add3A_585, %broadcast_in_dim3A_587] : memref<80x16xf32, #tpu.memory_space<vmem>>[vector<16xi32>, vector<16xi32>], vector<16xf32>,
      %broadcast_in_dim3A_589 = arith.constant 1 : i32
      %broadcast_in_dim3A_590 = vector.broadcast %broadcast_in_dim3A_589 : i32 to vector<16xi32>
      %gather3A_591 = tpu.vector_load_idx %arg11[%add3A_585, %broadcast_in_dim3A_590] : memref<80x16xf32, #tpu.memory_space<vmem>>[vector<16xi32>, vector<16xi32>], vector<16xf32>,
      %broadcast_in_dim3A_592 = arith.constant 2 : i32
      %broadcast_in_dim3A_593 = vector.broadcast %broadcast_in_dim3A_592 : i32 to vector<16xi32>
      %gather3A_594 = tpu.vector_load_idx %arg11[%add3A_585, %broadcast_in_dim3A_593] : memref<80x16xf32, #tpu.memory_space<vmem>>[vector<16xi32>, vector<16xi32>], vector<16xf32>,
      %broadcast_in_dim3A_595 = arith.constant 3 : i32
      %broadcast_in_dim3A_596 = vector.broadcast %broadcast_in_dim3A_595 : i32 to vector<16xi32>
      %gather3A_597 = tpu.vector_load_idx %arg11[%add3A_585, %broadcast_in_dim3A_596] : memref<80x16xf32, #tpu.memory_space<vmem>>[vector<16xi32>, vector<16xi32>], vector<16xf32>,
      %broadcast_in_dim3A_598 = arith.constant 4 : i32
      %broadcast_in_dim3A_599 = vector.broadcast %broadcast_in_dim3A_598 : i32 to vector<16xi32>
      %gather3A_600 = tpu.vector_load_idx %arg11[%add3A_585, %broadcast_in_dim3A_599] : memref<80x16xf32, #tpu.memory_space<vmem>>[vector<16xi32>, vector<16xi32>], vector<16xf32>,
      %broadcast_in_dim3A_601 = arith.constant 5 : i32
      %broadcast_in_dim3A_602 = vector.broadcast %broadcast_in_dim3A_601 : i32 to vector<16xi32>
      %gather3A_603 = tpu.vector_load_idx %arg11[%add3A_585, %broadcast_in_dim3A_602] : memref<80x16xf32, #tpu.memory_space<vmem>>[vector<16xi32>, vector<16xi32>], vector<16xf32>,
      %broadcast_in_dim3A_604 = arith.constant 6 : i32
      %broadcast_in_dim3A_605 = vector.broadcast %broadcast_in_dim3A_604 : i32 to vector<16xi32>
      %gather3A_606 = tpu.vector_load_idx %arg11[%add3A_585, %broadcast_in_dim3A_605] : memref<80x16xf32, #tpu.memory_space<vmem>>[vector<16xi32>, vector<16xi32>], vector<16xf32>,
      %broadcast_in_dim3A_607 = arith.constant 7 : i32
      %broadcast_in_dim3A_608 = vector.broadcast %broadcast_in_dim3A_607 : i32 to vector<16xi32>
      %gather3A_609 = tpu.vector_load_idx %arg11[%add3A_585, %broadcast_in_dim3A_608] : memref<80x16xf32, #tpu.memory_space<vmem>>[vector<16xi32>, vector<16xi32>], vector<16xf32>,
      %broadcast_in_dim3A_610 = arith.constant 8 : i32
      %broadcast_in_dim3A_611 = vector.broadcast %broadcast_in_dim3A_610 : i32 to vector<16xi32>
      %gather3A_612 = tpu.vector_load_idx %arg11[%add3A_585, %broadcast_in_dim3A_611] : memref<80x16xf32, #tpu.memory_space<vmem>>[vector<16xi32>, vector<16xi32>], vector<16xf32>,
      %broadcast_in_dim3A_613 = arith.constant 9 : i32
      %broadcast_in_dim3A_614 = vector.broadcast %broadcast_in_dim3A_613 : i32 to vector<16xi32>
      %gather3A_615 = tpu.vector_load_idx %arg11[%add3A_585, %broadcast_in_dim3A_614] : memref<80x16xf32, #tpu.memory_space<vmem>>[vector<16xi32>, vector<16xi32>], vector<16xf32>,
      %broadcast_in_dim3A_616 = arith.constant 10 : i32
      %broadcast_in_dim3A_617 = vector.broadcast %broadcast_in_dim3A_616 : i32 to vector<16xi32>
      %gather3A_618 = tpu.vector_load_idx %arg11[%add3A_585, %broadcast_in_dim3A_617] : memref<80x16xf32, #tpu.memory_space<vmem>>[vector<16xi32>, vector<16xi32>], vector<16xf32>,
      %broadcast_in_dim3A_619 = arith.constant 11 : i32
      %broadcast_in_dim3A_620 = vector.broadcast %broadcast_in_dim3A_619 : i32 to vector<16xi32>
      %gather3A_621 = tpu.vector_load_idx %arg11[%add3A_585, %broadcast_in_dim3A_620] : memref<80x16xf32, #tpu.memory_space<vmem>>[vector<16xi32>, vector<16xi32>], vector<16xf32>,
      %broadcast_in_dim3A_622 = arith.constant 12 : i32
      %broadcast_in_dim3A_623 = vector.broadcast %broadcast_in_dim3A_622 : i32 to vector<16xi32>
      %gather3A_624 = tpu.vector_load_idx %arg11[%add3A_585, %broadcast_in_dim3A_623] : memref<80x16xf32, #tpu.memory_space<vmem>>[vector<16xi32>, vector<16xi32>], vector<16xf32>,
      %broadcast_in_dim3A_625 = arith.constant 13 : i32
      %broadcast_in_dim3A_626 = vector.broadcast %broadcast_in_dim3A_625 : i32 to vector<16xi32>
      %gather3A_627 = tpu.vector_load_idx %arg11[%add3A_585, %broadcast_in_dim3A_626] : memref<80x16xf32, #tpu.memory_space<vmem>>[vector<16xi32>, vector<16xi32>], vector<16xf32>,
      %broadcast_in_dim3A_628 = arith.constant 14 : i32
      %broadcast_in_dim3A_629 = vector.broadcast %broadcast_in_dim3A_628 : i32 to vector<16xi32>
      %gather3A_630 = tpu.vector_load_idx %arg11[%add3A_585, %broadcast_in_dim3A_629] : memref<80x16xf32, #tpu.memory_space<vmem>>[vector<16xi32>, vector<16xi32>], vector<16xf32>,
      %broadcast_in_dim3A_631 = arith.constant 15 : i32
      %broadcast_in_dim3A_632 = vector.broadcast %broadcast_in_dim3A_631 : i32 to vector<16xi32>
      %gather3A_633 = tpu.vector_load_idx %arg11[%add3A_585, %broadcast_in_dim3A_632] : memref<80x16xf32, #tpu.memory_space<vmem>>[vector<16xi32>, vector<16xi32>], vector<16xf32>,
      %add3A_634 = arith.addf %gather3A_588, %gather3A_591 : vector<16xf32>
      %add3A_635 = arith.addf %gather3A_594, %gather3A_597 : vector<16xf32>
      %add3A_636 = arith.addf %gather3A_600, %gather3A_603 : vector<16xf32>
      %add3A_637 = arith.addf %gather3A_606, %gather3A_609 : vector<16xf32>
      %add3A_638 = arith.addf %gather3A_612, %gather3A_615 : vector<16xf32>
      %add3A_639 = arith.addf %gather3A_618, %gather3A_621 : vector<16xf32>
      %add3A_640 = arith.addf %gather3A_624, %gather3A_627 : vector<16xf32>
      %add3A_641 = arith.addf %gather3A_630, %gather3A_633 : vector<16xf32>
      %add3A_642 = arith.addf %add3A_634, %add3A_635 : vector<16xf32>
      %add3A_643 = arith.addf %add3A_636, %add3A_637 : vector<16xf32>
      %add3A_644 = arith.addf %add3A_638, %add3A_639 : vector<16xf32>
      %add3A_645 = arith.addf %add3A_640, %add3A_641 : vector<16xf32>
      %add3A_646 = arith.addf %add3A_642, %add3A_643 : vector<16xf32>
      %add3A_647 = arith.addf %add3A_644, %add3A_645 : vector<16xf32>
      %add3A_648 = arith.addf %add3A_646, %add3A_647 : vector<16xf32>
      %mul3A_649 = arith.constant 80 : i32
      %mul3A_650 = arith.muli %add3A_499, %mul3A_649 : i32
      %add3A_651 = arith.constant 16 : i32
      %add3A_652 = arith.addi %mul3A_650, %add3A_651 : i32
      %swap3A_653 = arith.index_cast %add3A_652 : i32 to index
      %swap3A_654 = tpu.vector_load %arg12[%swap3A_653] {strides = array<i32>} : memref<5040xf32, #tpu.memory_space<vmem>>, vector<16xf32>,
      tpu.vector_store %arg12[%swap3A_653], %add3A_648 {strides = array<i32>} : memref<5040xf32, #tpu.memory_space<vmem>>, vector<16xf32>,
      %iota3A_655 = tpu.iota {dimensions = array<i32: 0>} : vector<16xi32>
      %add3A_656 = arith.constant 32 : i32
      %add3A_657 = vector.broadcast %add3A_656 : i32 to vector<16xi32>
      %add3A_658 = arith.addi %iota3A_655, %add3A_657 : vector<16xi32>
      %broadcast_in_dim3A_659 = arith.constant 0 : i32
      %broadcast_in_dim3A_660 = vector.broadcast %broadcast_in_dim3A_659 : i32 to vector<16xi32>
      %gather3A_661 = tpu.vector_load_idx %arg11[%add3A_658, %broadcast_in_dim3A_660] : memref<80x16xf32, #tpu.memory_space<vmem>>[vector<16xi32>, vector<16xi32>], vector<16xf32>,
      %broadcast_in_dim3A_662 = arith.constant 1 : i32
      %broadcast_in_dim3A_663 = vector.broadcast %broadcast_in_dim3A_662 : i32 to vector<16xi32>
      %gather3A_664 = tpu.vector_load_idx %arg11[%add3A_658, %broadcast_in_dim3A_663] : memref<80x16xf32, #tpu.memory_space<vmem>>[vector<16xi32>, vector<16xi32>], vector<16xf32>,
      %broadcast_in_dim3A_665 = arith.constant 2 : i32
      %broadcast_in_dim3A_666 = vector.broadcast %broadcast_in_dim3A_665 : i32 to vector<16xi32>
      %gather3A_667 = tpu.vector_load_idx %arg11[%add3A_658, %broadcast_in_dim3A_666] : memref<80x16xf32, #tpu.memory_space<vmem>>[vector<16xi32>, vector<16xi32>], vector<16xf32>,
      %broadcast_in_dim3A_668 = arith.constant 3 : i32
      %broadcast_in_dim3A_669 = vector.broadcast %broadcast_in_dim3A_668 : i32 to vector<16xi32>
      %gather3A_670 = tpu.vector_load_idx %arg11[%add3A_658, %broadcast_in_dim3A_669] : memref<80x16xf32, #tpu.memory_space<vmem>>[vector<16xi32>, vector<16xi32>], vector<16xf32>,
      %broadcast_in_dim3A_671 = arith.constant 4 : i32
      %broadcast_in_dim3A_672 = vector.broadcast %broadcast_in_dim3A_671 : i32 to vector<16xi32>
      %gather3A_673 = tpu.vector_load_idx %arg11[%add3A_658, %broadcast_in_dim3A_672] : memref<80x16xf32, #tpu.memory_space<vmem>>[vector<16xi32>, vector<16xi32>], vector<16xf32>,
      %broadcast_in_dim3A_674 = arith.constant 5 : i32
      %broadcast_in_dim3A_675 = vector.broadcast %broadcast_in_dim3A_674 : i32 to vector<16xi32>
      %gather3A_676 = tpu.vector_load_idx %arg11[%add3A_658, %broadcast_in_dim3A_675] : memref<80x16xf32, #tpu.memory_space<vmem>>[vector<16xi32>, vector<16xi32>], vector<16xf32>,
      %broadcast_in_dim3A_677 = arith.constant 6 : i32
      %broadcast_in_dim3A_678 = vector.broadcast %broadcast_in_dim3A_677 : i32 to vector<16xi32>
      %gather3A_679 = tpu.vector_load_idx %arg11[%add3A_658, %broadcast_in_dim3A_678] : memref<80x16xf32, #tpu.memory_space<vmem>>[vector<16xi32>, vector<16xi32>], vector<16xf32>,
      %broadcast_in_dim3A_680 = arith.constant 7 : i32
      %broadcast_in_dim3A_681 = vector.broadcast %broadcast_in_dim3A_680 : i32 to vector<16xi32>
      %gather3A_682 = tpu.vector_load_idx %arg11[%add3A_658, %broadcast_in_dim3A_681] : memref<80x16xf32, #tpu.memory_space<vmem>>[vector<16xi32>, vector<16xi32>], vector<16xf32>,
      %broadcast_in_dim3A_683 = arith.constant 8 : i32
      %broadcast_in_dim3A_684 = vector.broadcast %broadcast_in_dim3A_683 : i32 to vector<16xi32>
      %gather3A_685 = tpu.vector_load_idx %arg11[%add3A_658, %broadcast_in_dim3A_684] : memref<80x16xf32, #tpu.memory_space<vmem>>[vector<16xi32>, vector<16xi32>], vector<16xf32>,
      %broadcast_in_dim3A_686 = arith.constant 9 : i32
      %broadcast_in_dim3A_687 = vector.broadcast %broadcast_in_dim3A_686 : i32 to vector<16xi32>
      %gather3A_688 = tpu.vector_load_idx %arg11[%add3A_658, %broadcast_in_dim3A_687] : memref<80x16xf32, #tpu.memory_space<vmem>>[vector<16xi32>, vector<16xi32>], vector<16xf32>,
      %broadcast_in_dim3A_689 = arith.constant 10 : i32
      %broadcast_in_dim3A_690 = vector.broadcast %broadcast_in_dim3A_689 : i32 to vector<16xi32>
      %gather3A_691 = tpu.vector_load_idx %arg11[%add3A_658, %broadcast_in_dim3A_690] : memref<80x16xf32, #tpu.memory_space<vmem>>[vector<16xi32>, vector<16xi32>], vector<16xf32>,
      %broadcast_in_dim3A_692 = arith.constant 11 : i32
      %broadcast_in_dim3A_693 = vector.broadcast %broadcast_in_dim3A_692 : i32 to vector<16xi32>
      %gather3A_694 = tpu.vector_load_idx %arg11[%add3A_658, %broadcast_in_dim3A_693] : memref<80x16xf32, #tpu.memory_space<vmem>>[vector<16xi32>, vector<16xi32>], vector<16xf32>,
      %broadcast_in_dim3A_695 = arith.constant 12 : i32
      %broadcast_in_dim3A_696 = vector.broadcast %broadcast_in_dim3A_695 : i32 to vector<16xi32>
      %gather3A_697 = tpu.vector_load_idx %arg11[%add3A_658, %broadcast_in_dim3A_696] : memref<80x16xf32, #tpu.memory_space<vmem>>[vector<16xi32>, vector<16xi32>], vector<16xf32>,
      %broadcast_in_dim3A_698 = arith.constant 13 : i32
      %broadcast_in_dim3A_699 = vector.broadcast %broadcast_in_dim3A_698 : i32 to vector<16xi32>
      %gather3A_700 = tpu.vector_load_idx %arg11[%add3A_658, %broadcast_in_dim3A_699] : memref<80x16xf32, #tpu.memory_space<vmem>>[vector<16xi32>, vector<16xi32>], vector<16xf32>,
      %broadcast_in_dim3A_701 = arith.constant 14 : i32
      %broadcast_in_dim3A_702 = vector.broadcast %broadcast_in_dim3A_701 : i32 to vector<16xi32>
      %gather3A_703 = tpu.vector_load_idx %arg11[%add3A_658, %broadcast_in_dim3A_702] : memref<80x16xf32, #tpu.memory_space<vmem>>[vector<16xi32>, vector<16xi32>], vector<16xf32>,
      %broadcast_in_dim3A_704 = arith.constant 15 : i32
      %broadcast_in_dim3A_705 = vector.broadcast %broadcast_in_dim3A_704 : i32 to vector<16xi32>
      %gather3A_706 = tpu.vector_load_idx %arg11[%add3A_658, %broadcast_in_dim3A_705] : memref<80x16xf32, #tpu.memory_space<vmem>>[vector<16xi32>, vector<16xi32>], vector<16xf32>,
      %add3A_707 = arith.addf %gather3A_661, %gather3A_664 : vector<16xf32>
      %add3A_708 = arith.addf %gather3A_667, %gather3A_670 : vector<16xf32>
      %add3A_709 = arith.addf %gather3A_673, %gather3A_676 : vector<16xf32>
      %add3A_710 = arith.addf %gather3A_679, %gather3A_682 : vector<16xf32>
      %add3A_711 = arith.addf %gather3A_685, %gather3A_688 : vector<16xf32>
      %add3A_712 = arith.addf %gather3A_691, %gather3A_694 : vector<16xf32>
      %add3A_713 = arith.addf %gather3A_697, %gather3A_700 : vector<16xf32>
      %add3A_714 = arith.addf %gather3A_703, %gather3A_706 : vector<16xf32>
      %add3A_715 = arith.addf %add3A_707, %add3A_708 : vector<16xf32>
      %add3A_716 = arith.addf %add3A_709, %add3A_710 : vector<16xf32>
      %add3A_717 = arith.addf %add3A_711, %add3A_712 : vector<16xf32>
      %add3A_718 = arith.addf %add3A_713, %add3A_714 : vector<16xf32>
      %add3A_719 = arith.addf %add3A_715, %add3A_716 : vector<16xf32>
      %add3A_720 = arith.addf %add3A_717, %add3A_718 : vector<16xf32>
      %add3A_721 = arith.addf %add3A_719, %add3A_720 : vector<16xf32>
      %mul3A_722 = arith.constant 80 : i32
      %mul3A_723 = arith.muli %add3A_499, %mul3A_722 : i32
      %add3A_724 = arith.constant 32 : i32
      %add3A_725 = arith.addi %mul3A_723, %add3A_724 : i32
      %swap3A_726 = arith.index_cast %add3A_725 : i32 to index
      %swap3A_727 = tpu.vector_load %arg12[%swap3A_726] {strides = array<i32>} : memref<5040xf32, #tpu.memory_space<vmem>>, vector<16xf32>,
      tpu.vector_store %arg12[%swap3A_726], %add3A_721 {strides = array<i32>} : memref<5040xf32, #tpu.memory_space<vmem>>, vector<16xf32>,
      %iota3A_728 = tpu.iota {dimensions = array<i32: 0>} : vector<16xi32>
      %add3A_729 = arith.constant 48 : i32
      %add3A_730 = vector.broadcast %add3A_729 : i32 to vector<16xi32>
      %add3A_731 = arith.addi %iota3A_728, %add3A_730 : vector<16xi32>
      %broadcast_in_dim3A_732 = arith.constant 0 : i32
      %broadcast_in_dim3A_733 = vector.broadcast %broadcast_in_dim3A_732 : i32 to vector<16xi32>
      %gather3A_734 = tpu.vector_load_idx %arg11[%add3A_731, %broadcast_in_dim3A_733] : memref<80x16xf32, #tpu.memory_space<vmem>>[vector<16xi32>, vector<16xi32>], vector<16xf32>,
      %broadcast_in_dim3A_735 = arith.constant 1 : i32
      %broadcast_in_dim3A_736 = vector.broadcast %broadcast_in_dim3A_735 : i32 to vector<16xi32>
      %gather3A_737 = tpu.vector_load_idx %arg11[%add3A_731, %broadcast_in_dim3A_736] : memref<80x16xf32, #tpu.memory_space<vmem>>[vector<16xi32>, vector<16xi32>], vector<16xf32>,
      %broadcast_in_dim3A_738 = arith.constant 2 : i32
      %broadcast_in_dim3A_739 = vector.broadcast %broadcast_in_dim3A_738 : i32 to vector<16xi32>
      %gather3A_740 = tpu.vector_load_idx %arg11[%add3A_731, %broadcast_in_dim3A_739] : memref<80x16xf32, #tpu.memory_space<vmem>>[vector<16xi32>, vector<16xi32>], vector<16xf32>,
      %broadcast_in_dim3A_741 = arith.constant 3 : i32
      %broadcast_in_dim3A_742 = vector.broadcast %broadcast_in_dim3A_741 : i32 to vector<16xi32>
      %gather3A_743 = tpu.vector_load_idx %arg11[%add3A_731, %broadcast_in_dim3A_742] : memref<80x16xf32, #tpu.memory_space<vmem>>[vector<16xi32>, vector<16xi32>], vector<16xf32>,
      %broadcast_in_dim3A_744 = arith.constant 4 : i32
      %broadcast_in_dim3A_745 = vector.broadcast %broadcast_in_dim3A_744 : i32 to vector<16xi32>
      %gather3A_746 = tpu.vector_load_idx %arg11[%add3A_731, %broadcast_in_dim3A_745] : memref<80x16xf32, #tpu.memory_space<vmem>>[vector<16xi32>, vector<16xi32>], vector<16xf32>,
      %broadcast_in_dim3A_747 = arith.constant 5 : i32
      %broadcast_in_dim3A_748 = vector.broadcast %broadcast_in_dim3A_747 : i32 to vector<16xi32>
      %gather3A_749 = tpu.vector_load_idx %arg11[%add3A_731, %broadcast_in_dim3A_748] : memref<80x16xf32, #tpu.memory_space<vmem>>[vector<16xi32>, vector<16xi32>], vector<16xf32>,
      %broadcast_in_dim3A_750 = arith.constant 6 : i32
      %broadcast_in_dim3A_751 = vector.broadcast %broadcast_in_dim3A_750 : i32 to vector<16xi32>
      %gather3A_752 = tpu.vector_load_idx %arg11[%add3A_731, %broadcast_in_dim3A_751] : memref<80x16xf32, #tpu.memory_space<vmem>>[vector<16xi32>, vector<16xi32>], vector<16xf32>,
      %broadcast_in_dim3A_753 = arith.constant 7 : i32
      %broadcast_in_dim3A_754 = vector.broadcast %broadcast_in_dim3A_753 : i32 to vector<16xi32>
      %gather3A_755 = tpu.vector_load_idx %arg11[%add3A_731, %broadcast_in_dim3A_754] : memref<80x16xf32, #tpu.memory_space<vmem>>[vector<16xi32>, vector<16xi32>], vector<16xf32>,
      %broadcast_in_dim3A_756 = arith.constant 8 : i32
      %broadcast_in_dim3A_757 = vector.broadcast %broadcast_in_dim3A_756 : i32 to vector<16xi32>
      %gather3A_758 = tpu.vector_load_idx %arg11[%add3A_731, %broadcast_in_dim3A_757] : memref<80x16xf32, #tpu.memory_space<vmem>>[vector<16xi32>, vector<16xi32>], vector<16xf32>,
      %broadcast_in_dim3A_759 = arith.constant 9 : i32
      %broadcast_in_dim3A_760 = vector.broadcast %broadcast_in_dim3A_759 : i32 to vector<16xi32>
      %gather3A_761 = tpu.vector_load_idx %arg11[%add3A_731, %broadcast_in_dim3A_760] : memref<80x16xf32, #tpu.memory_space<vmem>>[vector<16xi32>, vector<16xi32>], vector<16xf32>,
      %broadcast_in_dim3A_762 = arith.constant 10 : i32
      %broadcast_in_dim3A_763 = vector.broadcast %broadcast_in_dim3A_762 : i32 to vector<16xi32>
      %gather3A_764 = tpu.vector_load_idx %arg11[%add3A_731, %broadcast_in_dim3A_763] : memref<80x16xf32, #tpu.memory_space<vmem>>[vector<16xi32>, vector<16xi32>], vector<16xf32>,
      %broadcast_in_dim3A_765 = arith.constant 11 : i32
      %broadcast_in_dim3A_766 = vector.broadcast %broadcast_in_dim3A_765 : i32 to vector<16xi32>
      %gather3A_767 = tpu.vector_load_idx %arg11[%add3A_731, %broadcast_in_dim3A_766] : memref<80x16xf32, #tpu.memory_space<vmem>>[vector<16xi32>, vector<16xi32>], vector<16xf32>,
      %broadcast_in_dim3A_768 = arith.constant 12 : i32
      %broadcast_in_dim3A_769 = vector.broadcast %broadcast_in_dim3A_768 : i32 to vector<16xi32>
      %gather3A_770 = tpu.vector_load_idx %arg11[%add3A_731, %broadcast_in_dim3A_769] : memref<80x16xf32, #tpu.memory_space<vmem>>[vector<16xi32>, vector<16xi32>], vector<16xf32>,
      %broadcast_in_dim3A_771 = arith.constant 13 : i32
      %broadcast_in_dim3A_772 = vector.broadcast %broadcast_in_dim3A_771 : i32 to vector<16xi32>
      %gather3A_773 = tpu.vector_load_idx %arg11[%add3A_731, %broadcast_in_dim3A_772] : memref<80x16xf32, #tpu.memory_space<vmem>>[vector<16xi32>, vector<16xi32>], vector<16xf32>,
      %broadcast_in_dim3A_774 = arith.constant 14 : i32
      %broadcast_in_dim3A_775 = vector.broadcast %broadcast_in_dim3A_774 : i32 to vector<16xi32>
      %gather3A_776 = tpu.vector_load_idx %arg11[%add3A_731, %broadcast_in_dim3A_775] : memref<80x16xf32, #tpu.memory_space<vmem>>[vector<16xi32>, vector<16xi32>], vector<16xf32>,
      %broadcast_in_dim3A_777 = arith.constant 15 : i32
      %broadcast_in_dim3A_778 = vector.broadcast %broadcast_in_dim3A_777 : i32 to vector<16xi32>
      %gather3A_779 = tpu.vector_load_idx %arg11[%add3A_731, %broadcast_in_dim3A_778] : memref<80x16xf32, #tpu.memory_space<vmem>>[vector<16xi32>, vector<16xi32>], vector<16xf32>,
      %add3A_780 = arith.addf %gather3A_734, %gather3A_737 : vector<16xf32>
      %add3A_781 = arith.addf %gather3A_740, %gather3A_743 : vector<16xf32>
      %add3A_782 = arith.addf %gather3A_746, %gather3A_749 : vector<16xf32>
      %add3A_783 = arith.addf %gather3A_752, %gather3A_755 : vector<16xf32>
      %add3A_784 = arith.addf %gather3A_758, %gather3A_761 : vector<16xf32>
      %add3A_785 = arith.addf %gather3A_764, %gather3A_767 : vector<16xf32>
      %add3A_786 = arith.addf %gather3A_770, %gather3A_773 : vector<16xf32>
      %add3A_787 = arith.addf %gather3A_776, %gather3A_779 : vector<16xf32>
      %add3A_788 = arith.addf %add3A_780, %add3A_781 : vector<16xf32>
      %add3A_789 = arith.addf %add3A_782, %add3A_783 : vector<16xf32>
      %add3A_790 = arith.addf %add3A_784, %add3A_785 : vector<16xf32>
      %add3A_791 = arith.addf %add3A_786, %add3A_787 : vector<16xf32>
      %add3A_792 = arith.addf %add3A_788, %add3A_789 : vector<16xf32>
      %add3A_793 = arith.addf %add3A_790, %add3A_791 : vector<16xf32>
      %add3A_794 = arith.addf %add3A_792, %add3A_793 : vector<16xf32>
      %mul3A_795 = arith.constant 80 : i32
      %mul3A_796 = arith.muli %add3A_499, %mul3A_795 : i32
      %add3A_797 = arith.constant 48 : i32
      %add3A_798 = arith.addi %mul3A_796, %add3A_797 : i32
      %swap3A_799 = arith.index_cast %add3A_798 : i32 to index
      %swap3A_800 = tpu.vector_load %arg12[%swap3A_799] {strides = array<i32>} : memref<5040xf32, #tpu.memory_space<vmem>>, vector<16xf32>,
      tpu.vector_store %arg12[%swap3A_799], %add3A_794 {strides = array<i32>} : memref<5040xf32, #tpu.memory_space<vmem>>, vector<16xf32>,
      %iota3A_801 = tpu.iota {dimensions = array<i32: 0>} : vector<16xi32>
      %add3A_802 = arith.constant 64 : i32
      %add3A_803 = vector.broadcast %add3A_802 : i32 to vector<16xi32>
      %add3A_804 = arith.addi %iota3A_801, %add3A_803 : vector<16xi32>
      %broadcast_in_dim3A_805 = arith.constant 0 : i32
      %broadcast_in_dim3A_806 = vector.broadcast %broadcast_in_dim3A_805 : i32 to vector<16xi32>
      %gather3A_807 = tpu.vector_load_idx %arg11[%add3A_804, %broadcast_in_dim3A_806] : memref<80x16xf32, #tpu.memory_space<vmem>>[vector<16xi32>, vector<16xi32>], vector<16xf32>,
      %broadcast_in_dim3A_808 = arith.constant 1 : i32
      %broadcast_in_dim3A_809 = vector.broadcast %broadcast_in_dim3A_808 : i32 to vector<16xi32>
      %gather3A_810 = tpu.vector_load_idx %arg11[%add3A_804, %broadcast_in_dim3A_809] : memref<80x16xf32, #tpu.memory_space<vmem>>[vector<16xi32>, vector<16xi32>], vector<16xf32>,
      %broadcast_in_dim3A_811 = arith.constant 2 : i32
      %broadcast_in_dim3A_812 = vector.broadcast %broadcast_in_dim3A_811 : i32 to vector<16xi32>
      %gather3A_813 = tpu.vector_load_idx %arg11[%add3A_804, %broadcast_in_dim3A_812] : memref<80x16xf32, #tpu.memory_space<vmem>>[vector<16xi32>, vector<16xi32>], vector<16xf32>,
      %broadcast_in_dim3A_814 = arith.constant 3 : i32
      %broadcast_in_dim3A_815 = vector.broadcast %broadcast_in_dim3A_814 : i32 to vector<16xi32>
      %gather3A_816 = tpu.vector_load_idx %arg11[%add3A_804, %broadcast_in_dim3A_815] : memref<80x16xf32, #tpu.memory_space<vmem>>[vector<16xi32>, vector<16xi32>], vector<16xf32>,
      %broadcast_in_dim3A_817 = arith.constant 4 : i32
      %broadcast_in_dim3A_818 = vector.broadcast %broadcast_in_dim3A_817 : i32 to vector<16xi32>
      %gather3A_819 = tpu.vector_load_idx %arg11[%add3A_804, %broadcast_in_dim3A_818] : memref<80x16xf32, #tpu.memory_space<vmem>>[vector<16xi32>, vector<16xi32>], vector<16xf32>,
      %broadcast_in_dim3A_820 = arith.constant 5 : i32
      %broadcast_in_dim3A_821 = vector.broadcast %broadcast_in_dim3A_820 : i32 to vector<16xi32>
      %gather3A_822 = tpu.vector_load_idx %arg11[%add3A_804, %broadcast_in_dim3A_821] : memref<80x16xf32, #tpu.memory_space<vmem>>[vector<16xi32>, vector<16xi32>], vector<16xf32>,
      %broadcast_in_dim3A_823 = arith.constant 6 : i32
      %broadcast_in_dim3A_824 = vector.broadcast %broadcast_in_dim3A_823 : i32 to vector<16xi32>
      %gather3A_825 = tpu.vector_load_idx %arg11[%add3A_804, %broadcast_in_dim3A_824] : memref<80x16xf32, #tpu.memory_space<vmem>>[vector<16xi32>, vector<16xi32>], vector<16xf32>,
      %broadcast_in_dim3A_826 = arith.constant 7 : i32
      %broadcast_in_dim3A_827 = vector.broadcast %broadcast_in_dim3A_826 : i32 to vector<16xi32>
      %gather3A_828 = tpu.vector_load_idx %arg11[%add3A_804, %broadcast_in_dim3A_827] : memref<80x16xf32, #tpu.memory_space<vmem>>[vector<16xi32>, vector<16xi32>], vector<16xf32>,
      %broadcast_in_dim3A_829 = arith.constant 8 : i32
      %broadcast_in_dim3A_830 = vector.broadcast %broadcast_in_dim3A_829 : i32 to vector<16xi32>
      %gather3A_831 = tpu.vector_load_idx %arg11[%add3A_804, %broadcast_in_dim3A_830] : memref<80x16xf32, #tpu.memory_space<vmem>>[vector<16xi32>, vector<16xi32>], vector<16xf32>,
      %broadcast_in_dim3A_832 = arith.constant 9 : i32
      %broadcast_in_dim3A_833 = vector.broadcast %broadcast_in_dim3A_832 : i32 to vector<16xi32>
      %gather3A_834 = tpu.vector_load_idx %arg11[%add3A_804, %broadcast_in_dim3A_833] : memref<80x16xf32, #tpu.memory_space<vmem>>[vector<16xi32>, vector<16xi32>], vector<16xf32>,
      %broadcast_in_dim3A_835 = arith.constant 10 : i32
      %broadcast_in_dim3A_836 = vector.broadcast %broadcast_in_dim3A_835 : i32 to vector<16xi32>
      %gather3A_837 = tpu.vector_load_idx %arg11[%add3A_804, %broadcast_in_dim3A_836] : memref<80x16xf32, #tpu.memory_space<vmem>>[vector<16xi32>, vector<16xi32>], vector<16xf32>,
      %broadcast_in_dim3A_838 = arith.constant 11 : i32
      %broadcast_in_dim3A_839 = vector.broadcast %broadcast_in_dim3A_838 : i32 to vector<16xi32>
      %gather3A_840 = tpu.vector_load_idx %arg11[%add3A_804, %broadcast_in_dim3A_839] : memref<80x16xf32, #tpu.memory_space<vmem>>[vector<16xi32>, vector<16xi32>], vector<16xf32>,
      %broadcast_in_dim3A_841 = arith.constant 12 : i32
      %broadcast_in_dim3A_842 = vector.broadcast %broadcast_in_dim3A_841 : i32 to vector<16xi32>
      %gather3A_843 = tpu.vector_load_idx %arg11[%add3A_804, %broadcast_in_dim3A_842] : memref<80x16xf32, #tpu.memory_space<vmem>>[vector<16xi32>, vector<16xi32>], vector<16xf32>,
      %broadcast_in_dim3A_844 = arith.constant 13 : i32
      %broadcast_in_dim3A_845 = vector.broadcast %broadcast_in_dim3A_844 : i32 to vector<16xi32>
      %gather3A_846 = tpu.vector_load_idx %arg11[%add3A_804, %broadcast_in_dim3A_845] : memref<80x16xf32, #tpu.memory_space<vmem>>[vector<16xi32>, vector<16xi32>], vector<16xf32>,
      %broadcast_in_dim3A_847 = arith.constant 14 : i32
      %broadcast_in_dim3A_848 = vector.broadcast %broadcast_in_dim3A_847 : i32 to vector<16xi32>
      %gather3A_849 = tpu.vector_load_idx %arg11[%add3A_804, %broadcast_in_dim3A_848] : memref<80x16xf32, #tpu.memory_space<vmem>>[vector<16xi32>, vector<16xi32>], vector<16xf32>,
      %broadcast_in_dim3A_850 = arith.constant 15 : i32
      %broadcast_in_dim3A_851 = vector.broadcast %broadcast_in_dim3A_850 : i32 to vector<16xi32>
      %gather3A_852 = tpu.vector_load_idx %arg11[%add3A_804, %broadcast_in_dim3A_851] : memref<80x16xf32, #tpu.memory_space<vmem>>[vector<16xi32>, vector<16xi32>], vector<16xf32>,
      %add3A_853 = arith.addf %gather3A_807, %gather3A_810 : vector<16xf32>
      %add3A_854 = arith.addf %gather3A_813, %gather3A_816 : vector<16xf32>
      %add3A_855 = arith.addf %gather3A_819, %gather3A_822 : vector<16xf32>
      %add3A_856 = arith.addf %gather3A_825, %gather3A_828 : vector<16xf32>
      %add3A_857 = arith.addf %gather3A_831, %gather3A_834 : vector<16xf32>
      %add3A_858 = arith.addf %gather3A_837, %gather3A_840 : vector<16xf32>
      %add3A_859 = arith.addf %gather3A_843, %gather3A_846 : vector<16xf32>
      %add3A_860 = arith.addf %gather3A_849, %gather3A_852 : vector<16xf32>
      %add3A_861 = arith.addf %add3A_853, %add3A_854 : vector<16xf32>
      %add3A_862 = arith.addf %add3A_855, %add3A_856 : vector<16xf32>
      %add3A_863 = arith.addf %add3A_857, %add3A_858 : vector<16xf32>
      %add3A_864 = arith.addf %add3A_859, %add3A_860 : vector<16xf32>
      %add3A_865 = arith.addf %add3A_861, %add3A_862 : vector<16xf32>
      %add3A_866 = arith.addf %add3A_863, %add3A_864 : vector<16xf32>
      %add3A_867 = arith.addf %add3A_865, %add3A_866 : vector<16xf32>
      %mul3A_868 = arith.constant 80 : i32
      %mul3A_869 = arith.muli %add3A_499, %mul3A_868 : i32
      %add3A_870 = arith.constant 64 : i32
      %add3A_871 = arith.addi %mul3A_869, %add3A_870 : i32
      %swap3A_872 = arith.index_cast %add3A_871 : i32 to index
      %swap3A_873 = tpu.vector_load %arg12[%swap3A_872] {strides = array<i32>} : memref<5040xf32, #tpu.memory_space<vmem>>, vector<16xf32>,
      tpu.vector_store %arg12[%swap3A_872], %add3A_867 {strides = array<i32>} : memref<5040xf32, #tpu.memory_space<vmem>>, vector<16xf32>,
      %scan3A_874 = arith.constant 0 : i32
      scf.yield %scan3A_874 : i32
    }
    %scan3A_38 = arith.constant 31 : i32
    %lt3A_39 = arith.constant 16 : i32
    %lt3A_40 = arith.cmpi slt, %add3A, %lt3A_39 : i32
    %convert_element_type3A_41 = arith.extui %lt3A_40 : i1 to i32
    %cond3A_42 = arith.constant 0 : i32
    %cond3A_43 = arith.cmpi ne, %convert_element_type3A_41, %cond3A_42 : i32
    scf.if %cond3A_43 {
      %dma_wait3A = arith.constant 0 : i32
      %dma_wait3A_49 = arith.constant 0 : i32
      %dma_wait3A_50 = arith.constant 0 : i32
      %dma_wait3A_51 = tpu.memref_slice %arg9[%dma_wait3A, %dma_wait3A_49, %dma_wait3A_50] : memref<2x80x256xf32, #tpu.memory_space<vmem>> -> memref<1x80x256xf32, #tpu.memory_space<vmem>>
      %dma_wait3A_52 = tpu.memref_squeeze %dma_wait3A_51 : memref<1x80x256xf32, #tpu.memory_space<vmem>> -> memref<80x256xf32, #tpu.memory_space<vmem>>
      %dma_wait3A_53 = arith.constant 4960 : i32
      %dma_wait3A_54 = tpu.memref_slice %arg7[%dma_wait3A_53] : memref<5040xi32, #tpu.memory_space<vmem>> -> memref<80xi32, #tpu.memory_space<vmem>>
      %dma_wait3A_55 = arith.constant 0 : i32
      %dma_wait3A_56 = arith.constant 0 : i32
      %dma_wait3A_57 = tpu.memref_slice %arg4[%dma_wait3A_55, %dma_wait3A_56] : memref<10000x256xf32, #tpu.memory_space<hbm>> -> memref<10000x256xf32, #tpu.memory_space<hbm>>
      tpu.wait_indirect_dma semaphore(%arg13 : memref<!tpu.dma_semaphore, #tpu.memory_space<semaphore_mem>>) src(%dma_wait3A_57 : memref<10000x256xf32, #tpu.memory_space<hbm>>) dst(%dma_wait3A_52 : memref<80x256xf32, #tpu.memory_space<vmem>>)
      %dma_wait3A_58 = arith.constant 0 : i32
      %dma_wait3A_59 = arith.constant 0 : i32
      %dma_wait3A_60 = arith.constant 0 : i32
      %dma_wait3A_61 = tpu.memref_slice %arg10[%dma_wait3A_58, %dma_wait3A_59, %dma_wait3A_60] : memref<2x80x256xf32, #tpu.memory_space<vmem>> -> memref<1x80x256xf32, #tpu.memory_space<vmem>>
      %dma_wait3A_62 = tpu.memref_squeeze %dma_wait3A_61 : memref<1x80x256xf32, #tpu.memory_space<vmem>> -> memref<80x256xf32, #tpu.memory_space<vmem>>
      %dma_wait3A_63 = arith.constant 4960 : i32
      %dma_wait3A_64 = tpu.memref_slice %arg8[%dma_wait3A_63] : memref<5040xi32, #tpu.memory_space<vmem>> -> memref<80xi32, #tpu.memory_space<vmem>>
      %dma_wait3A_65 = arith.constant 0 : i32
      %dma_wait3A_66 = arith.constant 0 : i32
      %dma_wait3A_67 = tpu.memref_slice %arg5[%dma_wait3A_65, %dma_wait3A_66] : memref<10000x256xf32, #tpu.memory_space<hbm>> -> memref<10000x256xf32, #tpu.memory_space<hbm>>
      tpu.wait_indirect_dma semaphore(%arg15 : memref<!tpu.dma_semaphore, #tpu.memory_space<semaphore_mem>>) src(%dma_wait3A_67 : memref<10000x256xf32, #tpu.memory_space<hbm>>) dst(%dma_wait3A_62 : memref<80x256xf32, #tpu.memory_space<vmem>>)
      %scan3A_68 = arith.constant 0 : i32
      %scan3A_69 = arith.constant 0 : i32
      %scan3A_70 = arith.constant 0 : i32
      %scan3A_71 = arith.constant 0 : i32
      %scan3A_72 = arith.constant 80 : i32
      %scan3A_73 = arith.addi %scan3A_71, %scan3A_72 : i32
      %scan3A_74 = arith.constant 1 : i32
      %scan3A_75 = scf.for %scan3A_418 = %scan3A_71 to %scan3A_73 step %scan3A_74 iter_args(%scan3A_419 = %scan3A_70) -> (i32)  : i32 {
        %get3A = arith.constant 0 : i32
        %get3A_420 = arith.constant 0 : i32
        %get3A_421 = tpu.memref_slice %arg9[%scan3A_68, %get3A, %get3A_420] : memref<2x80x256xf32, #tpu.memory_space<vmem>> -> memref<1x80x256xf32, #tpu.memory_space<vmem>>
        %get3A_422 = tpu.memref_squeeze %get3A_421 : memref<1x80x256xf32, #tpu.memory_space<vmem>> -> memref<80x256xf32, #tpu.memory_space<vmem>>
        %get3A_423 = arith.index_cast %scan3A_418 : i32 to index
        %get3A_424 = arith.constant 0 : index
        %get3A_425 = tpu.vector_load %get3A_422[%get3A_423, %get3A_424] {strides = array<i32>} : memref<80x256xf32, #tpu.memory_space<vmem>>, vector<16xf32>,
        %get3A_426 = arith.constant 0 : i32
        %get3A_427 = arith.constant 0 : i32
        %get3A_428 = tpu.memref_slice %arg10[%scan3A_69, %get3A_426, %get3A_427] : memref<2x80x256xf32, #tpu.memory_space<vmem>> -> memref<1x80x256xf32, #tpu.memory_space<vmem>>
        %get3A_429 = tpu.memref_squeeze %get3A_428 : memref<1x80x256xf32, #tpu.memory_space<vmem>> -> memref<80x256xf32, #tpu.memory_space<vmem>>
        %get3A_430 = arith.index_cast %scan3A_418 : i32 to index
        %get3A_431 = arith.constant 0 : index
        %get3A_432 = tpu.vector_load %get3A_429[%get3A_430, %get3A_431] {strides = array<i32>} : memref<80x256xf32, #tpu.memory_space<vmem>>, vector<16xf32>,
        %mul3A_433 = arith.mulf %get3A_425, %get3A_432 : vector<16xf32>
        %get3A_434 = arith.constant 0 : i32
        %get3A_435 = arith.constant 0 : i32
        %get3A_436 = tpu.memref_slice %arg9[%scan3A_68, %get3A_434, %get3A_435] : memref<2x80x256xf32, #tpu.memory_space<vmem>> -> memref<1x80x256xf32, #tpu.memory_space<vmem>>
        %get3A_437 = tpu.memref_squeeze %get3A_436 : memref<1x80x256xf32, #tpu.memory_space<vmem>> -> memref<80x256xf32, #tpu.memory_space<vmem>>
        %get3A_438 = arith.index_cast %scan3A_418 : i32 to index
        %get3A_439 = arith.constant 16 : index
        %get3A_440 = tpu.vector_load %get3A_437[%get3A_438, %get3A_439] {strides = array<i32>} : memref<80x256xf32, #tpu.memory_space<vmem>>, vector<16xf32>,
        %get3A_441 = arith.constant 0 : i32
        %get3A_442 = arith.constant 0 : i32
        %get3A_443 = tpu.memref_slice %arg10[%scan3A_69, %get3A_441, %get3A_442] : memref<2x80x256xf32, #tpu.memory_space<vmem>> -> memref<1x80x256xf32, #tpu.memory_space<vmem>>
        %get3A_444 = tpu.memref_squeeze %get3A_443 : memref<1x80x256xf32, #tpu.memory_space<vmem>> -> memref<80x256xf32, #tpu.memory_space<vmem>>
        %get3A_445 = arith.index_cast %scan3A_418 : i32 to index
        %get3A_446 = arith.constant 16 : index
        %get3A_447 = tpu.vector_load %get3A_444[%get3A_445, %get3A_446] {strides = array<i32>} : memref<80x256xf32, #tpu.memory_space<vmem>>, vector<16xf32>,
        %mul3A_448 = arith.mulf %get3A_440, %get3A_447 : vector<16xf32>
        %get3A_449 = arith.constant 0 : i32
        %get3A_450 = arith.constant 0 : i32
        %get3A_451 = tpu.memref_slice %arg9[%scan3A_68, %get3A_449, %get3A_450] : memref<2x80x256xf32, #tpu.memory_space<vmem>> -> memref<1x80x256xf32, #tpu.memory_space<vmem>>
        %get3A_452 = tpu.memref_squeeze %get3A_451 : memref<1x80x256xf32, #tpu.memory_space<vmem>> -> memref<80x256xf32, #tpu.memory_space<vmem>>
        %get3A_453 = arith.index_cast %scan3A_418 : i32 to index
        %get3A_454 = arith.constant 32 : index
        %get3A_455 = tpu.vector_load %get3A_452[%get3A_453, %get3A_454] {strides = array<i32>} : memref<80x256xf32, #tpu.memory_space<vmem>>, vector<16xf32>,
        %get3A_456 = arith.constant 0 : i32
        %get3A_457 = arith.constant 0 : i32
        %get3A_458 = tpu.memref_slice %arg10[%scan3A_69, %get3A_456, %get3A_457] : memref<2x80x256xf32, #tpu.memory_space<vmem>> -> memref<1x80x256xf32, #tpu.memory_space<vmem>>
        %get3A_459 = tpu.memref_squeeze %get3A_458 : memref<1x80x256xf32, #tpu.memory_space<vmem>> -> memref<80x256xf32, #tpu.memory_space<vmem>>
        %get3A_460 = arith.index_cast %scan3A_418 : i32 to index
        %get3A_461 = arith.constant 32 : index
        %get3A_462 = tpu.vector_load %get3A_459[%get3A_460, %get3A_461] {strides = array<i32>} : memref<80x256xf32, #tpu.memory_space<vmem>>, vector<16xf32>,
        %mul3A_463 = arith.mulf %get3A_455, %get3A_462 : vector<16xf32>
        %get3A_464 = arith.constant 0 : i32
        %get3A_465 = arith.constant 0 : i32
        %get3A_466 = tpu.memref_slice %arg9[%scan3A_68, %get3A_464, %get3A_465] : memref<2x80x256xf32, #tpu.memory_space<vmem>> -> memref<1x80x256xf32, #tpu.memory_space<vmem>>
        %get3A_467 = tpu.memref_squeeze %get3A_466 : memref<1x80x256xf32, #tpu.memory_space<vmem>> -> memref<80x256xf32, #tpu.memory_space<vmem>>
        %get3A_468 = arith.index_cast %scan3A_418 : i32 to index
        %get3A_469 = arith.constant 48 : index
        %get3A_470 = tpu.vector_load %get3A_467[%get3A_468, %get3A_469] {strides = array<i32>} : memref<80x256xf32, #tpu.memory_space<vmem>>, vector<16xf32>,
        %get3A_471 = arith.constant 0 : i32
        %get3A_472 = arith.constant 0 : i32
        %get3A_473 = tpu.memref_slice %arg10[%scan3A_69, %get3A_471, %get3A_472] : memref<2x80x256xf32, #tpu.memory_space<vmem>> -> memref<1x80x256xf32, #tpu.memory_space<vmem>>
        %get3A_474 = tpu.memref_squeeze %get3A_473 : memref<1x80x256xf32, #tpu.memory_space<vmem>> -> memref<80x256xf32, #tpu.memory_space<vmem>>
        %get3A_475 = arith.index_cast %scan3A_418 : i32 to index
        %get3A_476 = arith.constant 48 : index
        %get3A_477 = tpu.vector_load %get3A_474[%get3A_475, %get3A_476] {strides = array<i32>} : memref<80x256xf32, #tpu.memory_space<vmem>>, vector<16xf32>,
        %mul3A_478 = arith.mulf %get3A_470, %get3A_477 : vector<16xf32>
        %get3A_479 = arith.constant 0 : i32
        %get3A_480 = arith.constant 0 : i32
        %get3A_481 = tpu.memref_slice %arg9[%scan3A_68, %get3A_479, %get3A_480] : memref<2x80x256xf32, #tpu.memory_space<vmem>> -> memref<1x80x256xf32, #tpu.memory_space<vmem>>
        %get3A_482 = tpu.memref_squeeze %get3A_481 : memref<1x80x256xf32, #tpu.memory_space<vmem>> -> memref<80x256xf32, #tpu.memory_space<vmem>>
        %get3A_483 = arith.index_cast %scan3A_418 : i32 to index
        %get3A_484 = arith.constant 64 : index
        %get3A_485 = tpu.vector_load %get3A_482[%get3A_483, %get3A_484] {strides = array<i32>} : memref<80x256xf32, #tpu.memory_space<vmem>>, vector<16xf32>,
        %get3A_486 = arith.constant 0 : i32
        %get3A_487 = arith.constant 0 : i32
        %get3A_488 = tpu.memref_slice %arg10[%scan3A_69, %get3A_486, %get3A_487] : memref<2x80x256xf32, #tpu.memory_space<vmem>> -> memref<1x80x256xf32, #tpu.memory_space<vmem>>
        %get3A_489 = tpu.memref_squeeze %get3A_488 : memref<1x80x256xf32, #tpu.memory_space<vmem>> -> memref<80x256xf32, #tpu.memory_space<vmem>>
        %get3A_490 = arith.index_cast %scan3A_418 : i32 to index
        %get3A_491 = arith.constant 64 : index
        %get3A_492 = tpu.vector_load %get3A_489[%get3A_490, %get3A_491] {strides = array<i32>} : memref<80x256xf32, #tpu.memory_space<vmem>>, vector<16xf32>,
        %mul3A_493 = arith.mulf %get3A_485, %get3A_492 : vector<16xf32>
        %get3A_494 = arith.constant 0 : i32
        %get3A_495 = arith.constant 0 : i32
        %get3A_496 = tpu.memref_slice %arg9[%scan3A_68, %get3A_494, %get3A_495] : memref<2x80x256xf32, #tpu.memory_space<vmem>> -> memref<1x80x256xf32, #tpu.memory_space<vmem>>
        %get3A_497 = tpu.memref_squeeze %get3A_496 : memref<1x80x256xf32, #tpu.memory_space<vmem>> -> memref<80x256xf32, #tpu.memory_space<vmem>>
        %get3A_498 = arith.index_cast %scan3A_418 : i32 to index
        %get3A_499 = arith.constant 80 : index
        %get3A_500 = tpu.vector_load %get3A_497[%get3A_498, %get3A_499] {strides = array<i32>} : memref<80x256xf32, #tpu.memory_space<vmem>>, vector<16xf32>,
        %get3A_501 = arith.constant 0 : i32
        %get3A_502 = arith.constant 0 : i32
        %get3A_503 = tpu.memref_slice %arg10[%scan3A_69, %get3A_501, %get3A_502] : memref<2x80x256xf32, #tpu.memory_space<vmem>> -> memref<1x80x256xf32, #tpu.memory_space<vmem>>
        %get3A_504 = tpu.memref_squeeze %get3A_503 : memref<1x80x256xf32, #tpu.memory_space<vmem>> -> memref<80x256xf32, #tpu.memory_space<vmem>>
        %get3A_505 = arith.index_cast %scan3A_418 : i32 to index
        %get3A_506 = arith.constant 80 : index
        %get3A_507 = tpu.vector_load %get3A_504[%get3A_505, %get3A_506] {strides = array<i32>} : memref<80x256xf32, #tpu.memory_space<vmem>>, vector<16xf32>,
        %mul3A_508 = arith.mulf %get3A_500, %get3A_507 : vector<16xf32>
        %get3A_509 = arith.constant 0 : i32
        %get3A_510 = arith.constant 0 : i32
        %get3A_511 = tpu.memref_slice %arg9[%scan3A_68, %get3A_509, %get3A_510] : memref<2x80x256xf32, #tpu.memory_space<vmem>> -> memref<1x80x256xf32, #tpu.memory_space<vmem>>
        %get3A_512 = tpu.memref_squeeze %get3A_511 : memref<1x80x256xf32, #tpu.memory_space<vmem>> -> memref<80x256xf32, #tpu.memory_space<vmem>>
        %get3A_513 = arith.index_cast %scan3A_418 : i32 to index
        %get3A_514 = arith.constant 96 : index
        %get3A_515 = tpu.vector_load %get3A_512[%get3A_513, %get3A_514] {strides = array<i32>} : memref<80x256xf32, #tpu.memory_space<vmem>>, vector<16xf32>,
        %get3A_516 = arith.constant 0 : i32
        %get3A_517 = arith.constant 0 : i32
        %get3A_518 = tpu.memref_slice %arg10[%scan3A_69, %get3A_516, %get3A_517] : memref<2x80x256xf32, #tpu.memory_space<vmem>> -> memref<1x80x256xf32, #tpu.memory_space<vmem>>
        %get3A_519 = tpu.memref_squeeze %get3A_518 : memref<1x80x256xf32, #tpu.memory_space<vmem>> -> memref<80x256xf32, #tpu.memory_space<vmem>>
        %get3A_520 = arith.index_cast %scan3A_418 : i32 to index
        %get3A_521 = arith.constant 96 : index
        %get3A_522 = tpu.vector_load %get3A_519[%get3A_520, %get3A_521] {strides = array<i32>} : memref<80x256xf32, #tpu.memory_space<vmem>>, vector<16xf32>,
        %mul3A_523 = arith.mulf %get3A_515, %get3A_522 : vector<16xf32>
        %get3A_524 = arith.constant 0 : i32
        %get3A_525 = arith.constant 0 : i32
        %get3A_526 = tpu.memref_slice %arg9[%scan3A_68, %get3A_524, %get3A_525] : memref<2x80x256xf32, #tpu.memory_space<vmem>> -> memref<1x80x256xf32, #tpu.memory_space<vmem>>
        %get3A_527 = tpu.memref_squeeze %get3A_526 : memref<1x80x256xf32, #tpu.memory_space<vmem>> -> memref<80x256xf32, #tpu.memory_space<vmem>>
        %get3A_528 = arith.index_cast %scan3A_418 : i32 to index
        %get3A_529 = arith.constant 112 : index
        %get3A_530 = tpu.vector_load %get3A_527[%get3A_528, %get3A_529] {strides = array<i32>} : memref<80x256xf32, #tpu.memory_space<vmem>>, vector<16xf32>,
        %get3A_531 = arith.constant 0 : i32
        %get3A_532 = arith.constant 0 : i32
        %get3A_533 = tpu.memref_slice %arg10[%scan3A_69, %get3A_531, %get3A_532] : memref<2x80x256xf32, #tpu.memory_space<vmem>> -> memref<1x80x256xf32, #tpu.memory_space<vmem>>
        %get3A_534 = tpu.memref_squeeze %get3A_533 : memref<1x80x256xf32, #tpu.memory_space<vmem>> -> memref<80x256xf32, #tpu.memory_space<vmem>>
        %get3A_535 = arith.index_cast %scan3A_418 : i32 to index
        %get3A_536 = arith.constant 112 : index
        %get3A_537 = tpu.vector_load %get3A_534[%get3A_535, %get3A_536] {strides = array<i32>} : memref<80x256xf32, #tpu.memory_space<vmem>>, vector<16xf32>,
        %mul3A_538 = arith.mulf %get3A_530, %get3A_537 : vector<16xf32>
        %get3A_539 = arith.constant 0 : i32
        %get3A_540 = arith.constant 0 : i32
        %get3A_541 = tpu.memref_slice %arg9[%scan3A_68, %get3A_539, %get3A_540] : memref<2x80x256xf32, #tpu.memory_space<vmem>> -> memref<1x80x256xf32, #tpu.memory_space<vmem>>
        %get3A_542 = tpu.memref_squeeze %get3A_541 : memref<1x80x256xf32, #tpu.memory_space<vmem>> -> memref<80x256xf32, #tpu.memory_space<vmem>>
        %get3A_543 = arith.index_cast %scan3A_418 : i32 to index
        %get3A_544 = arith.constant 128 : index
        %get3A_545 = tpu.vector_load %get3A_542[%get3A_543, %get3A_544] {strides = array<i32>} : memref<80x256xf32, #tpu.memory_space<vmem>>, vector<16xf32>,
        %get3A_546 = arith.constant 0 : i32
        %get3A_547 = arith.constant 0 : i32
        %get3A_548 = tpu.memref_slice %arg10[%scan3A_69, %get3A_546, %get3A_547] : memref<2x80x256xf32, #tpu.memory_space<vmem>> -> memref<1x80x256xf32, #tpu.memory_space<vmem>>
        %get3A_549 = tpu.memref_squeeze %get3A_548 : memref<1x80x256xf32, #tpu.memory_space<vmem>> -> memref<80x256xf32, #tpu.memory_space<vmem>>
        %get3A_550 = arith.index_cast %scan3A_418 : i32 to index
        %get3A_551 = arith.constant 128 : index
        %get3A_552 = tpu.vector_load %get3A_549[%get3A_550, %get3A_551] {strides = array<i32>} : memref<80x256xf32, #tpu.memory_space<vmem>>, vector<16xf32>,
        %mul3A_553 = arith.mulf %get3A_545, %get3A_552 : vector<16xf32>
        %get3A_554 = arith.constant 0 : i32
        %get3A_555 = arith.constant 0 : i32
        %get3A_556 = tpu.memref_slice %arg9[%scan3A_68, %get3A_554, %get3A_555] : memref<2x80x256xf32, #tpu.memory_space<vmem>> -> memref<1x80x256xf32, #tpu.memory_space<vmem>>
        %get3A_557 = tpu.memref_squeeze %get3A_556 : memref<1x80x256xf32, #tpu.memory_space<vmem>> -> memref<80x256xf32, #tpu.memory_space<vmem>>
        %get3A_558 = arith.index_cast %scan3A_418 : i32 to index
        %get3A_559 = arith.constant 144 : index
        %get3A_560 = tpu.vector_load %get3A_557[%get3A_558, %get3A_559] {strides = array<i32>} : memref<80x256xf32, #tpu.memory_space<vmem>>, vector<16xf32>,
        %get3A_561 = arith.constant 0 : i32
        %get3A_562 = arith.constant 0 : i32
        %get3A_563 = tpu.memref_slice %arg10[%scan3A_69, %get3A_561, %get3A_562] : memref<2x80x256xf32, #tpu.memory_space<vmem>> -> memref<1x80x256xf32, #tpu.memory_space<vmem>>
        %get3A_564 = tpu.memref_squeeze %get3A_563 : memref<1x80x256xf32, #tpu.memory_space<vmem>> -> memref<80x256xf32, #tpu.memory_space<vmem>>
        %get3A_565 = arith.index_cast %scan3A_418 : i32 to index
        %get3A_566 = arith.constant 144 : index
        %get3A_567 = tpu.vector_load %get3A_564[%get3A_565, %get3A_566] {strides = array<i32>} : memref<80x256xf32, #tpu.memory_space<vmem>>, vector<16xf32>,
        %mul3A_568 = arith.mulf %get3A_560, %get3A_567 : vector<16xf32>
        %get3A_569 = arith.constant 0 : i32
        %get3A_570 = arith.constant 0 : i32
        %get3A_571 = tpu.memref_slice %arg9[%scan3A_68, %get3A_569, %get3A_570] : memref<2x80x256xf32, #tpu.memory_space<vmem>> -> memref<1x80x256xf32, #tpu.memory_space<vmem>>
        %get3A_572 = tpu.memref_squeeze %get3A_571 : memref<1x80x256xf32, #tpu.memory_space<vmem>> -> memref<80x256xf32, #tpu.memory_space<vmem>>
        %get3A_573 = arith.index_cast %scan3A_418 : i32 to index
        %get3A_574 = arith.constant 160 : index
        %get3A_575 = tpu.vector_load %get3A_572[%get3A_573, %get3A_574] {strides = array<i32>} : memref<80x256xf32, #tpu.memory_space<vmem>>, vector<16xf32>,
        %get3A_576 = arith.constant 0 : i32
        %get3A_577 = arith.constant 0 : i32
        %get3A_578 = tpu.memref_slice %arg10[%scan3A_69, %get3A_576, %get3A_577] : memref<2x80x256xf32, #tpu.memory_space<vmem>> -> memref<1x80x256xf32, #tpu.memory_space<vmem>>
        %get3A_579 = tpu.memref_squeeze %get3A_578 : memref<1x80x256xf32, #tpu.memory_space<vmem>> -> memref<80x256xf32, #tpu.memory_space<vmem>>
        %get3A_580 = arith.index_cast %scan3A_418 : i32 to index
        %get3A_581 = arith.constant 160 : index
        %get3A_582 = tpu.vector_load %get3A_579[%get3A_580, %get3A_581] {strides = array<i32>} : memref<80x256xf32, #tpu.memory_space<vmem>>, vector<16xf32>,
        %mul3A_583 = arith.mulf %get3A_575, %get3A_582 : vector<16xf32>
        %get3A_584 = arith.constant 0 : i32
        %get3A_585 = arith.constant 0 : i32
        %get3A_586 = tpu.memref_slice %arg9[%scan3A_68, %get3A_584, %get3A_585] : memref<2x80x256xf32, #tpu.memory_space<vmem>> -> memref<1x80x256xf32, #tpu.memory_space<vmem>>
        %get3A_587 = tpu.memref_squeeze %get3A_586 : memref<1x80x256xf32, #tpu.memory_space<vmem>> -> memref<80x256xf32, #tpu.memory_space<vmem>>
        %get3A_588 = arith.index_cast %scan3A_418 : i32 to index
        %get3A_589 = arith.constant 176 : index
        %get3A_590 = tpu.vector_load %get3A_587[%get3A_588, %get3A_589] {strides = array<i32>} : memref<80x256xf32, #tpu.memory_space<vmem>>, vector<16xf32>,
        %get3A_591 = arith.constant 0 : i32
        %get3A_592 = arith.constant 0 : i32
        %get3A_593 = tpu.memref_slice %arg10[%scan3A_69, %get3A_591, %get3A_592] : memref<2x80x256xf32, #tpu.memory_space<vmem>> -> memref<1x80x256xf32, #tpu.memory_space<vmem>>
        %get3A_594 = tpu.memref_squeeze %get3A_593 : memref<1x80x256xf32, #tpu.memory_space<vmem>> -> memref<80x256xf32, #tpu.memory_space<vmem>>
        %get3A_595 = arith.index_cast %scan3A_418 : i32 to index
        %get3A_596 = arith.constant 176 : index
        %get3A_597 = tpu.vector_load %get3A_594[%get3A_595, %get3A_596] {strides = array<i32>} : memref<80x256xf32, #tpu.memory_space<vmem>>, vector<16xf32>,
        %mul3A_598 = arith.mulf %get3A_590, %get3A_597 : vector<16xf32>
        %get3A_599 = arith.constant 0 : i32
        %get3A_600 = arith.constant 0 : i32
        %get3A_601 = tpu.memref_slice %arg9[%scan3A_68, %get3A_599, %get3A_600] : memref<2x80x256xf32, #tpu.memory_space<vmem>> -> memref<1x80x256xf32, #tpu.memory_space<vmem>>
        %get3A_602 = tpu.memref_squeeze %get3A_601 : memref<1x80x256xf32, #tpu.memory_space<vmem>> -> memref<80x256xf32, #tpu.memory_space<vmem>>
        %get3A_603 = arith.index_cast %scan3A_418 : i32 to index
        %get3A_604 = arith.constant 192 : index
        %get3A_605 = tpu.vector_load %get3A_602[%get3A_603, %get3A_604] {strides = array<i32>} : memref<80x256xf32, #tpu.memory_space<vmem>>, vector<16xf32>,
        %get3A_606 = arith.constant 0 : i32
        %get3A_607 = arith.constant 0 : i32
        %get3A_608 = tpu.memref_slice %arg10[%scan3A_69, %get3A_606, %get3A_607] : memref<2x80x256xf32, #tpu.memory_space<vmem>> -> memref<1x80x256xf32, #tpu.memory_space<vmem>>
        %get3A_609 = tpu.memref_squeeze %get3A_608 : memref<1x80x256xf32, #tpu.memory_space<vmem>> -> memref<80x256xf32, #tpu.memory_space<vmem>>
        %get3A_610 = arith.index_cast %scan3A_418 : i32 to index
        %get3A_611 = arith.constant 192 : index
        %get3A_612 = tpu.vector_load %get3A_609[%get3A_610, %get3A_611] {strides = array<i32>} : memref<80x256xf32, #tpu.memory_space<vmem>>, vector<16xf32>,
        %mul3A_613 = arith.mulf %get3A_605, %get3A_612 : vector<16xf32>
        %get3A_614 = arith.constant 0 : i32
        %get3A_615 = arith.constant 0 : i32
        %get3A_616 = tpu.memref_slice %arg9[%scan3A_68, %get3A_614, %get3A_615] : memref<2x80x256xf32, #tpu.memory_space<vmem>> -> memref<1x80x256xf32, #tpu.memory_space<vmem>>
        %get3A_617 = tpu.memref_squeeze %get3A_616 : memref<1x80x256xf32, #tpu.memory_space<vmem>> -> memref<80x256xf32, #tpu.memory_space<vmem>>
        %get3A_618 = arith.index_cast %scan3A_418 : i32 to index
        %get3A_619 = arith.constant 208 : index
        %get3A_620 = tpu.vector_load %get3A_617[%get3A_618, %get3A_619] {strides = array<i32>} : memref<80x256xf32, #tpu.memory_space<vmem>>, vector<16xf32>,
        %get3A_621 = arith.constant 0 : i32
        %get3A_622 = arith.constant 0 : i32
        %get3A_623 = tpu.memref_slice %arg10[%scan3A_69, %get3A_621, %get3A_622] : memref<2x80x256xf32, #tpu.memory_space<vmem>> -> memref<1x80x256xf32, #tpu.memory_space<vmem>>
        %get3A_624 = tpu.memref_squeeze %get3A_623 : memref<1x80x256xf32, #tpu.memory_space<vmem>> -> memref<80x256xf32, #tpu.memory_space<vmem>>
        %get3A_625 = arith.index_cast %scan3A_418 : i32 to index
        %get3A_626 = arith.constant 208 : index
        %get3A_627 = tpu.vector_load %get3A_624[%get3A_625, %get3A_626] {strides = array<i32>} : memref<80x256xf32, #tpu.memory_space<vmem>>, vector<16xf32>,
        %mul3A_628 = arith.mulf %get3A_620, %get3A_627 : vector<16xf32>
        %get3A_629 = arith.constant 0 : i32
        %get3A_630 = arith.constant 0 : i32
        %get3A_631 = tpu.memref_slice %arg9[%scan3A_68, %get3A_629, %get3A_630] : memref<2x80x256xf32, #tpu.memory_space<vmem>> -> memref<1x80x256xf32, #tpu.memory_space<vmem>>
        %get3A_632 = tpu.memref_squeeze %get3A_631 : memref<1x80x256xf32, #tpu.memory_space<vmem>> -> memref<80x256xf32, #tpu.memory_space<vmem>>
        %get3A_633 = arith.index_cast %scan3A_418 : i32 to index
        %get3A_634 = arith.constant 224 : index
        %get3A_635 = tpu.vector_load %get3A_632[%get3A_633, %get3A_634] {strides = array<i32>} : memref<80x256xf32, #tpu.memory_space<vmem>>, vector<16xf32>,
        %get3A_636 = arith.constant 0 : i32
        %get3A_637 = arith.constant 0 : i32
        %get3A_638 = tpu.memref_slice %arg10[%scan3A_69, %get3A_636, %get3A_637] : memref<2x80x256xf32, #tpu.memory_space<vmem>> -> memref<1x80x256xf32, #tpu.memory_space<vmem>>
        %get3A_639 = tpu.memref_squeeze %get3A_638 : memref<1x80x256xf32, #tpu.memory_space<vmem>> -> memref<80x256xf32, #tpu.memory_space<vmem>>
        %get3A_640 = arith.index_cast %scan3A_418 : i32 to index
        %get3A_641 = arith.constant 224 : index
        %get3A_642 = tpu.vector_load %get3A_639[%get3A_640, %get3A_641] {strides = array<i32>} : memref<80x256xf32, #tpu.memory_space<vmem>>, vector<16xf32>,
        %mul3A_643 = arith.mulf %get3A_635, %get3A_642 : vector<16xf32>
        %get3A_644 = arith.constant 0 : i32
        %get3A_645 = arith.constant 0 : i32
        %get3A_646 = tpu.memref_slice %arg9[%scan3A_68, %get3A_644, %get3A_645] : memref<2x80x256xf32, #tpu.memory_space<vmem>> -> memref<1x80x256xf32, #tpu.memory_space<vmem>>
        %get3A_647 = tpu.memref_squeeze %get3A_646 : memref<1x80x256xf32, #tpu.memory_space<vmem>> -> memref<80x256xf32, #tpu.memory_space<vmem>>
        %get3A_648 = arith.index_cast %scan3A_418 : i32 to index
        %get3A_649 = arith.constant 240 : index
        %get3A_650 = tpu.vector_load %get3A_647[%get3A_648, %get3A_649] {strides = array<i32>} : memref<80x256xf32, #tpu.memory_space<vmem>>, vector<16xf32>,
        %get3A_651 = arith.constant 0 : i32
        %get3A_652 = arith.constant 0 : i32
        %get3A_653 = tpu.memref_slice %arg10[%scan3A_69, %get3A_651, %get3A_652] : memref<2x80x256xf32, #tpu.memory_space<vmem>> -> memref<1x80x256xf32, #tpu.memory_space<vmem>>
        %get3A_654 = tpu.memref_squeeze %get3A_653 : memref<1x80x256xf32, #tpu.memory_space<vmem>> -> memref<80x256xf32, #tpu.memory_space<vmem>>
        %get3A_655 = arith.index_cast %scan3A_418 : i32 to index
        %get3A_656 = arith.constant 240 : index
        %get3A_657 = tpu.vector_load %get3A_654[%get3A_655, %get3A_656] {strides = array<i32>} : memref<80x256xf32, #tpu.memory_space<vmem>>, vector<16xf32>,
        %mul3A_658 = arith.mulf %get3A_650, %get3A_657 : vector<16xf32>
        %add3A_659 = arith.addf %mul3A_433, %mul3A_448 : vector<16xf32>
        %add3A_660 = arith.addf %mul3A_463, %mul3A_478 : vector<16xf32>
        %add3A_661 = arith.addf %mul3A_493, %mul3A_508 : vector<16xf32>
        %add3A_662 = arith.addf %mul3A_523, %mul3A_538 : vector<16xf32>
        %add3A_663 = arith.addf %mul3A_553, %mul3A_568 : vector<16xf32>
        %add3A_664 = arith.addf %mul3A_583, %mul3A_598 : vector<16xf32>
        %add3A_665 = arith.addf %mul3A_613, %mul3A_628 : vector<16xf32>
        %add3A_666 = arith.addf %mul3A_643, %mul3A_658 : vector<16xf32>
        %add3A_667 = arith.addf %add3A_659, %add3A_660 : vector<16xf32>
        %add3A_668 = arith.addf %add3A_661, %add3A_662 : vector<16xf32>
        %add3A_669 = arith.addf %add3A_663, %add3A_664 : vector<16xf32>
        %add3A_670 = arith.addf %add3A_665, %add3A_666 : vector<16xf32>
        %add3A_671 = arith.addf %add3A_667, %add3A_668 : vector<16xf32>
        %add3A_672 = arith.addf %add3A_669, %add3A_670 : vector<16xf32>
        %add3A_673 = arith.addf %add3A_671, %add3A_672 : vector<16xf32>
        %swap3A_674 = arith.index_cast %scan3A_418 : i32 to index
        %swap3A_675 = arith.constant 0 : index
        %swap3A_676 = tpu.vector_load %arg11[%swap3A_674, %swap3A_675] {strides = array<i32>} : memref<80x16xf32, #tpu.memory_space<vmem>>, vector<16xf32>,
        tpu.vector_store %arg11[%swap3A_674, %swap3A_675], %add3A_673 {strides = array<i32>} : memref<80x16xf32, #tpu.memory_space<vmem>>, vector<16xf32>,
        %scan3A_677 = arith.constant 0 : i32
        scf.yield %scan3A_677 : i32
      }
      %scan3A_76 = arith.constant 80 : i32
      %iota3A = tpu.iota {dimensions = array<i32: 0>} : vector<16xi32>
      %add3A_77 = arith.constant 0 : i32
      %add3A_78 = vector.broadcast %add3A_77 : i32 to vector<16xi32>
      %add3A_79 = arith.addi %iota3A, %add3A_78 : vector<16xi32>
      %broadcast_in_dim3A = arith.constant 0 : i32
      %broadcast_in_dim3A_80 = vector.broadcast %broadcast_in_dim3A : i32 to vector<16xi32>
      %gather3A = tpu.vector_load_idx %arg11[%add3A_79, %broadcast_in_dim3A_80] : memref<80x16xf32, #tpu.memory_space<vmem>>[vector<16xi32>, vector<16xi32>], vector<16xf32>,
      %broadcast_in_dim3A_81 = arith.constant 1 : i32
      %broadcast_in_dim3A_82 = vector.broadcast %broadcast_in_dim3A_81 : i32 to vector<16xi32>
      %gather3A_83 = tpu.vector_load_idx %arg11[%add3A_79, %broadcast_in_dim3A_82] : memref<80x16xf32, #tpu.memory_space<vmem>>[vector<16xi32>, vector<16xi32>], vector<16xf32>,
      %broadcast_in_dim3A_84 = arith.constant 2 : i32
      %broadcast_in_dim3A_85 = vector.broadcast %broadcast_in_dim3A_84 : i32 to vector<16xi32>
      %gather3A_86 = tpu.vector_load_idx %arg11[%add3A_79, %broadcast_in_dim3A_85] : memref<80x16xf32, #tpu.memory_space<vmem>>[vector<16xi32>, vector<16xi32>], vector<16xf32>,
      %broadcast_in_dim3A_87 = arith.constant 3 : i32
      %broadcast_in_dim3A_88 = vector.broadcast %broadcast_in_dim3A_87 : i32 to vector<16xi32>
      %gather3A_89 = tpu.vector_load_idx %arg11[%add3A_79, %broadcast_in_dim3A_88] : memref<80x16xf32, #tpu.memory_space<vmem>>[vector<16xi32>, vector<16xi32>], vector<16xf32>,
      %broadcast_in_dim3A_90 = arith.constant 4 : i32
      %broadcast_in_dim3A_91 = vector.broadcast %broadcast_in_dim3A_90 : i32 to vector<16xi32>
      %gather3A_92 = tpu.vector_load_idx %arg11[%add3A_79, %broadcast_in_dim3A_91] : memref<80x16xf32, #tpu.memory_space<vmem>>[vector<16xi32>, vector<16xi32>], vector<16xf32>,
      %broadcast_in_dim3A_93 = arith.constant 5 : i32
      %broadcast_in_dim3A_94 = vector.broadcast %broadcast_in_dim3A_93 : i32 to vector<16xi32>
      %gather3A_95 = tpu.vector_load_idx %arg11[%add3A_79, %broadcast_in_dim3A_94] : memref<80x16xf32, #tpu.memory_space<vmem>>[vector<16xi32>, vector<16xi32>], vector<16xf32>,
      %broadcast_in_dim3A_96 = arith.constant 6 : i32
      %broadcast_in_dim3A_97 = vector.broadcast %broadcast_in_dim3A_96 : i32 to vector<16xi32>
      %gather3A_98 = tpu.vector_load_idx %arg11[%add3A_79, %broadcast_in_dim3A_97] : memref<80x16xf32, #tpu.memory_space<vmem>>[vector<16xi32>, vector<16xi32>], vector<16xf32>,
      %broadcast_in_dim3A_99 = arith.constant 7 : i32
      %broadcast_in_dim3A_100 = vector.broadcast %broadcast_in_dim3A_99 : i32 to vector<16xi32>
      %gather3A_101 = tpu.vector_load_idx %arg11[%add3A_79, %broadcast_in_dim3A_100] : memref<80x16xf32, #tpu.memory_space<vmem>>[vector<16xi32>, vector<16xi32>], vector<16xf32>,
      %broadcast_in_dim3A_102 = arith.constant 8 : i32
      %broadcast_in_dim3A_103 = vector.broadcast %broadcast_in_dim3A_102 : i32 to vector<16xi32>
      %gather3A_104 = tpu.vector_load_idx %arg11[%add3A_79, %broadcast_in_dim3A_103] : memref<80x16xf32, #tpu.memory_space<vmem>>[vector<16xi32>, vector<16xi32>], vector<16xf32>,
      %broadcast_in_dim3A_105 = arith.constant 9 : i32
      %broadcast_in_dim3A_106 = vector.broadcast %broadcast_in_dim3A_105 : i32 to vector<16xi32>
      %gather3A_107 = tpu.vector_load_idx %arg11[%add3A_79, %broadcast_in_dim3A_106] : memref<80x16xf32, #tpu.memory_space<vmem>>[vector<16xi32>, vector<16xi32>], vector<16xf32>,
      %broadcast_in_dim3A_108 = arith.constant 10 : i32
      %broadcast_in_dim3A_109 = vector.broadcast %broadcast_in_dim3A_108 : i32 to vector<16xi32>
      %gather3A_110 = tpu.vector_load_idx %arg11[%add3A_79, %broadcast_in_dim3A_109] : memref<80x16xf32, #tpu.memory_space<vmem>>[vector<16xi32>, vector<16xi32>], vector<16xf32>,
      %broadcast_in_dim3A_111 = arith.constant 11 : i32
      %broadcast_in_dim3A_112 = vector.broadcast %broadcast_in_dim3A_111 : i32 to vector<16xi32>
      %gather3A_113 = tpu.vector_load_idx %arg11[%add3A_79, %broadcast_in_dim3A_112] : memref<80x16xf32, #tpu.memory_space<vmem>>[vector<16xi32>, vector<16xi32>], vector<16xf32>,
      %broadcast_in_dim3A_114 = arith.constant 12 : i32
      %broadcast_in_dim3A_115 = vector.broadcast %broadcast_in_dim3A_114 : i32 to vector<16xi32>
      %gather3A_116 = tpu.vector_load_idx %arg11[%add3A_79, %broadcast_in_dim3A_115] : memref<80x16xf32, #tpu.memory_space<vmem>>[vector<16xi32>, vector<16xi32>], vector<16xf32>,
      %broadcast_in_dim3A_117 = arith.constant 13 : i32
      %broadcast_in_dim3A_118 = vector.broadcast %broadcast_in_dim3A_117 : i32 to vector<16xi32>
      %gather3A_119 = tpu.vector_load_idx %arg11[%add3A_79, %broadcast_in_dim3A_118] : memref<80x16xf32, #tpu.memory_space<vmem>>[vector<16xi32>, vector<16xi32>], vector<16xf32>,
      %broadcast_in_dim3A_120 = arith.constant 14 : i32
      %broadcast_in_dim3A_121 = vector.broadcast %broadcast_in_dim3A_120 : i32 to vector<16xi32>
      %gather3A_122 = tpu.vector_load_idx %arg11[%add3A_79, %broadcast_in_dim3A_121] : memref<80x16xf32, #tpu.memory_space<vmem>>[vector<16xi32>, vector<16xi32>], vector<16xf32>,
      %broadcast_in_dim3A_123 = arith.constant 15 : i32
      %broadcast_in_dim3A_124 = vector.broadcast %broadcast_in_dim3A_123 : i32 to vector<16xi32>
      %gather3A_125 = tpu.vector_load_idx %arg11[%add3A_79, %broadcast_in_dim3A_124] : memref<80x16xf32, #tpu.memory_space<vmem>>[vector<16xi32>, vector<16xi32>], vector<16xf32>,
      %add3A_126 = arith.addf %gather3A, %gather3A_83 : vector<16xf32>
      %add3A_127 = arith.addf %gather3A_86, %gather3A_89 : vector<16xf32>
      %add3A_128 = arith.addf %gather3A_92, %gather3A_95 : vector<16xf32>
      %add3A_129 = arith.addf %gather3A_98, %gather3A_101 : vector<16xf32>
      %add3A_130 = arith.addf %gather3A_104, %gather3A_107 : vector<16xf32>
      %add3A_131 = arith.addf %gather3A_110, %gather3A_113 : vector<16xf32>
      %add3A_132 = arith.addf %gather3A_116, %gather3A_119 : vector<16xf32>
      %add3A_133 = arith.addf %gather3A_122, %gather3A_125 : vector<16xf32>
      %add3A_134 = arith.addf %add3A_126, %add3A_127 : vector<16xf32>
      %add3A_135 = arith.addf %add3A_128, %add3A_129 : vector<16xf32>
      %add3A_136 = arith.addf %add3A_130, %add3A_131 : vector<16xf32>
      %add3A_137 = arith.addf %add3A_132, %add3A_133 : vector<16xf32>
      %add3A_138 = arith.addf %add3A_134, %add3A_135 : vector<16xf32>
      %add3A_139 = arith.addf %add3A_136, %add3A_137 : vector<16xf32>
      %add3A_140 = arith.addf %add3A_138, %add3A_139 : vector<16xf32>
      %swap3A = arith.constant 4960 : index
      %swap3A_141 = tpu.vector_load %arg12[%swap3A] {strides = array<i32>} : memref<5040xf32, #tpu.memory_space<vmem>>, vector<16xf32>,
      tpu.vector_store %arg12[%swap3A], %add3A_140 {strides = array<i32>} : memref<5040xf32, #tpu.memory_space<vmem>>, vector<16xf32>,
      %iota3A_142 = tpu.iota {dimensions = array<i32: 0>} : vector<16xi32>
      %add3A_143 = arith.constant 16 : i32
      %add3A_144 = vector.broadcast %add3A_143 : i32 to vector<16xi32>
      %add3A_145 = arith.addi %iota3A_142, %add3A_144 : vector<16xi32>
      %broadcast_in_dim3A_146 = arith.constant 0 : i32
      %broadcast_in_dim3A_147 = vector.broadcast %broadcast_in_dim3A_146 : i32 to vector<16xi32>
      %gather3A_148 = tpu.vector_load_idx %arg11[%add3A_145, %broadcast_in_dim3A_147] : memref<80x16xf32, #tpu.memory_space<vmem>>[vector<16xi32>, vector<16xi32>], vector<16xf32>,
      %broadcast_in_dim3A_149 = arith.constant 1 : i32
      %broadcast_in_dim3A_150 = vector.broadcast %broadcast_in_dim3A_149 : i32 to vector<16xi32>
      %gather3A_151 = tpu.vector_load_idx %arg11[%add3A_145, %broadcast_in_dim3A_150] : memref<80x16xf32, #tpu.memory_space<vmem>>[vector<16xi32>, vector<16xi32>], vector<16xf32>,
      %broadcast_in_dim3A_152 = arith.constant 2 : i32
      %broadcast_in_dim3A_153 = vector.broadcast %broadcast_in_dim3A_152 : i32 to vector<16xi32>
      %gather3A_154 = tpu.vector_load_idx %arg11[%add3A_145, %broadcast_in_dim3A_153] : memref<80x16xf32, #tpu.memory_space<vmem>>[vector<16xi32>, vector<16xi32>], vector<16xf32>,
      %broadcast_in_dim3A_155 = arith.constant 3 : i32
      %broadcast_in_dim3A_156 = vector.broadcast %broadcast_in_dim3A_155 : i32 to vector<16xi32>
      %gather3A_157 = tpu.vector_load_idx %arg11[%add3A_145, %broadcast_in_dim3A_156] : memref<80x16xf32, #tpu.memory_space<vmem>>[vector<16xi32>, vector<16xi32>], vector<16xf32>,
      %broadcast_in_dim3A_158 = arith.constant 4 : i32
      %broadcast_in_dim3A_159 = vector.broadcast %broadcast_in_dim3A_158 : i32 to vector<16xi32>
      %gather3A_160 = tpu.vector_load_idx %arg11[%add3A_145, %broadcast_in_dim3A_159] : memref<80x16xf32, #tpu.memory_space<vmem>>[vector<16xi32>, vector<16xi32>], vector<16xf32>,
      %broadcast_in_dim3A_161 = arith.constant 5 : i32
      %broadcast_in_dim3A_162 = vector.broadcast %broadcast_in_dim3A_161 : i32 to vector<16xi32>
      %gather3A_163 = tpu.vector_load_idx %arg11[%add3A_145, %broadcast_in_dim3A_162] : memref<80x16xf32, #tpu.memory_space<vmem>>[vector<16xi32>, vector<16xi32>], vector<16xf32>,
      %broadcast_in_dim3A_164 = arith.constant 6 : i32
      %broadcast_in_dim3A_165 = vector.broadcast %broadcast_in_dim3A_164 : i32 to vector<16xi32>
      %gather3A_166 = tpu.vector_load_idx %arg11[%add3A_145, %broadcast_in_dim3A_165] : memref<80x16xf32, #tpu.memory_space<vmem>>[vector<16xi32>, vector<16xi32>], vector<16xf32>,
      %broadcast_in_dim3A_167 = arith.constant 7 : i32
      %broadcast_in_dim3A_168 = vector.broadcast %broadcast_in_dim3A_167 : i32 to vector<16xi32>
      %gather3A_169 = tpu.vector_load_idx %arg11[%add3A_145, %broadcast_in_dim3A_168] : memref<80x16xf32, #tpu.memory_space<vmem>>[vector<16xi32>, vector<16xi32>], vector<16xf32>,
      %broadcast_in_dim3A_170 = arith.constant 8 : i32
      %broadcast_in_dim3A_171 = vector.broadcast %broadcast_in_dim3A_170 : i32 to vector<16xi32>
      %gather3A_172 = tpu.vector_load_idx %arg11[%add3A_145, %broadcast_in_dim3A_171] : memref<80x16xf32, #tpu.memory_space<vmem>>[vector<16xi32>, vector<16xi32>], vector<16xf32>,
      %broadcast_in_dim3A_173 = arith.constant 9 : i32
      %broadcast_in_dim3A_174 = vector.broadcast %broadcast_in_dim3A_173 : i32 to vector<16xi32>
      %gather3A_175 = tpu.vector_load_idx %arg11[%add3A_145, %broadcast_in_dim3A_174] : memref<80x16xf32, #tpu.memory_space<vmem>>[vector<16xi32>, vector<16xi32>], vector<16xf32>,
      %broadcast_in_dim3A_176 = arith.constant 10 : i32
      %broadcast_in_dim3A_177 = vector.broadcast %broadcast_in_dim3A_176 : i32 to vector<16xi32>
      %gather3A_178 = tpu.vector_load_idx %arg11[%add3A_145, %broadcast_in_dim3A_177] : memref<80x16xf32, #tpu.memory_space<vmem>>[vector<16xi32>, vector<16xi32>], vector<16xf32>,
      %broadcast_in_dim3A_179 = arith.constant 11 : i32
      %broadcast_in_dim3A_180 = vector.broadcast %broadcast_in_dim3A_179 : i32 to vector<16xi32>
      %gather3A_181 = tpu.vector_load_idx %arg11[%add3A_145, %broadcast_in_dim3A_180] : memref<80x16xf32, #tpu.memory_space<vmem>>[vector<16xi32>, vector<16xi32>], vector<16xf32>,
      %broadcast_in_dim3A_182 = arith.constant 12 : i32
      %broadcast_in_dim3A_183 = vector.broadcast %broadcast_in_dim3A_182 : i32 to vector<16xi32>
      %gather3A_184 = tpu.vector_load_idx %arg11[%add3A_145, %broadcast_in_dim3A_183] : memref<80x16xf32, #tpu.memory_space<vmem>>[vector<16xi32>, vector<16xi32>], vector<16xf32>,
      %broadcast_in_dim3A_185 = arith.constant 13 : i32
      %broadcast_in_dim3A_186 = vector.broadcast %broadcast_in_dim3A_185 : i32 to vector<16xi32>
      %gather3A_187 = tpu.vector_load_idx %arg11[%add3A_145, %broadcast_in_dim3A_186] : memref<80x16xf32, #tpu.memory_space<vmem>>[vector<16xi32>, vector<16xi32>], vector<16xf32>,
      %broadcast_in_dim3A_188 = arith.constant 14 : i32
      %broadcast_in_dim3A_189 = vector.broadcast %broadcast_in_dim3A_188 : i32 to vector<16xi32>
      %gather3A_190 = tpu.vector_load_idx %arg11[%add3A_145, %broadcast_in_dim3A_189] : memref<80x16xf32, #tpu.memory_space<vmem>>[vector<16xi32>, vector<16xi32>], vector<16xf32>,
      %broadcast_in_dim3A_191 = arith.constant 15 : i32
      %broadcast_in_dim3A_192 = vector.broadcast %broadcast_in_dim3A_191 : i32 to vector<16xi32>
      %gather3A_193 = tpu.vector_load_idx %arg11[%add3A_145, %broadcast_in_dim3A_192] : memref<80x16xf32, #tpu.memory_space<vmem>>[vector<16xi32>, vector<16xi32>], vector<16xf32>,
      %add3A_194 = arith.addf %gather3A_148, %gather3A_151 : vector<16xf32>
      %add3A_195 = arith.addf %gather3A_154, %gather3A_157 : vector<16xf32>
      %add3A_196 = arith.addf %gather3A_160, %gather3A_163 : vector<16xf32>
      %add3A_197 = arith.addf %gather3A_166, %gather3A_169 : vector<16xf32>
      %add3A_198 = arith.addf %gather3A_172, %gather3A_175 : vector<16xf32>
      %add3A_199 = arith.addf %gather3A_178, %gather3A_181 : vector<16xf32>
      %add3A_200 = arith.addf %gather3A_184, %gather3A_187 : vector<16xf32>
      %add3A_201 = arith.addf %gather3A_190, %gather3A_193 : vector<16xf32>
      %add3A_202 = arith.addf %add3A_194, %add3A_195 : vector<16xf32>
      %add3A_203 = arith.addf %add3A_196, %add3A_197 : vector<16xf32>
      %add3A_204 = arith.addf %add3A_198, %add3A_199 : vector<16xf32>
      %add3A_205 = arith.addf %add3A_200, %add3A_201 : vector<16xf32>
      %add3A_206 = arith.addf %add3A_202, %add3A_203 : vector<16xf32>
      %add3A_207 = arith.addf %add3A_204, %add3A_205 : vector<16xf32>
      %add3A_208 = arith.addf %add3A_206, %add3A_207 : vector<16xf32>
      %swap3A_209 = arith.constant 4976 : index
      %swap3A_210 = tpu.vector_load %arg12[%swap3A_209] {strides = array<i32>} : memref<5040xf32, #tpu.memory_space<vmem>>, vector<16xf32>,
      tpu.vector_store %arg12[%swap3A_209], %add3A_208 {strides = array<i32>} : memref<5040xf32, #tpu.memory_space<vmem>>, vector<16xf32>,
      %iota3A_211 = tpu.iota {dimensions = array<i32: 0>} : vector<16xi32>
      %add3A_212 = arith.constant 32 : i32
      %add3A_213 = vector.broadcast %add3A_212 : i32 to vector<16xi32>
      %add3A_214 = arith.addi %iota3A_211, %add3A_213 : vector<16xi32>
      %broadcast_in_dim3A_215 = arith.constant 0 : i32
      %broadcast_in_dim3A_216 = vector.broadcast %broadcast_in_dim3A_215 : i32 to vector<16xi32>
      %gather3A_217 = tpu.vector_load_idx %arg11[%add3A_214, %broadcast_in_dim3A_216] : memref<80x16xf32, #tpu.memory_space<vmem>>[vector<16xi32>, vector<16xi32>], vector<16xf32>,
      %broadcast_in_dim3A_218 = arith.constant 1 : i32
      %broadcast_in_dim3A_219 = vector.broadcast %broadcast_in_dim3A_218 : i32 to vector<16xi32>
      %gather3A_220 = tpu.vector_load_idx %arg11[%add3A_214, %broadcast_in_dim3A_219] : memref<80x16xf32, #tpu.memory_space<vmem>>[vector<16xi32>, vector<16xi32>], vector<16xf32>,
      %broadcast_in_dim3A_221 = arith.constant 2 : i32
      %broadcast_in_dim3A_222 = vector.broadcast %broadcast_in_dim3A_221 : i32 to vector<16xi32>
      %gather3A_223 = tpu.vector_load_idx %arg11[%add3A_214, %broadcast_in_dim3A_222] : memref<80x16xf32, #tpu.memory_space<vmem>>[vector<16xi32>, vector<16xi32>], vector<16xf32>,
      %broadcast_in_dim3A_224 = arith.constant 3 : i32
      %broadcast_in_dim3A_225 = vector.broadcast %broadcast_in_dim3A_224 : i32 to vector<16xi32>
      %gather3A_226 = tpu.vector_load_idx %arg11[%add3A_214, %broadcast_in_dim3A_225] : memref<80x16xf32, #tpu.memory_space<vmem>>[vector<16xi32>, vector<16xi32>], vector<16xf32>,
      %broadcast_in_dim3A_227 = arith.constant 4 : i32
      %broadcast_in_dim3A_228 = vector.broadcast %broadcast_in_dim3A_227 : i32 to vector<16xi32>
      %gather3A_229 = tpu.vector_load_idx %arg11[%add3A_214, %broadcast_in_dim3A_228] : memref<80x16xf32, #tpu.memory_space<vmem>>[vector<16xi32>, vector<16xi32>], vector<16xf32>,
      %broadcast_in_dim3A_230 = arith.constant 5 : i32
      %broadcast_in_dim3A_231 = vector.broadcast %broadcast_in_dim3A_230 : i32 to vector<16xi32>
      %gather3A_232 = tpu.vector_load_idx %arg11[%add3A_214, %broadcast_in_dim3A_231] : memref<80x16xf32, #tpu.memory_space<vmem>>[vector<16xi32>, vector<16xi32>], vector<16xf32>,
      %broadcast_in_dim3A_233 = arith.constant 6 : i32
      %broadcast_in_dim3A_234 = vector.broadcast %broadcast_in_dim3A_233 : i32 to vector<16xi32>
      %gather3A_235 = tpu.vector_load_idx %arg11[%add3A_214, %broadcast_in_dim3A_234] : memref<80x16xf32, #tpu.memory_space<vmem>>[vector<16xi32>, vector<16xi32>], vector<16xf32>,
      %broadcast_in_dim3A_236 = arith.constant 7 : i32
      %broadcast_in_dim3A_237 = vector.broadcast %broadcast_in_dim3A_236 : i32 to vector<16xi32>
      %gather3A_238 = tpu.vector_load_idx %arg11[%add3A_214, %broadcast_in_dim3A_237] : memref<80x16xf32, #tpu.memory_space<vmem>>[vector<16xi32>, vector<16xi32>], vector<16xf32>,
      %broadcast_in_dim3A_239 = arith.constant 8 : i32
      %broadcast_in_dim3A_240 = vector.broadcast %broadcast_in_dim3A_239 : i32 to vector<16xi32>
      %gather3A_241 = tpu.vector_load_idx %arg11[%add3A_214, %broadcast_in_dim3A_240] : memref<80x16xf32, #tpu.memory_space<vmem>>[vector<16xi32>, vector<16xi32>], vector<16xf32>,
      %broadcast_in_dim3A_242 = arith.constant 9 : i32
      %broadcast_in_dim3A_243 = vector.broadcast %broadcast_in_dim3A_242 : i32 to vector<16xi32>
      %gather3A_244 = tpu.vector_load_idx %arg11[%add3A_214, %broadcast_in_dim3A_243] : memref<80x16xf32, #tpu.memory_space<vmem>>[vector<16xi32>, vector<16xi32>], vector<16xf32>,
      %broadcast_in_dim3A_245 = arith.constant 10 : i32
      %broadcast_in_dim3A_246 = vector.broadcast %broadcast_in_dim3A_245 : i32 to vector<16xi32>
      %gather3A_247 = tpu.vector_load_idx %arg11[%add3A_214, %broadcast_in_dim3A_246] : memref<80x16xf32, #tpu.memory_space<vmem>>[vector<16xi32>, vector<16xi32>], vector<16xf32>,
      %broadcast_in_dim3A_248 = arith.constant 11 : i32
      %broadcast_in_dim3A_249 = vector.broadcast %broadcast_in_dim3A_248 : i32 to vector<16xi32>
      %gather3A_250 = tpu.vector_load_idx %arg11[%add3A_214, %broadcast_in_dim3A_249] : memref<80x16xf32, #tpu.memory_space<vmem>>[vector<16xi32>, vector<16xi32>], vector<16xf32>,
      %broadcast_in_dim3A_251 = arith.constant 12 : i32
      %broadcast_in_dim3A_252 = vector.broadcast %broadcast_in_dim3A_251 : i32 to vector<16xi32>
      %gather3A_253 = tpu.vector_load_idx %arg11[%add3A_214, %broadcast_in_dim3A_252] : memref<80x16xf32, #tpu.memory_space<vmem>>[vector<16xi32>, vector<16xi32>], vector<16xf32>,
      %broadcast_in_dim3A_254 = arith.constant 13 : i32
      %broadcast_in_dim3A_255 = vector.broadcast %broadcast_in_dim3A_254 : i32 to vector<16xi32>
      %gather3A_256 = tpu.vector_load_idx %arg11[%add3A_214, %broadcast_in_dim3A_255] : memref<80x16xf32, #tpu.memory_space<vmem>>[vector<16xi32>, vector<16xi32>], vector<16xf32>,
      %broadcast_in_dim3A_257 = arith.constant 14 : i32
      %broadcast_in_dim3A_258 = vector.broadcast %broadcast_in_dim3A_257 : i32 to vector<16xi32>
      %gather3A_259 = tpu.vector_load_idx %arg11[%add3A_214, %broadcast_in_dim3A_258] : memref<80x16xf32, #tpu.memory_space<vmem>>[vector<16xi32>, vector<16xi32>], vector<16xf32>,
      %broadcast_in_dim3A_260 = arith.constant 15 : i32
      %broadcast_in_dim3A_261 = vector.broadcast %broadcast_in_dim3A_260 : i32 to vector<16xi32>
      %gather3A_262 = tpu.vector_load_idx %arg11[%add3A_214, %broadcast_in_dim3A_261] : memref<80x16xf32, #tpu.memory_space<vmem>>[vector<16xi32>, vector<16xi32>], vector<16xf32>,
      %add3A_263 = arith.addf %gather3A_217, %gather3A_220 : vector<16xf32>
      %add3A_264 = arith.addf %gather3A_223, %gather3A_226 : vector<16xf32>
      %add3A_265 = arith.addf %gather3A_229, %gather3A_232 : vector<16xf32>
      %add3A_266 = arith.addf %gather3A_235, %gather3A_238 : vector<16xf32>
      %add3A_267 = arith.addf %gather3A_241, %gather3A_244 : vector<16xf32>
      %add3A_268 = arith.addf %gather3A_247, %gather3A_250 : vector<16xf32>
      %add3A_269 = arith.addf %gather3A_253, %gather3A_256 : vector<16xf32>
      %add3A_270 = arith.addf %gather3A_259, %gather3A_262 : vector<16xf32>
      %add3A_271 = arith.addf %add3A_263, %add3A_264 : vector<16xf32>
      %add3A_272 = arith.addf %add3A_265, %add3A_266 : vector<16xf32>
      %add3A_273 = arith.addf %add3A_267, %add3A_268 : vector<16xf32>
      %add3A_274 = arith.addf %add3A_269, %add3A_270 : vector<16xf32>
      %add3A_275 = arith.addf %add3A_271, %add3A_272 : vector<16xf32>
      %add3A_276 = arith.addf %add3A_273, %add3A_274 : vector<16xf32>
      %add3A_277 = arith.addf %add3A_275, %add3A_276 : vector<16xf32>
      %swap3A_278 = arith.constant 4992 : index
      %swap3A_279 = tpu.vector_load %arg12[%swap3A_278] {strides = array<i32>} : memref<5040xf32, #tpu.memory_space<vmem>>, vector<16xf32>,
      tpu.vector_store %arg12[%swap3A_278], %add3A_277 {strides = array<i32>} : memref<5040xf32, #tpu.memory_space<vmem>>, vector<16xf32>,
      %iota3A_280 = tpu.iota {dimensions = array<i32: 0>} : vector<16xi32>
      %add3A_281 = arith.constant 48 : i32
      %add3A_282 = vector.broadcast %add3A_281 : i32 to vector<16xi32>
      %add3A_283 = arith.addi %iota3A_280, %add3A_282 : vector<16xi32>
      %broadcast_in_dim3A_284 = arith.constant 0 : i32
      %broadcast_in_dim3A_285 = vector.broadcast %broadcast_in_dim3A_284 : i32 to vector<16xi32>
      %gather3A_286 = tpu.vector_load_idx %arg11[%add3A_283, %broadcast_in_dim3A_285] : memref<80x16xf32, #tpu.memory_space<vmem>>[vector<16xi32>, vector<16xi32>], vector<16xf32>,
      %broadcast_in_dim3A_287 = arith.constant 1 : i32
      %broadcast_in_dim3A_288 = vector.broadcast %broadcast_in_dim3A_287 : i32 to vector<16xi32>
      %gather3A_289 = tpu.vector_load_idx %arg11[%add3A_283, %broadcast_in_dim3A_288] : memref<80x16xf32, #tpu.memory_space<vmem>>[vector<16xi32>, vector<16xi32>], vector<16xf32>,
      %broadcast_in_dim3A_290 = arith.constant 2 : i32
      %broadcast_in_dim3A_291 = vector.broadcast %broadcast_in_dim3A_290 : i32 to vector<16xi32>
      %gather3A_292 = tpu.vector_load_idx %arg11[%add3A_283, %broadcast_in_dim3A_291] : memref<80x16xf32, #tpu.memory_space<vmem>>[vector<16xi32>, vector<16xi32>], vector<16xf32>,
      %broadcast_in_dim3A_293 = arith.constant 3 : i32
      %broadcast_in_dim3A_294 = vector.broadcast %broadcast_in_dim3A_293 : i32 to vector<16xi32>
      %gather3A_295 = tpu.vector_load_idx %arg11[%add3A_283, %broadcast_in_dim3A_294] : memref<80x16xf32, #tpu.memory_space<vmem>>[vector<16xi32>, vector<16xi32>], vector<16xf32>,
      %broadcast_in_dim3A_296 = arith.constant 4 : i32
      %broadcast_in_dim3A_297 = vector.broadcast %broadcast_in_dim3A_296 : i32 to vector<16xi32>
      %gather3A_298 = tpu.vector_load_idx %arg11[%add3A_283, %broadcast_in_dim3A_297] : memref<80x16xf32, #tpu.memory_space<vmem>>[vector<16xi32>, vector<16xi32>], vector<16xf32>,
      %broadcast_in_dim3A_299 = arith.constant 5 : i32
      %broadcast_in_dim3A_300 = vector.broadcast %broadcast_in_dim3A_299 : i32 to vector<16xi32>
      %gather3A_301 = tpu.vector_load_idx %arg11[%add3A_283, %broadcast_in_dim3A_300] : memref<80x16xf32, #tpu.memory_space<vmem>>[vector<16xi32>, vector<16xi32>], vector<16xf32>,
      %broadcast_in_dim3A_302 = arith.constant 6 : i32
      %broadcast_in_dim3A_303 = vector.broadcast %broadcast_in_dim3A_302 : i32 to vector<16xi32>
      %gather3A_304 = tpu.vector_load_idx %arg11[%add3A_283, %broadcast_in_dim3A_303] : memref<80x16xf32, #tpu.memory_space<vmem>>[vector<16xi32>, vector<16xi32>], vector<16xf32>,
      %broadcast_in_dim3A_305 = arith.constant 7 : i32
      %broadcast_in_dim3A_306 = vector.broadcast %broadcast_in_dim3A_305 : i32 to vector<16xi32>
      %gather3A_307 = tpu.vector_load_idx %arg11[%add3A_283, %broadcast_in_dim3A_306] : memref<80x16xf32, #tpu.memory_space<vmem>>[vector<16xi32>, vector<16xi32>], vector<16xf32>,
      %broadcast_in_dim3A_308 = arith.constant 8 : i32
      %broadcast_in_dim3A_309 = vector.broadcast %broadcast_in_dim3A_308 : i32 to vector<16xi32>
      %gather3A_310 = tpu.vector_load_idx %arg11[%add3A_283, %broadcast_in_dim3A_309] : memref<80x16xf32, #tpu.memory_space<vmem>>[vector<16xi32>, vector<16xi32>], vector<16xf32>,
      %broadcast_in_dim3A_311 = arith.constant 9 : i32
      %broadcast_in_dim3A_312 = vector.broadcast %broadcast_in_dim3A_311 : i32 to vector<16xi32>
      %gather3A_313 = tpu.vector_load_idx %arg11[%add3A_283, %broadcast_in_dim3A_312] : memref<80x16xf32, #tpu.memory_space<vmem>>[vector<16xi32>, vector<16xi32>], vector<16xf32>,
      %broadcast_in_dim3A_314 = arith.constant 10 : i32
      %broadcast_in_dim3A_315 = vector.broadcast %broadcast_in_dim3A_314 : i32 to vector<16xi32>
      %gather3A_316 = tpu.vector_load_idx %arg11[%add3A_283, %broadcast_in_dim3A_315] : memref<80x16xf32, #tpu.memory_space<vmem>>[vector<16xi32>, vector<16xi32>], vector<16xf32>,
      %broadcast_in_dim3A_317 = arith.constant 11 : i32
      %broadcast_in_dim3A_318 = vector.broadcast %broadcast_in_dim3A_317 : i32 to vector<16xi32>
      %gather3A_319 = tpu.vector_load_idx %arg11[%add3A_283, %broadcast_in_dim3A_318] : memref<80x16xf32, #tpu.memory_space<vmem>>[vector<16xi32>, vector<16xi32>], vector<16xf32>,
      %broadcast_in_dim3A_320 = arith.constant 12 : i32
      %broadcast_in_dim3A_321 = vector.broadcast %broadcast_in_dim3A_320 : i32 to vector<16xi32>
      %gather3A_322 = tpu.vector_load_idx %arg11[%add3A_283, %broadcast_in_dim3A_321] : memref<80x16xf32, #tpu.memory_space<vmem>>[vector<16xi32>, vector<16xi32>], vector<16xf32>,
      %broadcast_in_dim3A_323 = arith.constant 13 : i32
      %broadcast_in_dim3A_324 = vector.broadcast %broadcast_in_dim3A_323 : i32 to vector<16xi32>
      %gather3A_325 = tpu.vector_load_idx %arg11[%add3A_283, %broadcast_in_dim3A_324] : memref<80x16xf32, #tpu.memory_space<vmem>>[vector<16xi32>, vector<16xi32>], vector<16xf32>,
      %broadcast_in_dim3A_326 = arith.constant 14 : i32
      %broadcast_in_dim3A_327 = vector.broadcast %broadcast_in_dim3A_326 : i32 to vector<16xi32>
      %gather3A_328 = tpu.vector_load_idx %arg11[%add3A_283, %broadcast_in_dim3A_327] : memref<80x16xf32, #tpu.memory_space<vmem>>[vector<16xi32>, vector<16xi32>], vector<16xf32>,
      %broadcast_in_dim3A_329 = arith.constant 15 : i32
      %broadcast_in_dim3A_330 = vector.broadcast %broadcast_in_dim3A_329 : i32 to vector<16xi32>
      %gather3A_331 = tpu.vector_load_idx %arg11[%add3A_283, %broadcast_in_dim3A_330] : memref<80x16xf32, #tpu.memory_space<vmem>>[vector<16xi32>, vector<16xi32>], vector<16xf32>,
      %add3A_332 = arith.addf %gather3A_286, %gather3A_289 : vector<16xf32>
      %add3A_333 = arith.addf %gather3A_292, %gather3A_295 : vector<16xf32>
      %add3A_334 = arith.addf %gather3A_298, %gather3A_301 : vector<16xf32>
      %add3A_335 = arith.addf %gather3A_304, %gather3A_307 : vector<16xf32>
      %add3A_336 = arith.addf %gather3A_310, %gather3A_313 : vector<16xf32>
      %add3A_337 = arith.addf %gather3A_316, %gather3A_319 : vector<16xf32>
      %add3A_338 = arith.addf %gather3A_322, %gather3A_325 : vector<16xf32>
      %add3A_339 = arith.addf %gather3A_328, %gather3A_331 : vector<16xf32>
      %add3A_340 = arith.addf %add3A_332, %add3A_333 : vector<16xf32>
      %add3A_341 = arith.addf %add3A_334, %add3A_335 : vector<16xf32>
      %add3A_342 = arith.addf %add3A_336, %add3A_337 : vector<16xf32>
      %add3A_343 = arith.addf %add3A_338, %add3A_339 : vector<16xf32>
      %add3A_344 = arith.addf %add3A_340, %add3A_341 : vector<16xf32>
      %add3A_345 = arith.addf %add3A_342, %add3A_343 : vector<16xf32>
      %add3A_346 = arith.addf %add3A_344, %add3A_345 : vector<16xf32>
      %swap3A_347 = arith.constant 5008 : index
      %swap3A_348 = tpu.vector_load %arg12[%swap3A_347] {strides = array<i32>} : memref<5040xf32, #tpu.memory_space<vmem>>, vector<16xf32>,
      tpu.vector_store %arg12[%swap3A_347], %add3A_346 {strides = array<i32>} : memref<5040xf32, #tpu.memory_space<vmem>>, vector<16xf32>,
      %iota3A_349 = tpu.iota {dimensions = array<i32: 0>} : vector<16xi32>
      %add3A_350 = arith.constant 64 : i32
      %add3A_351 = vector.broadcast %add3A_350 : i32 to vector<16xi32>
      %add3A_352 = arith.addi %iota3A_349, %add3A_351 : vector<16xi32>
      %broadcast_in_dim3A_353 = arith.constant 0 : i32
      %broadcast_in_dim3A_354 = vector.broadcast %broadcast_in_dim3A_353 : i32 to vector<16xi32>
      %gather3A_355 = tpu.vector_load_idx %arg11[%add3A_352, %broadcast_in_dim3A_354] : memref<80x16xf32, #tpu.memory_space<vmem>>[vector<16xi32>, vector<16xi32>], vector<16xf32>,
      %broadcast_in_dim3A_356 = arith.constant 1 : i32
      %broadcast_in_dim3A_357 = vector.broadcast %broadcast_in_dim3A_356 : i32 to vector<16xi32>
      %gather3A_358 = tpu.vector_load_idx %arg11[%add3A_352, %broadcast_in_dim3A_357] : memref<80x16xf32, #tpu.memory_space<vmem>>[vector<16xi32>, vector<16xi32>], vector<16xf32>,
      %broadcast_in_dim3A_359 = arith.constant 2 : i32
      %broadcast_in_dim3A_360 = vector.broadcast %broadcast_in_dim3A_359 : i32 to vector<16xi32>
      %gather3A_361 = tpu.vector_load_idx %arg11[%add3A_352, %broadcast_in_dim3A_360] : memref<80x16xf32, #tpu.memory_space<vmem>>[vector<16xi32>, vector<16xi32>], vector<16xf32>,
      %broadcast_in_dim3A_362 = arith.constant 3 : i32
      %broadcast_in_dim3A_363 = vector.broadcast %broadcast_in_dim3A_362 : i32 to vector<16xi32>
      %gather3A_364 = tpu.vector_load_idx %arg11[%add3A_352, %broadcast_in_dim3A_363] : memref<80x16xf32, #tpu.memory_space<vmem>>[vector<16xi32>, vector<16xi32>], vector<16xf32>,
      %broadcast_in_dim3A_365 = arith.constant 4 : i32
      %broadcast_in_dim3A_366 = vector.broadcast %broadcast_in_dim3A_365 : i32 to vector<16xi32>
      %gather3A_367 = tpu.vector_load_idx %arg11[%add3A_352, %broadcast_in_dim3A_366] : memref<80x16xf32, #tpu.memory_space<vmem>>[vector<16xi32>, vector<16xi32>], vector<16xf32>,
      %broadcast_in_dim3A_368 = arith.constant 5 : i32
      %broadcast_in_dim3A_369 = vector.broadcast %broadcast_in_dim3A_368 : i32 to vector<16xi32>
      %gather3A_370 = tpu.vector_load_idx %arg11[%add3A_352, %broadcast_in_dim3A_369] : memref<80x16xf32, #tpu.memory_space<vmem>>[vector<16xi32>, vector<16xi32>], vector<16xf32>,
      %broadcast_in_dim3A_371 = arith.constant 6 : i32
      %broadcast_in_dim3A_372 = vector.broadcast %broadcast_in_dim3A_371 : i32 to vector<16xi32>
      %gather3A_373 = tpu.vector_load_idx %arg11[%add3A_352, %broadcast_in_dim3A_372] : memref<80x16xf32, #tpu.memory_space<vmem>>[vector<16xi32>, vector<16xi32>], vector<16xf32>,
      %broadcast_in_dim3A_374 = arith.constant 7 : i32
      %broadcast_in_dim3A_375 = vector.broadcast %broadcast_in_dim3A_374 : i32 to vector<16xi32>
      %gather3A_376 = tpu.vector_load_idx %arg11[%add3A_352, %broadcast_in_dim3A_375] : memref<80x16xf32, #tpu.memory_space<vmem>>[vector<16xi32>, vector<16xi32>], vector<16xf32>,
      %broadcast_in_dim3A_377 = arith.constant 8 : i32
      %broadcast_in_dim3A_378 = vector.broadcast %broadcast_in_dim3A_377 : i32 to vector<16xi32>
      %gather3A_379 = tpu.vector_load_idx %arg11[%add3A_352, %broadcast_in_dim3A_378] : memref<80x16xf32, #tpu.memory_space<vmem>>[vector<16xi32>, vector<16xi32>], vector<16xf32>,
      %broadcast_in_dim3A_380 = arith.constant 9 : i32
      %broadcast_in_dim3A_381 = vector.broadcast %broadcast_in_dim3A_380 : i32 to vector<16xi32>
      %gather3A_382 = tpu.vector_load_idx %arg11[%add3A_352, %broadcast_in_dim3A_381] : memref<80x16xf32, #tpu.memory_space<vmem>>[vector<16xi32>, vector<16xi32>], vector<16xf32>,
      %broadcast_in_dim3A_383 = arith.constant 10 : i32
      %broadcast_in_dim3A_384 = vector.broadcast %broadcast_in_dim3A_383 : i32 to vector<16xi32>
      %gather3A_385 = tpu.vector_load_idx %arg11[%add3A_352, %broadcast_in_dim3A_384] : memref<80x16xf32, #tpu.memory_space<vmem>>[vector<16xi32>, vector<16xi32>], vector<16xf32>,
      %broadcast_in_dim3A_386 = arith.constant 11 : i32
      %broadcast_in_dim3A_387 = vector.broadcast %broadcast_in_dim3A_386 : i32 to vector<16xi32>
      %gather3A_388 = tpu.vector_load_idx %arg11[%add3A_352, %broadcast_in_dim3A_387] : memref<80x16xf32, #tpu.memory_space<vmem>>[vector<16xi32>, vector<16xi32>], vector<16xf32>,
      %broadcast_in_dim3A_389 = arith.constant 12 : i32
      %broadcast_in_dim3A_390 = vector.broadcast %broadcast_in_dim3A_389 : i32 to vector<16xi32>
      %gather3A_391 = tpu.vector_load_idx %arg11[%add3A_352, %broadcast_in_dim3A_390] : memref<80x16xf32, #tpu.memory_space<vmem>>[vector<16xi32>, vector<16xi32>], vector<16xf32>,
      %broadcast_in_dim3A_392 = arith.constant 13 : i32
      %broadcast_in_dim3A_393 = vector.broadcast %broadcast_in_dim3A_392 : i32 to vector<16xi32>
      %gather3A_394 = tpu.vector_load_idx %arg11[%add3A_352, %broadcast_in_dim3A_393] : memref<80x16xf32, #tpu.memory_space<vmem>>[vector<16xi32>, vector<16xi32>], vector<16xf32>,
      %broadcast_in_dim3A_395 = arith.constant 14 : i32
      %broadcast_in_dim3A_396 = vector.broadcast %broadcast_in_dim3A_395 : i32 to vector<16xi32>
      %gather3A_397 = tpu.vector_load_idx %arg11[%add3A_352, %broadcast_in_dim3A_396] : memref<80x16xf32, #tpu.memory_space<vmem>>[vector<16xi32>, vector<16xi32>], vector<16xf32>,
      %broadcast_in_dim3A_398 = arith.constant 15 : i32
      %broadcast_in_dim3A_399 = vector.broadcast %broadcast_in_dim3A_398 : i32 to vector<16xi32>
      %gather3A_400 = tpu.vector_load_idx %arg11[%add3A_352, %broadcast_in_dim3A_399] : memref<80x16xf32, #tpu.memory_space<vmem>>[vector<16xi32>, vector<16xi32>], vector<16xf32>,
      %add3A_401 = arith.addf %gather3A_355, %gather3A_358 : vector<16xf32>
      %add3A_402 = arith.addf %gather3A_361, %gather3A_364 : vector<16xf32>
      %add3A_403 = arith.addf %gather3A_367, %gather3A_370 : vector<16xf32>
      %add3A_404 = arith.addf %gather3A_373, %gather3A_376 : vector<16xf32>
      %add3A_405 = arith.addf %gather3A_379, %gather3A_382 : vector<16xf32>
      %add3A_406 = arith.addf %gather3A_385, %gather3A_388 : vector<16xf32>
      %add3A_407 = arith.addf %gather3A_391, %gather3A_394 : vector<16xf32>
      %add3A_408 = arith.addf %gather3A_397, %gather3A_400 : vector<16xf32>
      %add3A_409 = arith.addf %add3A_401, %add3A_402 : vector<16xf32>
      %add3A_410 = arith.addf %add3A_403, %add3A_404 : vector<16xf32>
      %add3A_411 = arith.addf %add3A_405, %add3A_406 : vector<16xf32>
      %add3A_412 = arith.addf %add3A_407, %add3A_408 : vector<16xf32>
      %add3A_413 = arith.addf %add3A_409, %add3A_410 : vector<16xf32>
      %add3A_414 = arith.addf %add3A_411, %add3A_412 : vector<16xf32>
      %add3A_415 = arith.addf %add3A_413, %add3A_414 : vector<16xf32>
      %swap3A_416 = arith.constant 5024 : index
      %swap3A_417 = tpu.vector_load %arg12[%swap3A_416] {strides = array<i32>} : memref<5040xf32, #tpu.memory_space<vmem>>, vector<16xf32>,
      tpu.vector_store %arg12[%swap3A_416], %add3A_415 {strides = array<i32>} : memref<5040xf32, #tpu.memory_space<vmem>>, vector<16xf32>,
    } else {
    }
    "tpu.region"() ({
      %run_scoped3A = tpu.sem_alloc : memref<!tpu.dma_semaphore, #tpu.memory_space<semaphore_mem>>
      %dma_start3A_49 = arith.constant 0 : i32
      %dma_start3A_50 = tpu.memref_slice %arg12[%dma_start3A_49] : memref<5040xf32, #tpu.memory_space<vmem>> -> memref<4960xf32, #tpu.memory_space<vmem>>
      %dma_start3A_51 = tpu.memref_slice %arg6[%mul3A_4] : memref<160000xf32, #tpu.memory_space<hbm>> -> memref<4960xf32, #tpu.memory_space<hbm>>
      %dma_start3A_52 = tpu.memref_slice %arg6[%mul3A_4] : memref<160000xf32, #tpu.memory_space<hbm>> -> memref<4960xf32, #tpu.memory_space<hbm>>
      %dma_start3A_53 = arith.constant 0 : i32
      %dma_start3A_54 = tpu.memref_slice %arg12[%dma_start3A_53] : memref<5040xf32, #tpu.memory_space<vmem>> -> memref<4960xf32, #tpu.memory_space<vmem>>
      tpu.enqueue_dma source(%dma_start3A_54 : memref<4960xf32, #tpu.memory_space<vmem>>) target(%dma_start3A_52 : memref<4960xf32, #tpu.memory_space<hbm>>) target_semaphore(%run_scoped3A : memref<!tpu.dma_semaphore, #tpu.memory_space<semaphore_mem>>)
      %dma_wait3A = arith.constant 0 : i32
      %dma_wait3A_55 = tpu.memref_slice %arg12[%dma_wait3A] : memref<5040xf32, #tpu.memory_space<vmem>> -> memref<4960xf32, #tpu.memory_space<vmem>>
      %dma_wait3A_56 = tpu.memref_slice %arg6[%mul3A_4] : memref<160000xf32, #tpu.memory_space<hbm>> -> memref<4960xf32, #tpu.memory_space<hbm>>
      %dma_wait3A_57 = tpu.memref_slice %arg6[%mul3A_4] : memref<160000xf32, #tpu.memory_space<hbm>> -> memref<4960xf32, #tpu.memory_space<hbm>>
      %dma_wait3A_58 = arith.constant 0 : i32
      %dma_wait3A_59 = tpu.memref_slice %arg12[%dma_wait3A_58] : memref<5040xf32, #tpu.memory_space<vmem>> -> memref<4960xf32, #tpu.memory_space<vmem>>
      tpu.wait_dma2 semaphore(%run_scoped3A : memref<!tpu.dma_semaphore, #tpu.memory_space<semaphore_mem>>) src(%dma_wait3A_59 : memref<4960xf32, #tpu.memory_space<vmem>>) dst(%dma_wait3A_57 : memref<4960xf32, #tpu.memory_space<hbm>>)
      tpu.yield
    }) : () -> ()
    %lt3A_44 = arith.constant 16 : i32
    %lt3A_45 = arith.cmpi slt, %add3A, %lt3A_44 : i32
    %convert_element_type3A_46 = arith.extui %lt3A_45 : i1 to i32
    %cond3A_47 = arith.constant 0 : i32
    %cond3A_48 = arith.cmpi ne, %convert_element_type3A_46, %cond3A_47 : i32
    scf.if %cond3A_48 {
      "tpu.region"() ({
        %run_scoped3A = tpu.sem_alloc : memref<!tpu.dma_semaphore, #tpu.memory_space<semaphore_mem>>
        %dma_start3A_49 = arith.constant 4960 : i32
        %dma_start3A_50 = tpu.memref_slice %arg12[%dma_start3A_49] : memref<5040xf32, #tpu.memory_space<vmem>> -> memref<80xf32, #tpu.memory_space<vmem>>
        %dma_start3A_51 = tpu.memref_slice %arg6[%add3A_8] : memref<160000xf32, #tpu.memory_space<hbm>> -> memref<80xf32, #tpu.memory_space<hbm>>
        %dma_start3A_52 = tpu.memref_slice %arg6[%add3A_8] : memref<160000xf32, #tpu.memory_space<hbm>> -> memref<80xf32, #tpu.memory_space<hbm>>
        %dma_start3A_53 = arith.constant 4960 : i32
        %dma_start3A_54 = tpu.memref_slice %arg12[%dma_start3A_53] : memref<5040xf32, #tpu.memory_space<vmem>> -> memref<80xf32, #tpu.memory_space<vmem>>
        tpu.enqueue_dma source(%dma_start3A_54 : memref<80xf32, #tpu.memory_space<vmem>>) target(%dma_start3A_52 : memref<80xf32, #tpu.memory_space<hbm>>) target_semaphore(%run_scoped3A : memref<!tpu.dma_semaphore, #tpu.memory_space<semaphore_mem>>)
        %dma_wait3A = arith.constant 4960 : i32
        %dma_wait3A_55 = tpu.memref_slice %arg12[%dma_wait3A] : memref<5040xf32, #tpu.memory_space<vmem>> -> memref<80xf32, #tpu.memory_space<vmem>>
        %dma_wait3A_56 = tpu.memref_slice %arg6[%add3A_8] : memref<160000xf32, #tpu.memory_space<hbm>> -> memref<80xf32, #tpu.memory_space<hbm>>
        %dma_wait3A_57 = tpu.memref_slice %arg6[%add3A_8] : memref<160000xf32, #tpu.memory_space<hbm>> -> memref<80xf32, #tpu.memory_space<hbm>>
        %dma_wait3A_58 = arith.constant 4960 : i32
        %dma_wait3A_59 = tpu.memref_slice %arg12[%dma_wait3A_58] : memref<5040xf32, #tpu.memory_space<vmem>> -> memref<80xf32, #tpu.memory_space<vmem>>
        tpu.wait_dma2 semaphore(%run_scoped3A : memref<!tpu.dma_semaphore, #tpu.memory_space<semaphore_mem>>) src(%dma_wait3A_59 : memref<80xf32, #tpu.memory_space<vmem>>) dst(%dma_wait3A_57 : memref<80xf32, #tpu.memory_space<hbm>>)
        tpu.yield
      }) : () -> ()
    } else {
    }
    return
  }
}

</mosaic_0001>

<sc_bundles>
// kernel: kernel.3.cloned.1.call-start
scs
__scs_entry_jumppad:
0x0: {  	(pc) =	sbr.rel $0x88, $3  }
0x1: {  	(tag) =	ssettag $0x0;
	lr =	simm.s32 $0x1  }
0x2: {  	[smem:$0x3F9E] =	sst lr;
	_ =	strace $0xD0000000  }
0x3: {  	_ = 	snop  }
0x4: {  	_ = 	snop  }
0x5: {  	_ = 	snop  }
0x6: {  	_ = 	snop  }
0x7: {  	_ = 	snop  }
__scs_overlays_trampoline_lowered:
0x8: {  	[smem:$0x3FAD] =	sst s0  }
0x9: {  	[smem:$0x3FAE] =	sst s1  }
0xa: {  	[smem:$0x3FAF] =	sst s2  }
0xb: {  	[smem:$0x3FB0] =	sst s3  }
0xc: {  	[smem:$0x3FB1] =	sst s4  }
0xd: {  	[smem:$0x3FB2] =	sst s5  }
0xe: {  	[smem:$0x3FB3] =	sst s6  }
0xf: {  	[smem:$0x3FB4] =	sst s7  }
0x10: {  	[smem:$0x3FB5] =	sst s8  }
0x11: {  	[smem:$0x3FB6] =	sst s9;
	s0 =	simm.s32 @!p0 $0x0  }
0x12: {  	s1 =	sld [smem:$0x3F9C];
	s0 =	simm.s32 @p0 $0x1  }
0x13: {  	[smem:$0x3FB7] =	sst s0;
	s0 =	simm.s32 @!p1 $0x0  }
0x14: {  	s2 =	sld [smem:$0x3F9B];
	s0 =	simm.s32 @p1 $0x1  }
0x15: {  	[smem:$0x3FB8] =	sst s0;
	s0 =	simm.s32 @!p2 $0x0  }
0x16: {  	s3 =	sld [smem:$0x3FDB];
	s0 =	simm.s32 @p2 $0x1  }
0x17: {  	s4 =	simm.s32 $0x1BF5;
	[smem:$0x3FBA] =	sst s0  }
0x18: {  	s0 =	sld [smem:$0x3F9D];
	_ =	swait.ge [sflag:s4], $0x0  }
0x19: {  	s7 =	sld [smem:$0x3F9E]  }
0x1a: {  	s8 =	sadd.s32 $0xFFFFE003, lr  }
0x1b: {  	s9 =	sadd.s32 $0xFFFFFEF7, lr;
	s5 =	simm.s32 $0xFFFFFFFF;
	p2 =	slt.u32 s8, $0xFFFFF086  }
0x1c: {  	p1 =	slt.u32 s9, $0xF7A;
	s5 =	simm.s32 @!p2 $0x0  }
0x1d: {  	s5 =	simm.s32 @p1 $0x1;
	p0 =	seq.s32 s7, s2  }
0x1e: {  	s7 =	smul.u32 @!p0 $0xF7A, s2;
	p2 =	seq.s32 @!p0 s5, $0x0  }
0x1f: {  	s9 =	smul.u32 $0xF7A, s1;
	s8 =	simm.s32 @!p0 $0x1BF5;
	p2 =	por !p2, p0  }
0x20: {  	[sflag:s8] =	ssyncset.s32 @!p0 $0xFFFFF086;
	s6 =	sadd.s32 @!p0 s3, s7;
	s7 =	simm.s32 @!p0 $0x108  }
0x21: {  	s3 =	sadd.s32 s3, s9;
	s6 =	sadd.s32 @!p0 $0x88, s6;
	s7 =	simm.s32 @p2 $0x1082  }
0x22: {  	[simem:s7], [sflag:s8] =	dma.local @!p0 [hbm:s6], $0xF7A  }
0x23: {  	s9 =	sor.u32 $0xD0000000, s2;
	s6 =	simm.s32 $0x108;
	_ =	swait.ge @!p0 [sflag:s8], $0x0  }
0x24: {  	s3 =	sadd.s32 $0x88, s3;
	s6 =	simm.s32 @!p1 $0x1082;
	[sflag:s4] =	ssyncset.s32 $0xFFFFF086  }
0x25: {  	[simem:s6], [sflag:s4] =	dma.local [hbm:s3], $0xF7A  }
0x26: {  	[smem:$0x3F9E] =	sst s1;
	(tag) =	ssettag s2;
	_ =	strace s9  }
0x27: {  	s1 =	sld [smem:$0x3FAE]  }
0x28: {  	s2 =	sld [smem:$0x3FAF]  }
0x29: {  	s4 =	sld [smem:$0x3FB1]  }
0x2a: {  	p0 =	seq.s32 s5, $0x0;
	s5 =	sld [smem:$0x3FB2]  }
0x2b: {  	s6 =	sld [smem:$0x3FB3]  }
0x2c: {  	s7 =	sld [smem:$0x3FB4]  }
0x2d: {  	s3 =	simm.s32 $0x108;
	s8 =	sld [smem:$0x3FB5]  }
0x2e: {  	s3 =	simm.s32 @!p0 $0x1082;
	s9 =	sld [smem:$0x3FB6]  }
0x2f: {  	lr =	sadd.s32 s0, s3;
	s0 =	sld [smem:$0x3FAD]  }
0x30: {  	s3 =	sld [smem:$0x3FB0]  }
0x31: {  	[smem:$0x3FB9] =	sst s10  }
0x32: {  	s10 =	sld [smem:$0x3FB7];
	_ =	sdelay $0x3  }
0x33: {  	p0 =	seq.s32 s10, $0x1;
	s10 =	sld [smem:$0x3FB9];
	_ =	sdelay $0x3  }
0x34: {  	[smem:$0x3FB9] =	sst s10  }
0x35: {  	s10 =	sld [smem:$0x3FB8];
	_ =	sdelay $0x3  }
0x36: {  	p1 =	seq.s32 s10, $0x1;
	s10 =	sld [smem:$0x3FB9];
	_ =	sdelay $0x3  }
0x37: {  	[smem:$0x3FB9] =	sst s10  }
0x38: {  	s10 =	sld [smem:$0x3FBA]  }
0x39: {  	_ = 	snop;
	(pc) =	sbr.ind lr, $3  }
0x3a: {  	_ = 	snop  }
0x3b: {  	_ = 	snop  }
0x3c: {  	p2 =	seq.s32 s10, $0x1;
	s10 =	sld [smem:$0x3FB9]  }
0x3d: {  	_ =	shalt  }
0x3e: {  	_ =	shalt  }
0x3f: {  	_ =	shalt  }
0x40: {  	_ =	shalt  }
0x41: {  	_ =	shalt  }
0x42: {  	_ =	shalt  }
0x43: {  	_ =	shalt  }
0x44: {  	_ =	shalt  }
0x45: {  	_ =	shalt  }
0x46: {  	_ =	shalt  }
0x47: {  	_ =	shalt  }
0x48: {  	_ =	shalt  }
0x49: {  	_ =	shalt  }
0x4a: {  	_ =	shalt  }
0x4b: {  	_ =	shalt  }
0x4c: {  	_ =	shalt  }
0x4d: {  	_ =	shalt  }
0x4e: {  	_ =	shalt  }
0x4f: {  	_ =	shalt  }
0x50: {  	_ =	shalt  }
0x51: {  	_ =	shalt  }
0x52: {  	_ =	shalt  }
0x53: {  	_ =	shalt  }
0x54: {  	_ =	shalt  }
0x55: {  	_ =	shalt  }
0x56: {  	_ =	shalt  }
0x57: {  	_ =	shalt  }
0x58: {  	_ =	shalt  }
0x59: {  	_ =	shalt  }
0x5a: {  	_ =	shalt  }
0x5b: {  	_ =	shalt  }
0x5c: {  	_ =	shalt  }
0x5d: {  	_ =	shalt  }
0x5e: {  	_ =	shalt  }
0x5f: {  	_ =	shalt  }
0x60: {  	_ =	shalt  }
0x61: {  	_ =	shalt  }
0x62: {  	_ =	shalt  }
0x63: {  	_ =	shalt  }
0x64: {  	_ =	shalt  }
0x65: {  	_ =	shalt  }
0x66: {  	_ =	shalt  }
0x67: {  	_ =	shalt  }
0x68: {  	_ =	shalt  }
0x69: {  	_ =	shalt  }
0x6a: {  	_ =	shalt  }
0x6b: {  	_ =	shalt  }
0x6c: {  	_ =	shalt  }
0x6d: {  	_ =	shalt  }
0x6e: {  	_ =	shalt  }
0x6f: {  	_ =	shalt  }
0x70: {  	_ =	shalt  }
0x71: {  	_ =	shalt  }
0x72: {  	_ =	shalt  }
0x73: {  	_ =	shalt  }
0x74: {  	_ =	shalt  }
0x75: {  	_ =	shalt  }
0x76: {  	_ =	shalt  }
0x77: {  	_ =	shalt  }
0x78: {  	_ =	shalt  }
0x79: {  	_ =	shalt  }
0x7a: {  	_ =	shalt  }
0x7b: {  	_ =	shalt  }
0x7c: {  	_ =	shalt  }
0x7d: {  	_ =	shalt  }
0x7e: {  	_ =	shalt  }
0x7f: {  	_ =	shalt  }
0x80: {  	_ =	shalt  }
0x81: {  	_ =	shalt  }
0x82: {  	_ =	shalt  }
0x83: {  	_ =	shalt  }
0x84: {  	_ =	shalt  }
0x85: {  	_ =	shalt  }
0x86: {  	_ =	shalt  }
0x87: {  	_ =	shalt  }
.Lfunc_end0:
.L_simem_size_0:
called_computation_lowered:
.L_overlay_start_0:
0x88: {  	s2 =	sld [smem:$0x3FD9]  }
0x89: {  	s3 =	sld [smem:$0x3FFE];
	_ =	sdelay $0x1  }
0x8a: {  	s1 =	srdreg.scid  }
0x8b: {  	s0 =	sand.u32 $0x1, s1  }
0x8c: {  	s17 =	sshll.u32 s0, $0xA;
	s2 =	sadd.s32 s3, s2  }
0x8d: {  	s2 =	sadd.s32 s2, s17  }
0x8e: {  	[smem:$0x3FC5] =	sst s2  }
0x8f: {  	_ = 	snop  }
0x90: {  	s2 =	sld [smem:$0x3FD0];
	(tm) =	ssettm $0x1  }
0x91: {  	s18 =	sld [smem:$0x3FFB];
	_ =	sdelay $0x3  }
0x92: {  	_ =	strace s18  }
0x93: {  	s3 =	sld [smem:$0x3FFC];
	_ =	sdelay $0x3  }
0x94: {  	_ =	strace s3  }
0x95: {  	s3 =	sld [smem:$0x3FFD];
	_ =	sdelay $0x3  }
0x96: {  	_ =	strace s3  }
0x97: {  	_ =	strace $0x8FFFFFFF  }
0x98: {  	s19 =	sld [smem:$0x3FDB];
	_ =	sdelay $0x1  }
0x99: {  	s4 =	simm.s32 $_scs_section_size  }
0x9a: {  	s5 =	simm.s32 $_size__tile_overlayer_lowered;
	s6 =	simm.s32 $_tile_overlayer_lowered  }
0x9b: {  	s22 =	simm.s32 $0x1BFF;
	s21 =	sshll.u32 s6, $0x1;
	s3 =	sadd.s32 s4, s19  }
0x9c: {  	s7 =	simm.s32 $0x0;
	s20 =	sshll.u32 s5, $0x1;
	s5 =	sadd.s32 s21, s3  }
0x9d: {  	[timem:s7], [sflag:s22] =	dma.local [hbm:s5], s20  }
0x9e: {  	_ =	swait.ge [sflag:s22], s20  }
0x9f: {  	s4 =	ssub.s32 $0x0, s20;
	[sflag:s22] =	ssyncset.done $0x0  }
0xa0: {  	[sflag:s22] =	ssyncadd.s32 s4;
	_ =	sdelay $0x1  }
0xa1: {  	s23 =	simm.s32 $0x1B8B  }
0xa2: {  	_ =	swait.ge [sflag:s23], $0x1  }
0xa3: {  	[sflag:s23] =	ssyncset.done $0x0  }
0xa4: {  	s25 =	simm.s32 $0x1B8E;
	s24 =	sld [smem:$0x3FFE];
	[sflag:s23] =	ssyncadd.s32 $0xFFFFFFFF  }
0xa5: {  	s26 =	simm.s32 $execute0_lowered;
	[smem:$0x3FD2] =	sst s25  }
0xa6: {  	s5 =	sshll.u32 s26, $0x1;
	_ =	strace $0x80000046;
	[dreg:$0x1] =	wrdreg $0xFFFFFFFF  }
0xa7: {  	s28 =	simm.s32 $_size_execute0_lowered;
	s3 =	sadd.s32 s3, s5;
	[dreg:$0x0] =	wrdreg $0x0  }
0xa8: {  	s5 =	sshll.u32 s28, $0x1;
	[dreg:$0x2] =	wrdreg s3  }
0xa9: {  	[dreg:$0x3] =	wrdreg s5  }
0xaa: {  	[dreg:$0x4] =	wrdreg $0xC0  }
0xab: {  	_ =	task [dreg:s7], $0x5FFFF  }
0xac: {  	[dreg:$0x1] =	wrdreg $0xFFFFFFFF  }
0xad: {  	[dreg:$0x0] =	wrdreg $0x60  }
0xae: {  	[dreg:$0x2] =	wrdreg s24  }
0xaf: {  	[dreg:$0x3] =	wrdreg s2  }
0xb0: {  	[dreg:$0x4] =	wrdreg $0x9  }
0xb1: {  	_ =	task.clear_ibuf [dreg:s7], $0x5FFFF;
	_ =	strace $0x90000046  }
0xb2: {  	s29 =	simm.s32 $0x9;
	_ =	strace $0x80000048  }
0xb3: {  	_ =	swait.ge [sflag:s29], $0x1  }
0xb4: {  	[sflag:s29] =	ssyncadd.s32 $0xFFFFFFFF  }
0xb5: {  	_ =	strace $0x90000048  }
0xb6: {  	_ =	sfence  }
0xb7: {  	s30 =	sld [smem:$0x0];
	_ =	sdelay $0x2  }
0xb8: {  	s31 =	sshll.u32 s1, $0xD;
	s1 =	sshrl.u32 s1, $0x2  }
0xb9: {  	s3 =	sand.u32 $0x4000, s31;
	s1 =	sadd.s32 s1, s30  }
0xba: {  	s0 =	sor.u32 s3, s0;
	s1 =	sshll.u32 s1, $0x11  }
0xbb: {  	s0 =	sor.u32 s1, s0  }
0xbc: {  	s0 =	sadd.s32 $0x8F2B, s0  }
0xbd: {  	[sflag:s0] =	ssyncadd.remote.s32 $0x1  }
0xbe: {  	_ =	sfence.sel $0xFFFF  }
0xbf: {  	[dreg:$0x0] =	wrdreg $0xFFFFFFFF;
	(pc) =	sbr.abs _section_cstart, $3  }
0xc0: {  	[dreg:$0x1] =	wrdreg $0xFFFFFFFF  }
0xc1: {  	_ =	task.clear_ibuf [dreg:s7], $0x2FFFF;
	_ =	strace $0x9FFFFFFF  }
0xc2: {  	(tm) =	ssettm $0x7FFFFFFF  }
0xc3: {  	_ =	shalt  }
tec
execute0_lowered:
.L_overlay_start_1:
0x0: {  	(tag) =	ssettag $0x1  }
0x1: {  	v0 =	vlaneseq.u32  }
0x2: {  	v0 =	vmul.u32 $0x10, v0;
	_ =	sdelay $0x1  }
0x3: {  	v1 =	vor.u32 $0x1, v0  }
0x4: {  	[tilespmem:$0x1FD20] =	vst v1;
	v1 =	vor.u32 $0x2, v0  }
0x5: {  	[tilespmem:$0x1FD30] =	vst v1;
	v1 =	vor.u32 $0x3, v0  }
0x6: {  	[tilespmem:$0x1FD40] =	vst v1;
	v1 =	vor.u32 $0x4, v0  }
0x7: {  	[tilespmem:$0x1FD50] =	vst v1;
	v1 =	vor.u32 $0x5, v0  }
0x8: {  	[tilespmem:$0x1FD60] =	vst v1;
	v1 =	vor.u32 $0x6, v0  }
0x9: {  	[tilespmem:$0x1FD70] =	vst v1;
	v1 =	vor.u32 $0x7, v0  }
0xa: {  	[tilespmem:$0x1FD80] =	vst v1;
	v1 =	vor.u32 $0x8, v0  }
0xb: {  	[tilespmem:$0x1FD90] =	vst v1;
	v1 =	vor.u32 $0x9, v0  }
0xc: {  	[tilespmem:$0x1FDA0] =	vst v1;
	v1 =	vor.u32 $0xA, v0  }
0xd: {  	[tilespmem:$0x1FDB0] =	vst v1;
	v1 =	vor.u32 $0xB, v0  }
0xe: {  	[tilespmem:$0x1FDC0] =	vst v1;
	v1 =	vor.u32 $0xC, v0  }
0xf: {  	[tilespmem:$0x1FDD0] =	vst v1;
	v1 =	vor.u32 $0xD, v0  }
0x10: {  	[tilespmem:$0x1FDE0] =	vst v1;
	v1 =	vor.u32 $0xE, v0  }
0x11: {  	[tilespmem:$0x1FDF0] =	vst v1;
	v1 =	vor.u32 $0xF, v0  }
0x12: {  	[tilespmem:$0x1FE00] =	vst v1;
	v1 =	vor.u32 $0x100, v0  }
0x13: {  	[tilespmem:$0x1FE10] =	vst v1;
	v1 =	vor.u32 $0x101, v0  }
0x14: {  	[tilespmem:$0x1FE20] =	vst v1;
	v1 =	vor.u32 $0x102, v0  }
0x15: {  	[tilespmem:$0x1FE30] =	vst v1;
	v1 =	vor.u32 $0x103, v0  }
0x16: {  	[tilespmem:$0x1FE40] =	vst v1;
	v1 =	vor.u32 $0x104, v0  }
0x17: {  	[tilespmem:$0x1FE50] =	vst v1;
	v1 =	vor.u32 $0x105, v0  }
0x18: {  	[tilespmem:$0x1FE60] =	vst v1;
	v1 =	vor.u32 $0x106, v0  }
0x19: {  	[tilespmem:$0x1FE70] =	vst v1;
	v1 =	vor.u32 $0x107, v0  }
0x1a: {  	[tilespmem:$0x1FE80] =	vst v1;
	v1 =	vor.u32 $0x108, v0  }
0x1b: {  	[tilespmem:$0x1FE90] =	vst v1;
	v1 =	vor.u32 $0x109, v0  }
0x1c: {  	[tilespmem:$0x1FEA0] =	vst v1;
	v1 =	vor.u32 $0x10A, v0  }
0x1d: {  	s0 =	rddreg [dreg:$0x0];
	s2 =	simm.s32 $0x0;
	[tilespmem:$0x1FEB0] =	vst v1;
	v1 =	vor.u32 $0x10B, v0  }
0x1e: {  	[smem:$0x7FF] =	sst s2;
	[tilespmem:$0x1FEC0] =	vst v1;
	v1 =	vor.u32 $0x10C, v0  }
0x1f: {  	s1 =	rddreg [dreg:$0x1];
	_ =	strace $0x80000047;
	[tilespmem:$0x1FED0] =	vst v1;
	v1 =	vor.u32 $0x10D, v0  }
0x20: {  	[tilespmem:$0x1FEE0] =	vst v1;
	v1 =	vor.u32 $0x10E, v0  }
0x21: {  	[tilespmem:$0x1FEF0] =	vst v1;
	v1 =	vor.u32 $0x10F, v0  }
0x22: {  	[tilespmem:$0x1FF00] =	vst v1;
	v1 =	vor.u32 $0x200, v0  }
0x23: {  	[tilespmem:$0x1FF10] =	vst v1;
	v1 =	vor.u32 $0x201, v0  }
0x24: {  	[tilespmem:$0x1FF20] =	vst v1;
	v1 =	vor.u32 $0x202, v0  }
0x25: {  	s3 =	srdreg.scid;
	s12 =	stileid.u32;
	s13 =	simm.s32 $0x13B0;
	[tilespmem:$0x1FF30] =	vst v1;
	v1 =	vor.u32 $0x203, v0  }
0x26: {  	s14 =	simm.s32 $0x50;
	s15 =	simm.s32 $0x2760;
	s16 =	simm.s32 $0xC760;
	[tilespmem:$0x1FF40] =	vst v1;
	v1 =	vor.u32 $0x204, v0  }
0x27: {  	s17 =	simm.s32 $0x7760;
	s18 =	simm.s32 $0x11760;
	s19 =	simm.s32 $0x1;
	[tilespmem:$0x1FF50] =	vst v1;
	v1 =	vor.u32 $0x205, v0  }
0x28: {  	s20 =	simm.s32 $0x3;
	s21 =	simm.s32 $0x16760;
	s22 =	simm.s32 $0x2;
	[tilespmem:$0x1FF60] =	vst v1;
	v1 =	vor.u32 $0x206, v0  }
0x29: {  	s23 =	simm.s32 $0x4;
	s3 =	sand.u32 $0x1, s3;
	s4 =	sshll.u32 s12, $0x1;
	[tilespmem:$0x1FF70] =	vst v1;
	v1 =	vor.u32 $0x207, v0  }
0x2a: {  	s24 =	simm.s32 $0x16C60;
	s7 =	sadd.s32 $0x5800, s0;
	s4 =	sor.u32 s3, s4;
	v47 =	vor.u32 $0x20F, v0;
	v48 =	vor.u32 $0x300, v0;
	[tilespmem:$0x1FF80] =	vst v1;
	v1 =	vor.u32 $0x208, v0  }
0x2b: {  	s26 =	simm.s32 $0x0;
	s8 =	sadd.s32 $0x800, s0;
	s6 =	smul.u32 $0x50, s4;
	v49 =	vor.u32 $0x301, v0;
	v50 =	vor.u32 $0x302, v0;
	[tilespmem:$0x1FF90] =	vst v1;
	v1 =	vor.u32 $0x209, v0  }
0x2c: {  	p0 =	sgt.u32 s12, $0x7;
	s12 =	simm.s32 $0x5;
	s10 =	smul.u32 $0x26C, s4;
	v51 =	vor.u32 $0x303, v0;
	v52 =	vor.u32 $0x304, v0;
	[tilespmem:$0x1FFA0] =	vst v1;
	v1 =	vor.u32 $0x20A, v0  }
.Ltmp0:
0x2d: {  	s5 =	ssub.s32 $0x2, s3;
	s3 =	sadd.s32 $0xA800, s0;
	v53 =	vor.u32 $0x305, v0;
	v54 =	vor.u32 $0x306, v0;
	[tilespmem:$0x1FFB0] =	vst v1;
	v1 =	vor.u32 $0x20B, v0;
	(pc) =	sbr.rel .LBB2_1-.Ltmp0, $4  }
0x2e: {  	s9 =	sshrl.u32 s5, $0x1;
	s4 =	sadd.s32 $0x58A00, s0;
	v55 =	vor.u32 $0x307, v0;
	v56 =	vor.u32 $0x308, v0;
	s31 =	sshrl.u32 s6, $0x3;
	[tilespmem:$0x1FFC0] =	vst v1;
	v1 =	vor.u32 $0x20C, v0  }
0x2f: {  	v57 =	vor.u32 $0x309, v0;
	v58 =	vor.u32 $0x30A, v0;
	s30 =	ssub.s32 s5, s9;
	s5 =	sadd.s32 s7, s10;
	s11 =	sadd.s32 $0x4D80, s31;
	[tilespmem:$0x1FFD0] =	vst v1;
	v1 =	vor.u32 $0x20D, v0  }
0x30: {  	v59 =	vor.u32 $0x30B, v0;
	v60 =	vor.u32 $0x30C, v0;
	s6 =	sadd.s32 s8, s10;
	s9 =	sadd.s32 s1, s10;
	s7 =	sadd.s32 s7, s11;
	[tilespmem:$0x1FFE0] =	vst v1;
	v1 =	vor.u32 $0x20E, v0  }
0x31: {  	v61 =	vor.u32 $0x30D, v0;
	v62 =	vor.u32 $0x30E, v0;
	v63 =	vor.u32 $0x30F, v0;
	s8 =	sadd.s32 s8, s11;
	s10 =	sadd.s32 s1, s11;
	s11 =	smax.u32 s30, $0x1;
	[tilespmem:$0x1FFF0] =	vst v1  }
.LBB2_11:
0x32: {  	[hbm4b:s9+s2] =	stream.linear.scatter [tilespmem:s24], [sflag:$0x5], $0x1360, $0x38;
	[tilespmem:$0x18010] =	vst v63  }
0x33: {  	_ =	swait.ge [sflag:s12], $0x1360  }
0x34: {  	[sflag:s12] =	ssyncset.done $0x0  }
0x35: {  	[sflag:s12] =	ssyncadd.s32 $0xFFFFECA0  }
.LBB2_12:
0x36: {  	s26 =	sadd.s32 $0x1, s26  }
0x37: {  	p1 =	sne.s32 s26, s11  }
.Ltmp1:
0x38: {  	_ = 	snop;
	(pc) =	sbr.rel @!p1 .LBB2_13-.Ltmp1, $1  }
0x39: {  	_ =	sdelay $0x3  }
.LBB2_1:
0x3a: {  	[tilespmem:s2], [sflag:$0x5] =	stream.linear.gather [hbm4b:s5+s2], $0x1360, $0x38;
	[tilespmem:$0x18010] =	vst v63  }
0x3b: {  	_ =	swait.ge [sflag:s12], $0x1360  }
0x3c: {  	[sflag:s12] =	ssyncset.done $0x0  }
0x3d: {  	[sflag:s12] =	ssyncadd.s32 $0xFFFFECA0  }
0x3e: {  	[tilespmem:s13], [sflag:$0x5] =	stream.linear.gather [hbm4b:s6+s2], $0x1360, $0x38;
	[tilespmem:$0x18010] =	vst v63  }
0x3f: {  	_ =	swait.ge [sflag:s12], $0x1360  }
0x40: {  	[sflag:s12] =	ssyncset.done $0x0  }
0x41: {  	s0 =	simm.s32 @!p0 $0x0;
	s1 =	simm.s32 @!p0 $0x1360;
	[sflag:s12] =	ssyncadd.s32 $0xFFFFECA0  }
0x42: {  	[tilespmem:s1], [sflag:$0x5] =	stream.linear.gather @!p0 [hbm4b:s7+s0], $0x50, $0x38;
	[tilespmem:$0x18010] =	vst v63  }
0x43: {  	s1 =	simm.s32 @!p0 $0x5  }
0x44: {  	_ =	swait.ge @!p0 [sflag:s1], $0x50  }
0x45: {  	[sflag:s1] =	ssyncset.done @!p0 $0x0  }
0x46: {  	s25 =	simm.s32 @!p0 $0x2710;
	[sflag:s1] =	ssyncadd.s32 @!p0 $0xFFFFFFB0  }
0x47: {  	[tilespmem:s25], [sflag:$0x5] =	stream.linear.gather @!p0 [hbm4b:s8+s0], $0x50, $0x38;
	[tilespmem:$0x18010] =	vst v63  }
0x48: {  	_ =	swait.ge @!p0 [sflag:s1], $0x50  }
0x49: {  	[sflag:s1] =	ssyncset.done @!p0 $0x0  }
0x4a: {  	s28 =	simm.s32 @!p0 $0x3F;
	[sflag:s1] =	ssyncadd.s32 @!p0 $0xFFFFFFB0  }
0x4b: {  	[tilespmem:s15], [sflag:$0x1] =	stream.indirect.gather [hbm4b:s3+s14], $0x100, s2, s14, $0xb8;
	[tilespmem:$0x18010] =	vst v63  }
0x4c: {  	s29 =	simm.s32 $0x0;
	s28 =	simm.s32 @p0 $0x3E  }
0x4d: {  	[tilespmem:s16], [sflag:$0x3] =	stream.indirect.gather [hbm4b:s4+s14], $0x100, s13, s14, $0xb8;
	[tilespmem:$0x18010] =	vst v63  }
.LBB2_2:
0x4e: {  	s30 =	smul.u32 $0xA0, s29;
	_ =	sdelay $0x1  }
0x4f: {  	s31 =	sadd.s32 $0x50, s30  }
0x50: {  	[tilespmem:s17], [sflag:$0x2] =	stream.indirect.gather [hbm4b:s3+s14], $0x100, s31, s14, $0xb8;
	[tilespmem:$0x18010] =	vst v63  }
0x51: {  	s0 =	sadd.s32 $0x1400, s30  }
0x52: {  	[tilespmem:s18], [sflag:$0x4] =	stream.indirect.gather [hbm4b:s4+s14], $0x100, s0, s14, $0xb8;
	[tilespmem:$0x18010] =	vst v63  }
0x53: {  	_ =	swait.ge [sflag:s19], $0x5000  }
0x54: {  	[sflag:s19] =	ssyncset.done $0x0  }
0x55: {  	[sflag:s19] =	ssyncadd.s32 $0xFFFFB000  }
0x56: {  	_ =	swait.ge [sflag:s20], $0x5000  }
0x57: {  	[sflag:s20] =	ssyncset.done $0x0  }
0x58: {  	s25 =	simm.s32 $0x0;
	[sflag:s20] =	ssyncadd.s32 $0xFFFFB000  }
0x59: {  	v1 =	vld [tilespmem:s25+$0xC760]  }
0x5a: {  	v2 =	vld [tilespmem:s25+$0x2760]  }
0x5b: {  	v3 =	vld [tilespmem:s25+$0x2770]  }
0x5c: {  	v4 =	vld [tilespmem:s25+$0xC770]  }
0x5d: {  	v5 =	vld [tilespmem:s25+$0x2780]  }
0x5e: {  	v6 =	vld [tilespmem:s25+$0xC780]  }
0x5f: {  	v7 =	vld [tilespmem:s25+$0x2790]  }
0x60: {  	v8 =	vld [tilespmem:s25+$0xC790]  }
0x61: {  	v9 =	vld [tilespmem:s25+$0x27A0]  }
0x62: {  	v10 =	vld [tilespmem:s25+$0xC7A0]  }
0x63: {  	v11 =	vld [tilespmem:s25+$0x27B0]  }
0x64: {  	v12 =	vld [tilespmem:s25+$0xC7B0]  }
0x65: {  	v13 =	vld [tilespmem:s25+$0x27C0]  }
0x66: {  	v14 =	vld [tilespmem:s25+$0xC7C0]  }
0x67: {  	v15 =	vld [tilespmem:s25+$0x27D0]  }
0x68: {  	v16 =	vld [tilespmem:s25+$0xC7D0]  }
0x69: {  	v17 =	vld [tilespmem:s25+$0x27E0]  }
0x6a: {  	v18 =	vld [tilespmem:s25+$0xC7E0]  }
0x6b: {  	v19 =	vld [tilespmem:s25+$0x27F0]  }
0x6c: {  	v20 =	vld [tilespmem:s25+$0xC7F0]  }
0x6d: {  	v21 =	vld [tilespmem:s25+$0x2800]  }
0x6e: {  	v22 =	vld [tilespmem:s25+$0xC800]  }
0x6f: {  	v23 =	vld [tilespmem:s25+$0x2810]  }
0x70: {  	v24 =	vld [tilespmem:s25+$0xC810]  }
0x71: {  	v25 =	vld [tilespmem:s25+$0x2820]  }
0x72: {  	v26 =	vld [tilespmem:s25+$0xC820]  }
0x73: {  	v27 =	vld [tilespmem:s25+$0x2830]  }
0x74: {  	v28 =	vld [tilespmem:s25+$0xC830]  }
0x75: {  	v29 =	vld [tilespmem:s25+$0x2840];
	v1 =	vmul.f32 v1, v2  }
0x76: {  	v2 =	vmul.f32 v4, v3;
	v3 =	vld [tilespmem:s25+$0xC840];
	v4 =	vmul.f32 v6, v5  }
0x77: {  	v5 =	vmul.f32 v8, v7;
	v6 =	vld [tilespmem:s25+$0x2850];
	v7 =	vmul.f32 v10, v9  }
0x78: {  	v8 =	vmul.f32 v12, v11;
	v9 =	vld [tilespmem:s25+$0xC850];
	v10 =	vmul.f32 v14, v13  }
0x79: {  	v11 =	vmul.f32 v16, v15;
	v12 =	vmul.f32 v18, v17  }
0x7a: {  	v13 =	vmul.f32 v20, v19;
	v14 =	vmul.f32 v24, v23  }
0x7b: {  	v15 =	vmul.f32 v28, v27;
	v1 =	vadd.f32 v2, v1;
	v2 =	vmul.f32 v22, v21  }
0x7c: {  	v4 =	vadd.f32 v5, v4;
	v5 =	vmul.f32 v26, v25;
	v7 =	vadd.f32 v8, v7  }
0x7d: {  	v8 =	vadd.f32 v11, v10;
	v3 =	vmul.f32 v3, v29;
	v6 =	vmul.f32 v9, v6  }
0x7e: {  	v2 =	vadd.f32 v14, v2;
	v5 =	vadd.f32 v15, v5  }
0x7f: {  	v9 =	vadd.f32 v13, v12;
	v3 =	vadd.f32 v6, v3  }
0x80: {  	v1 =	vadd.f32 v4, v1;
	v4 =	vadd.f32 v8, v7  }
0x81: {  	v2 =	vadd.f32 v2, v9;
	v3 =	vadd.f32 v3, v5;
	_ =	sdelay $0x1  }
0x82: {  	v1 =	vadd.f32 v4, v1;
	v2 =	vadd.f32 v3, v2;
	_ =	sdelay $0x1  }
0x83: {  	v1 =	vadd.f32 v2, v1  }
0x84: {  	s0 =	simm.s32 $0x16760  }
0x85: {  	s25 =	simm.s32 $0x100;
	[tilespmem:s0+$0x0] =	vst v1  }
0x86: {  	v22 =	vld [tilespmem:s25+$0xC760]  }
0x87: {  	v23 =	vld [tilespmem:s25+$0x2760]  }
0x88: {  	v25 =	vld [tilespmem:s25+$0x2770]  }
0x89: {  	v26 =	vld [tilespmem:s25+$0xC770]  }
0x8a: {  	v27 =	vld [tilespmem:s25+$0x2780]  }
0x8b: {  	v28 =	vld [tilespmem:s25+$0xC780]  }
0x8c: {  	v29 =	vld [tilespmem:s25+$0x2790]  }
0x8d: {  	v30 =	vld [tilespmem:s25+$0xC790]  }
0x8e: {  	v1 =	vld [tilespmem:s25+$0x27A0]  }
0x8f: {  	v2 =	vld [tilespmem:s25+$0xC7A0]  }
0x90: {  	v3 =	vld [tilespmem:s25+$0x27B0]  }
0x91: {  	v5 =	vld [tilespmem:s25+$0xC7B0]  }
0x92: {  	v4 =	vld [tilespmem:s25+$0x27C0]  }
0x93: {  	v6 =	vld [tilespmem:s25+$0xC7C0]  }
0x94: {  	v7 =	vld [tilespmem:s25+$0x27D0]  }
0x95: {  	v8 =	vld [tilespmem:s25+$0xC7D0]  }
0x96: {  	v9 =	vld [tilespmem:s25+$0x27E0]  }
0x97: {  	v10 =	vld [tilespmem:s25+$0xC7E0]  }
0x98: {  	v11 =	vld [tilespmem:s25+$0x27F0]  }
0x99: {  	v13 =	vld [tilespmem:s25+$0xC7F0]  }
0x9a: {  	v12 =	vld [tilespmem:s25+$0x2800]  }
0x9b: {  	v14 =	vld [tilespmem:s25+$0xC800]  }
0x9c: {  	v15 =	vld [tilespmem:s25+$0x2810]  }
0x9d: {  	v17 =	vld [tilespmem:s25+$0xC810]  }
0x9e: {  	v16 =	vld [tilespmem:s25+$0x2820]  }
0x9f: {  	v18 =	vld [tilespmem:s25+$0xC820]  }
0xa0: {  	v19 =	vld [tilespmem:s25+$0x2830]  }
0xa1: {  	v21 =	vld [tilespmem:s25+$0xC830]  }
0xa2: {  	v20 =	vld [tilespmem:s25+$0x2840]  }
0xa3: {  	v24 =	vmul.f32 v22, v23;
	v26 =	vmul.f32 v26, v25;
	v22 =	vld [tilespmem:s25+$0xC840]  }
0xa4: {  	s1 =	simm.s32 $0x800;
	v25 =	vmul.f32 v28, v27;
	v27 =	vmul.f32 v30, v29;
	v23 =	vld [tilespmem:s25+$0x2850]  }
.LBB2_3:
0xa5: {  	p1 =	sne.s32 s1, $0x13C00;
	v1 =	vmul.f32 v2, v1;
	v2 =	vmul.f32 v5, v3;
	v3 =	vld [tilespmem:s25+$0xC850]  }
0xa6: {  	v4 =	vmul.f32 v6, v4;
	v5 =	vmul.f32 v8, v7  }
0xa7: {  	v6 =	vmul.f32 v10, v9;
	v7 =	vmul.f32 v13, v11;
	v8 =	vadd.f32 v26, v24  }
0xa8: {  	v9 =	vmul.f32 v14, v12;
	v10 =	vmul.f32 v17, v15;
	v11 =	vadd.f32 v27, v25  }
0xa9: {  	v12 =	vmul.f32 v18, v16;
	v13 =	vmul.f32 v21, v19;
	v1 =	vadd.f32 v2, v1  }
0xaa: {  	v4 =	vadd.f32 v5, v4;
	v2 =	vmul.f32 v22, v20;
	v3 =	vmul.f32 v3, v23  }
0xab: {  	v5 =	vadd.f32 v7, v6;
	v6 =	vadd.f32 v10, v9  }
0xac: {  	v7 =	vadd.f32 v13, v12;
	v2 =	vadd.f32 v3, v2  }
0xad: {  	v1 =	vadd.f32 v4, v1;
	v3 =	vadd.f32 v11, v8  }
0xae: {  	v4 =	vadd.f32 v6, v5;
	v2 =	vadd.f32 v2, v7;
	_ =	sdelay $0x1  }
0xaf: {  	v1 =	vadd.f32 v1, v3;
	v2 =	vadd.f32 v2, v4;
	_ =	sdelay $0x1  }
0xb0: {  	v1 =	vadd.f32 v2, v1  }
0xb1: {  	s0 =	sadd.s32 $0x10, s0  }
0xb2: {  	s25 =	sshra.s32 s1, $0x2;
	[tilespmem:s0+$0x0] =	vst v1  }
0xb3: {  	v22 =	vld [tilespmem:s25+$0xC760]  }
0xb4: {  	v23 =	vld [tilespmem:s25+$0x2760]  }
0xb5: {  	v25 =	vld [tilespmem:s25+$0x2770]  }
0xb6: {  	v26 =	vld [tilespmem:s25+$0xC770]  }
0xb7: {  	v27 =	vld [tilespmem:s25+$0x2780]  }
0xb8: {  	v28 =	vld [tilespmem:s25+$0xC780]  }
0xb9: {  	v29 =	vld [tilespmem:s25+$0x2790]  }
0xba: {  	v30 =	vld [tilespmem:s25+$0xC790]  }
0xbb: {  	v1 =	vld [tilespmem:s25+$0x27A0]  }
0xbc: {  	v2 =	vld [tilespmem:s25+$0xC7A0]  }
0xbd: {  	v3 =	vld [tilespmem:s25+$0x27B0]  }
0xbe: {  	v5 =	vld [tilespmem:s25+$0xC7B0]  }
0xbf: {  	v4 =	vld [tilespmem:s25+$0x27C0]  }
0xc0: {  	v6 =	vld [tilespmem:s25+$0xC7C0]  }
0xc1: {  	v7 =	vld [tilespmem:s25+$0x27D0]  }
0xc2: {  	v8 =	vld [tilespmem:s25+$0xC7D0]  }
0xc3: {  	v9 =	vld [tilespmem:s25+$0x27E0]  }
0xc4: {  	v10 =	vld [tilespmem:s25+$0xC7E0]  }
0xc5: {  	v11 =	vld [tilespmem:s25+$0x27F0]  }
0xc6: {  	v13 =	vld [tilespmem:s25+$0xC7F0]  }
0xc7: {  	v12 =	vld [tilespmem:s25+$0x2800]  }
0xc8: {  	v14 =	vld [tilespmem:s25+$0xC800]  }
0xc9: {  	v15 =	vld [tilespmem:s25+$0x2810]  }
0xca: {  	v17 =	vld [tilespmem:s25+$0xC810]  }
0xcb: {  	v16 =	vld [tilespmem:s25+$0x2820]  }
0xcc: {  	v18 =	vld [tilespmem:s25+$0xC820]  }
.Ltmp2:
0xcd: {  	v19 =	vld [tilespmem:s25+$0x2830];
	(pc) =	sbr.rel @p1 .LBB2_3-.Ltmp2, $4  }
0xce: {  	v21 =	vld [tilespmem:s25+$0xC830]  }
0xcf: {  	v20 =	vld [tilespmem:s25+$0x2840]  }
0xd0: {  	v24 =	vmul.f32 v22, v23;
	v26 =	vmul.f32 v26, v25;
	v22 =	vld [tilespmem:s25+$0xC840]  }
0xd1: {  	s1 =	sadd.s32 $0x400, s1;
	v25 =	vmul.f32 v28, v27;
	v27 =	vmul.f32 v30, v29;
	v23 =	vld [tilespmem:s25+$0x2850]  }
0xd2: {  	v1 =	vmul.f32 v2, v1;
	v2 =	vmul.f32 v5, v3  }
0xd3: {  	v3 =	vld [tilespmem:s25+$0xC850];
	v4 =	vmul.f32 v6, v4;
	v5 =	vmul.f32 v8, v7  }
0xd4: {  	v6 =	vmul.f32 v10, v9;
	v9 =	vmul.f32 v14, v12;
	v14 =	vld [tilespmem:$0x1FDE0]  }
0xd5: {  	v7 =	vmul.f32 v13, v11;
	v10 =	vmul.f32 v17, v15;
	v15 =	vld [tilespmem:$0x1FDF0]  }
0xd6: {  	v12 =	vmul.f32 v18, v16;
	v16 =	vld [tilespmem:$0x1FE00];
	v4 =	vadd.f32 v5, v4  }
0xd7: {  	v13 =	vmul.f32 v21, v19;
	v5 =	vadd.f32 v7, v6;
	v6 =	vadd.f32 v10, v9;
	v9 =	vld [tilespmem:$0x1FD90]  }
0xd8: {  	v1 =	vadd.f32 v2, v1;
	v10 =	vld [tilespmem:$0x1FDA0];
	v2 =	vmul.f32 v22, v20;
	v3 =	vmul.f32 v3, v23  }
0xd9: {  	v8 =	vadd.f32 v26, v24;
	v7 =	vadd.f32 v13, v12;
	v12 =	vld [tilespmem:$0x1FDC0]  }
0xda: {  	v11 =	vadd.f32 v27, v25;
	v13 =	vld [tilespmem:$0x1FDD0];
	v2 =	vadd.f32 v3, v2  }
0xdb: {  	v1 =	vadd.f32 v4, v1;
	v4 =	vadd.f32 v6, v5;
	v5 =	vld [tilespmem:$0x1FD50]  }
0xdc: {  	v6 =	vld [tilespmem:$0x1FD60];
	v3 =	vadd.f32 v11, v8;
	v2 =	vadd.f32 v2, v7  }
0xdd: {  	v8 =	vld [tilespmem:$0x1FD80]  }
0xde: {  	v11 =	vld [tilespmem:$0x1FDB0];
	v1 =	vadd.f32 v1, v3;
	v2 =	vadd.f32 v2, v4  }
0xdf: {  	v3 =	vld [tilespmem:$0x1FD30]  }
0xe0: {  	v7 =	vld [tilespmem:$0x1FD70];
	v1 =	vadd.f32 v2, v1  }
0xe1: {  	s0 =	sadd.s32 $0x10, s0;
	v4 =	vld [tilespmem:$0x1FD40]  }
0xe2: {  	v2 =	vld [tilespmem:$0x1FD20];
	[tilespmem:s0+$0x0] =	vst v1  }
0xe3: {  	v1 =	vld.idx.msk [tilespmem:v0+s21+$0x0], $0xffff  }
0xe4: {  	v5 =	vld.idx.msk [tilespmem:v5+s21+$0x0], $0xffff  }
0xe5: {  	v6 =	vld.idx.msk [tilespmem:v6+s21+$0x0], $0xffff  }
0xe6: {  	v8 =	vld.idx.msk [tilespmem:v8+s21+$0x0], $0xffff  }
0xe7: {  	v9 =	vld.idx.msk [tilespmem:v9+s21+$0x0], $0xffff  }
0xe8: {  	v10 =	vld.idx.msk [tilespmem:v10+s21+$0x0], $0xffff  }
0xe9: {  	v11 =	vld.idx.msk [tilespmem:v11+s21+$0x0], $0xffff  }
0xea: {  	v12 =	vld.idx.msk [tilespmem:v12+s21+$0x0], $0xffff  }
0xeb: {  	v3 =	vld.idx.msk [tilespmem:v3+s21+$0x0], $0xffff  }
0xec: {  	v4 =	vld.idx.msk [tilespmem:v4+s21+$0x0], $0xffff  }
0xed: {  	v2 =	vld.idx.msk [tilespmem:v2+s21+$0x0], $0xffff  }
0xee: {  	v13 =	vld.idx.msk [tilespmem:v13+s21+$0x0], $0xffff  }
0xef: {  	v14 =	vld.idx.msk [tilespmem:v14+s21+$0x0], $0xffff  }
0xf0: {  	v15 =	vld.idx.msk [tilespmem:v15+s21+$0x0], $0xffff  }
0xf1: {  	v16 =	vld.idx.msk [tilespmem:v16+s21+$0x0], $0xffff  }
0xf2: {  	v7 =	vld.idx.msk [tilespmem:v7+s21+$0x0], $0xffff;
	v1 =	vadd.f32 v2, v1;
	v2 =	vadd.f32 v4, v3  }
0xf3: {  	v3 =	vadd.f32 v6, v5;
	v5 =	vadd.f32 v10, v9;
	v9 =	vld [tilespmem:$0x1FE90]  }
0xf4: {  	v10 =	vld [tilespmem:$0x1FEA0]  }
0xf5: {  	v6 =	vadd.f32 v12, v11;
	v11 =	vld [tilespmem:$0x1FEB0]  }
0xf6: {  	v12 =	vld [tilespmem:$0x1FEC0]  }
0xf7: {  	v4 =	vadd.f32 v8, v7;
	v7 =	vadd.f32 v14, v13;
	v13 =	vld [tilespmem:$0x1FED0]  }
0xf8: {  	v14 =	vld [tilespmem:$0x1FEE0]  }
0xf9: {  	v8 =	vadd.f32 v16, v15;
	v15 =	vld [tilespmem:$0x1FEF0]  }
0xfa: {  	v16 =	vld [tilespmem:$0x1FF00];
	v1 =	vadd.f32 v2, v1  }
0xfb: {  	v2 =	vadd.f32 v4, v3;
	v3 =	vadd.f32 v6, v5;
	v5 =	vld [tilespmem:$0x1FE50]  }
0xfc: {  	v4 =	vadd.f32 v8, v7;
	v6 =	vld [tilespmem:$0x1FE60]  }
0xfd: {  	v7 =	vld [tilespmem:$0x1FE70]  }
0xfe: {  	v8 =	vld [tilespmem:$0x1FE80];
	v1 =	vadd.f32 v2, v1;
	v2 =	vadd.f32 v4, v3  }
0xff: {  	v3 =	vld [tilespmem:$0x1FE30]  }
0x100: {  	v4 =	vld [tilespmem:$0x1FE40];
	v1 =	vadd.f32 v2, v1  }
0x101: {  	v2 =	vld [tilespmem:$0x1FE20]  }
0x102: {  	[tilespmem:s30+$0x16C60] =	vst v1;
	v1 =	vld [tilespmem:$0x1FE10]  }
0x103: {  	v9 =	vld.idx.msk [tilespmem:v9+s21+$0x0], $0xffff  }
0x104: {  	v10 =	vld.idx.msk [tilespmem:v10+s21+$0x0], $0xffff  }
0x105: {  	v11 =	vld.idx.msk [tilespmem:v11+s21+$0x0], $0xffff  }
0x106: {  	v12 =	vld.idx.msk [tilespmem:v12+s21+$0x0], $0xffff  }
0x107: {  	v13 =	vld.idx.msk [tilespmem:v13+s21+$0x0], $0xffff  }
0x108: {  	v14 =	vld.idx.msk [tilespmem:v14+s21+$0x0], $0xffff  }
0x109: {  	v5 =	vld.idx.msk [tilespmem:v5+s21+$0x0], $0xffff  }
0x10a: {  	v3 =	vld.idx.msk [tilespmem:v3+s21+$0x0], $0xffff  }
0x10b: {  	v4 =	vld.idx.msk [tilespmem:v4+s21+$0x0], $0xffff  }
0x10c: {  	v2 =	vld.idx.msk [tilespmem:v2+s21+$0x0], $0xffff  }
0x10d: {  	v1 =	vld.idx.msk [tilespmem:v1+s21+$0x0], $0xffff  }
0x10e: {  	v6 =	vld.idx.msk [tilespmem:v6+s21+$0x0], $0xffff  }
0x10f: {  	v15 =	vld.idx.msk [tilespmem:v15+s21+$0x0], $0xffff  }
0x110: {  	v16 =	vld.idx.msk [tilespmem:v16+s21+$0x0], $0xffff  }
0x111: {  	v7 =	vld.idx.msk [tilespmem:v7+s21+$0x0], $0xffff  }
0x112: {  	v8 =	vld.idx.msk [tilespmem:v8+s21+$0x0], $0xffff;
	v1 =	vadd.f32 v2, v1;
	v2 =	vadd.f32 v4, v3  }
0x113: {  	v3 =	vadd.f32 v6, v5;
	v5 =	vadd.f32 v10, v9;
	v9 =	vld [tilespmem:$0x1FF90]  }
0x114: {  	v10 =	vld [tilespmem:$0x1FFA0]  }
0x115: {  	v6 =	vadd.f32 v12, v11;
	v11 =	vld [tilespmem:$0x1FFB0]  }
0x116: {  	v12 =	vld [tilespmem:$0x1FFC0]  }
0x117: {  	v4 =	vadd.f32 v8, v7;
	v7 =	vadd.f32 v14, v13;
	v13 =	vld [tilespmem:$0x1FFD0]  }
0x118: {  	v14 =	vld [tilespmem:$0x1FFE0]  }
0x119: {  	v8 =	vadd.f32 v16, v15;
	v15 =	vld [tilespmem:$0x1FFF0];
	v1 =	vadd.f32 v2, v1  }
0x11a: {  	v2 =	vadd.f32 v4, v3;
	v3 =	vadd.f32 v6, v5;
	v5 =	vld [tilespmem:$0x1FF50]  }
0x11b: {  	v4 =	vadd.f32 v8, v7;
	v6 =	vld [tilespmem:$0x1FF60]  }
0x11c: {  	v7 =	vld [tilespmem:$0x1FF70]  }
0x11d: {  	v8 =	vld [tilespmem:$0x1FF80];
	v1 =	vadd.f32 v2, v1;
	v2 =	vadd.f32 v4, v3  }
0x11e: {  	v3 =	vld [tilespmem:$0x1FF30]  }
0x11f: {  	v4 =	vld [tilespmem:$0x1FF40];
	v1 =	vadd.f32 v2, v1  }
0x120: {  	v2 =	vld [tilespmem:$0x1FF20]  }
0x121: {  	[tilespmem:s30+$0x16C70] =	vst v1;
	v1 =	vld [tilespmem:$0x1FF10]  }
0x122: {  	v9 =	vld.idx.msk [tilespmem:v9+s21+$0x0], $0xffff  }
0x123: {  	v10 =	vld.idx.msk [tilespmem:v10+s21+$0x0], $0xffff  }
0x124: {  	v11 =	vld.idx.msk [tilespmem:v11+s21+$0x0], $0xffff  }
0x125: {  	v12 =	vld.idx.msk [tilespmem:v12+s21+$0x0], $0xffff  }
0x126: {  	v13 =	vld.idx.msk [tilespmem:v13+s21+$0x0], $0xffff  }
0x127: {  	v14 =	vld.idx.msk [tilespmem:v14+s21+$0x0], $0xffff  }
0x128: {  	v5 =	vld.idx.msk [tilespmem:v5+s21+$0x0], $0xffff  }
0x129: {  	v6 =	vld.idx.msk [tilespmem:v6+s21+$0x0], $0xffff  }
0x12a: {  	v7 =	vld.idx.msk [tilespmem:v7+s21+$0x0], $0xffff  }
0x12b: {  	v3 =	vld.idx.msk [tilespmem:v3+s21+$0x0], $0xffff  }
0x12c: {  	v4 =	vld.idx.msk [tilespmem:v4+s21+$0x0], $0xffff  }
0x12d: {  	v2 =	vld.idx.msk [tilespmem:v2+s21+$0x0], $0xffff  }
0x12e: {  	v1 =	vld.idx.msk [tilespmem:v1+s21+$0x0], $0xffff  }
0x12f: {  	v8 =	vld.idx.msk [tilespmem:v8+s21+$0x0], $0xffff  }
0x130: {  	v15 =	vld.idx.msk [tilespmem:v15+s21+$0x0], $0xffff  }
0x131: {  	v16 =	vld.idx.msk [tilespmem:v47+s21+$0x0], $0xffff;
	_ =	sdelay $0x1  }
0x132: {  	v1 =	vadd.f32 v2, v1;
	v2 =	vadd.f32 v4, v3  }
0x133: {  	v3 =	vadd.f32 v6, v5;
	v4 =	vadd.f32 v8, v7  }
0x134: {  	v5 =	vadd.f32 v10, v9;
	v6 =	vadd.f32 v12, v11  }
0x135: {  	v7 =	vadd.f32 v14, v13;
	v8 =	vadd.f32 v16, v15  }
0x136: {  	v1 =	vadd.f32 v2, v1;
	v2 =	vadd.f32 v4, v3  }
0x137: {  	v3 =	vadd.f32 v6, v5;
	v4 =	vadd.f32 v8, v7;
	_ =	sdelay $0x1  }
0x138: {  	v1 =	vadd.f32 v2, v1;
	v2 =	vadd.f32 v4, v3;
	_ =	sdelay $0x1  }
0x139: {  	v1 =	vadd.f32 v2, v1;
	_ =	sdelay $0x1  }
0x13a: {  	[tilespmem:s30+$0x16C80] =	vst v1  }
0x13b: {  	v1 =	vld.idx.msk [tilespmem:v48+s21+$0x0], $0xffff  }
0x13c: {  	v2 =	vld.idx.msk [tilespmem:v49+s21+$0x0], $0xffff  }
0x13d: {  	v3 =	vld.idx.msk [tilespmem:v50+s21+$0x0], $0xffff  }
0x13e: {  	v4 =	vld.idx.msk [tilespmem:v51+s21+$0x0], $0xffff  }
0x13f: {  	v5 =	vld.idx.msk [tilespmem:v52+s21+$0x0], $0xffff  }
0x140: {  	v6 =	vld.idx.msk [tilespmem:v53+s21+$0x0], $0xffff  }
0x141: {  	v7 =	vld.idx.msk [tilespmem:v54+s21+$0x0], $0xffff  }
0x142: {  	v8 =	vld.idx.msk [tilespmem:v55+s21+$0x0], $0xffff  }
0x143: {  	v9 =	vld.idx.msk [tilespmem:v56+s21+$0x0], $0xffff  }
0x144: {  	v10 =	vld.idx.msk [tilespmem:v57+s21+$0x0], $0xffff  }
0x145: {  	v11 =	vld.idx.msk [tilespmem:v58+s21+$0x0], $0xffff  }
0x146: {  	v12 =	vld.idx.msk [tilespmem:v59+s21+$0x0], $0xffff  }
0x147: {  	v13 =	vld.idx.msk [tilespmem:v60+s21+$0x0], $0xffff  }
0x148: {  	v14 =	vld.idx.msk [tilespmem:v61+s21+$0x0], $0xffff  }
0x149: {  	v15 =	vld.idx.msk [tilespmem:v62+s21+$0x0], $0xffff  }
0x14a: {  	v16 =	vld.idx.msk [tilespmem:v63+s21+$0x0], $0xffff;
	_ =	sdelay $0x1  }
0x14b: {  	v1 =	vadd.f32 v2, v1;
	v2 =	vadd.f32 v4, v3  }
0x14c: {  	v3 =	vadd.f32 v6, v5;
	v4 =	vadd.f32 v8, v7  }
0x14d: {  	v5 =	vadd.f32 v10, v9;
	v6 =	vadd.f32 v12, v11  }
0x14e: {  	v7 =	vadd.f32 v14, v13;
	v8 =	vadd.f32 v16, v15  }
0x14f: {  	v1 =	vadd.f32 v2, v1;
	v2 =	vadd.f32 v4, v3  }
0x150: {  	v3 =	vadd.f32 v6, v5;
	v4 =	vadd.f32 v8, v7;
	_ =	sdelay $0x1  }
0x151: {  	v5 =	vadd.f32 v2, v1;
	v3 =	vadd.f32 v4, v3;
	v1 =	vor.u32 $0x400, v0  }
0x152: {  	v2 =	vor.u32 $0x401, v0  }
0x153: {  	v4 =	vor.u32 $0x403, v0;
	v5 =	vadd.f32 v3, v5  }
0x154: {  	v6 =	vor.u32 $0x405, v0  }
0x155: {  	v7 =	vor.u32 $0x406, v0;
	[tilespmem:s30+$0x16C90] =	vst v5  }
0x156: {  	v8 =	vor.u32 $0x407, v0;
	v17 =	vld.idx.msk [tilespmem:v1+s21+$0x0], $0xffff  }
0x157: {  	v9 =	vor.u32 $0x408, v0;
	v18 =	vld.idx.msk [tilespmem:v2+s21+$0x0], $0xffff  }
0x158: {  	v10 =	vor.u32 $0x409, v0;
	v20 =	vld.idx.msk [tilespmem:v4+s21+$0x0], $0xffff  }
0x159: {  	v11 =	vor.u32 $0x40A, v0;
	v22 =	vld.idx.msk [tilespmem:v6+s21+$0x0], $0xffff  }
0x15a: {  	v13 =	vor.u32 $0x40C, v0;
	v23 =	vld.idx.msk [tilespmem:v7+s21+$0x0], $0xffff  }
0x15b: {  	v14 =	vor.u32 $0x40D, v0;
	v24 =	vld.idx.msk [tilespmem:v8+s21+$0x0], $0xffff  }
0x15c: {  	v15 =	vor.u32 $0x40E, v0;
	v25 =	vld.idx.msk [tilespmem:v9+s21+$0x0], $0xffff  }
0x15d: {  	v3 =	vor.u32 $0x402, v0;
	v26 =	vld.idx.msk [tilespmem:v10+s21+$0x0], $0xffff  }
0x15e: {  	v16 =	vor.u32 $0x40F, v0;
	v27 =	vld.idx.msk [tilespmem:v11+s21+$0x0], $0xffff  }
0x15f: {  	v5 =	vor.u32 $0x404, v0;
	v29 =	vld.idx.msk [tilespmem:v13+s21+$0x0], $0xffff  }
0x160: {  	v12 =	vor.u32 $0x40B, v0;
	v30 =	vld.idx.msk [tilespmem:v14+s21+$0x0], $0xffff  }
0x161: {  	v31 =	vld.idx.msk [tilespmem:v15+s21+$0x0], $0xffff  }
0x162: {  	v19 =	vld.idx.msk [tilespmem:v3+s21+$0x0], $0xffff  }
0x163: {  	v32 =	vld.idx.msk [tilespmem:v16+s21+$0x0], $0xffff  }
0x164: {  	v21 =	vld.idx.msk [tilespmem:v5+s21+$0x0], $0xffff  }
0x165: {  	v28 =	vld.idx.msk [tilespmem:v12+s21+$0x0], $0xffff;
	_ =	sdelay $0x1  }
0x166: {  	v17 =	vadd.f32 v18, v17;
	v18 =	vadd.f32 v20, v19  }
0x167: {  	v20 =	vadd.f32 v24, v23;
	v23 =	vadd.f32 v30, v29  }
0x168: {  	v24 =	vadd.f32 v32, v31;
	v19 =	vadd.f32 v22, v21  }
0x169: {  	v21 =	vadd.f32 v26, v25;
	v22 =	vadd.f32 v28, v27  }
0x16a: {  	v17 =	vadd.f32 v18, v17;
	v18 =	vadd.f32 v20, v19  }
0x16b: {  	v19 =	vadd.f32 v22, v21;
	v20 =	vadd.f32 v24, v23;
	_ =	sdelay $0x1  }
0x16c: {  	s1 =	sshll.u32 s29, $0x1;
	v17 =	vadd.f32 v18, v17;
	v18 =	vadd.f32 v20, v19  }
0x16d: {  	s0 =	sadd.s32 $0x2, s1  }
0x16e: {  	p1 =	sge.u32 s0, s28;
	v17 =	vadd.f32 v18, v17  }
0x16f: {  	s0 =	smul.u32 @!p1 $0x50, s0  }
0x170: {  	s1 =	simm.s32 @!p1 $0x50;
	s25 =	simm.s32 @!p1 $0x2760;
	[tilespmem:s30+$0x16CA0] =	vst v17  }
0x171: {  	[tilespmem:s25], [sflag:$0x1] =	stream.indirect.gather @!p1 [hbm4b:s3+s1], $0x100, s0, s1, $0xb8;
	[tilespmem:$0x18010] =	vst v63  }
0x172: {  	s0 =	sadd.s32 @!p1 $0x13B0, s0;
	s25 =	simm.s32 @!p1 $0xC760  }
0x173: {  	[tilespmem:s25], [sflag:$0x3] =	stream.indirect.gather @!p1 [hbm4b:s4+s1], $0x100, s0, s1, $0xb8;
	[tilespmem:$0x18010] =	vst v63  }
0x174: {  	_ =	swait.ge [sflag:s22], $0x5000  }
0x175: {  	[sflag:s22] =	ssyncset.done $0x0  }
0x176: {  	[sflag:s22] =	ssyncadd.s32 $0xFFFFB000  }
0x177: {  	_ =	swait.ge [sflag:s23], $0x5000  }
0x178: {  	[sflag:s23] =	ssyncset.done $0x0  }
0x179: {  	s25 =	simm.s32 $0x0;
	[sflag:s23] =	ssyncadd.s32 $0xFFFFB000  }
0x17a: {  	v17 =	vld [tilespmem:s25+$0x11760]  }
0x17b: {  	v18 =	vld [tilespmem:s25+$0x7760]  }
0x17c: {  	v19 =	vld [tilespmem:s25+$0x7770]  }
0x17d: {  	v20 =	vld [tilespmem:s25+$0x11770]  }
0x17e: {  	v21 =	vld [tilespmem:s25+$0x7780]  }
0x17f: {  	v22 =	vld [tilespmem:s25+$0x11780]  }
0x180: {  	v23 =	vld [tilespmem:s25+$0x7790]  }
0x181: {  	v24 =	vld [tilespmem:s25+$0x11790]  }
0x182: {  	v25 =	vld [tilespmem:s25+$0x77A0]  }
0x183: {  	v26 =	vld [tilespmem:s25+$0x117A0]  }
0x184: {  	v27 =	vld [tilespmem:s25+$0x77B0]  }
0x185: {  	v28 =	vld [tilespmem:s25+$0x117B0]  }
0x186: {  	v29 =	vld [tilespmem:s25+$0x77C0]  }
0x187: {  	v30 =	vld [tilespmem:s25+$0x117C0]  }
0x188: {  	v31 =	vld [tilespmem:s25+$0x77D0]  }
0x189: {  	v32 =	vld [tilespmem:s25+$0x117D0]  }
0x18a: {  	v33 =	vld [tilespmem:s25+$0x77E0]  }
0x18b: {  	v34 =	vld [tilespmem:s25+$0x117E0]  }
0x18c: {  	v35 =	vld [tilespmem:s25+$0x77F0]  }
0x18d: {  	v36 =	vld [tilespmem:s25+$0x117F0]  }
0x18e: {  	v37 =	vld [tilespmem:s25+$0x7800]  }
0x18f: {  	v38 =	vld [tilespmem:s25+$0x11800]  }
0x190: {  	v39 =	vld [tilespmem:s25+$0x7810]  }
0x191: {  	v40 =	vld [tilespmem:s25+$0x11810]  }
0x192: {  	v41 =	vld [tilespmem:s25+$0x7820]  }
0x193: {  	v42 =	vld [tilespmem:s25+$0x11820]  }
0x194: {  	v43 =	vld [tilespmem:s25+$0x7830]  }
0x195: {  	v44 =	vld [tilespmem:s25+$0x11830]  }
0x196: {  	v45 =	vld [tilespmem:s25+$0x7840];
	v17 =	vmul.f32 v17, v18  }
0x197: {  	v18 =	vmul.f32 v20, v19;
	v19 =	vld [tilespmem:s25+$0x11840];
	v20 =	vmul.f32 v22, v21  }
0x198: {  	v21 =	vmul.f32 v24, v23;
	v22 =	vld [tilespmem:s25+$0x7850];
	v23 =	vmul.f32 v26, v25  }
0x199: {  	v24 =	vmul.f32 v28, v27;
	v25 =	vld [tilespmem:s25+$0x11850];
	v26 =	vmul.f32 v30, v29  }
0x19a: {  	v27 =	vmul.f32 v32, v31;
	v28 =	vmul.f32 v34, v33  }
0x19b: {  	v29 =	vmul.f32 v36, v35;
	v30 =	vmul.f32 v40, v39  }
0x19c: {  	v31 =	vmul.f32 v44, v43;
	v17 =	vadd.f32 v18, v17;
	v18 =	vmul.f32 v38, v37  }
0x19d: {  	v20 =	vadd.f32 v21, v20;
	v21 =	vmul.f32 v42, v41;
	v23 =	vadd.f32 v24, v23  }
0x19e: {  	v24 =	vadd.f32 v27, v26;
	v19 =	vmul.f32 v19, v45;
	v22 =	vmul.f32 v25, v22  }
0x19f: {  	v18 =	vadd.f32 v30, v18;
	v21 =	vadd.f32 v31, v21  }
0x1a0: {  	v25 =	vadd.f32 v29, v28;
	v19 =	vadd.f32 v22, v19  }
0x1a1: {  	v17 =	vadd.f32 v20, v17;
	v20 =	vadd.f32 v24, v23  }
0x1a2: {  	v18 =	vadd.f32 v18, v25;
	v19 =	vadd.f32 v19, v21;
	_ =	sdelay $0x1  }
0x1a3: {  	v17 =	vadd.f32 v20, v17;
	v18 =	vadd.f32 v19, v18;
	_ =	sdelay $0x1  }
0x1a4: {  	v17 =	vadd.f32 v18, v17  }
0x1a5: {  	s0 =	simm.s32 $0x16760  }
0x1a6: {  	s25 =	simm.s32 $0x100;
	[tilespmem:s0+$0x0] =	vst v17  }
0x1a7: {  	v38 =	vld [tilespmem:s25+$0x11760]  }
0x1a8: {  	v39 =	vld [tilespmem:s25+$0x7760]  }
0x1a9: {  	v41 =	vld [tilespmem:s25+$0x7770]  }
0x1aa: {  	v42 =	vld [tilespmem:s25+$0x11770]  }
0x1ab: {  	v43 =	vld [tilespmem:s25+$0x7780]  }
0x1ac: {  	v44 =	vld [tilespmem:s25+$0x11780]  }
0x1ad: {  	v45 =	vld [tilespmem:s25+$0x7790]  }
0x1ae: {  	v46 =	vld [tilespmem:s25+$0x11790]  }
0x1af: {  	v17 =	vld [tilespmem:s25+$0x77A0]  }
0x1b0: {  	v18 =	vld [tilespmem:s25+$0x117A0]  }
0x1b1: {  	v19 =	vld [tilespmem:s25+$0x77B0]  }
0x1b2: {  	v21 =	vld [tilespmem:s25+$0x117B0]  }
0x1b3: {  	v20 =	vld [tilespmem:s25+$0x77C0]  }
0x1b4: {  	v22 =	vld [tilespmem:s25+$0x117C0]  }
0x1b5: {  	v23 =	vld [tilespmem:s25+$0x77D0]  }
0x1b6: {  	v24 =	vld [tilespmem:s25+$0x117D0]  }
0x1b7: {  	v25 =	vld [tilespmem:s25+$0x77E0]  }
0x1b8: {  	v26 =	vld [tilespmem:s25+$0x117E0]  }
0x1b9: {  	v27 =	vld [tilespmem:s25+$0x77F0]  }
0x1ba: {  	v29 =	vld [tilespmem:s25+$0x117F0]  }
0x1bb: {  	v28 =	vld [tilespmem:s25+$0x7800]  }
0x1bc: {  	v30 =	vld [tilespmem:s25+$0x11800]  }
0x1bd: {  	v31 =	vld [tilespmem:s25+$0x7810]  }
0x1be: {  	v33 =	vld [tilespmem:s25+$0x11810]  }
0x1bf: {  	v32 =	vld [tilespmem:s25+$0x7820]  }
0x1c0: {  	v34 =	vld [tilespmem:s25+$0x11820]  }
0x1c1: {  	v35 =	vld [tilespmem:s25+$0x7830]  }
0x1c2: {  	v37 =	vld [tilespmem:s25+$0x11830]  }
0x1c3: {  	v36 =	vld [tilespmem:s25+$0x7840]  }
0x1c4: {  	v40 =	vmul.f32 v38, v39;
	v42 =	vmul.f32 v42, v41;
	v38 =	vld [tilespmem:s25+$0x11840]  }
0x1c5: {  	s1 =	simm.s32 $0x800;
	v41 =	vmul.f32 v44, v43;
	v43 =	vmul.f32 v46, v45;
	v39 =	vld [tilespmem:s25+$0x7850]  }
.LBB2_5:
0x1c6: {  	p1 =	sne.s32 s1, $0x13C00;
	v17 =	vmul.f32 v18, v17;
	v18 =	vmul.f32 v21, v19;
	v19 =	vld [tilespmem:s25+$0x11850]  }
0x1c7: {  	v20 =	vmul.f32 v22, v20;
	v21 =	vmul.f32 v24, v23  }
0x1c8: {  	v22 =	vmul.f32 v26, v25;
	v23 =	vmul.f32 v29, v27;
	v24 =	vadd.f32 v42, v40  }
0x1c9: {  	v25 =	vmul.f32 v30, v28;
	v26 =	vmul.f32 v33, v31;
	v27 =	vadd.f32 v43, v41  }
0x1ca: {  	v28 =	vmul.f32 v34, v32;
	v29 =	vmul.f32 v37, v35;
	v17 =	vadd.f32 v18, v17  }
0x1cb: {  	v20 =	vadd.f32 v21, v20;
	v18 =	vmul.f32 v38, v36;
	v19 =	vmul.f32 v19, v39  }
0x1cc: {  	v21 =	vadd.f32 v23, v22;
	v22 =	vadd.f32 v26, v25  }
0x1cd: {  	v23 =	vadd.f32 v29, v28;
	v18 =	vadd.f32 v19, v18  }
0x1ce: {  	v17 =	vadd.f32 v20, v17;
	v19 =	vadd.f32 v27, v24  }
0x1cf: {  	v20 =	vadd.f32 v22, v21;
	v18 =	vadd.f32 v18, v23;
	_ =	sdelay $0x1  }
0x1d0: {  	v17 =	vadd.f32 v17, v19;
	v18 =	vadd.f32 v18, v20;
	_ =	sdelay $0x1  }
0x1d1: {  	v17 =	vadd.f32 v18, v17  }
0x1d2: {  	s0 =	sadd.s32 $0x10, s0  }
0x1d3: {  	s25 =	sshra.s32 s1, $0x2;
	[tilespmem:s0+$0x0] =	vst v17  }
0x1d4: {  	v38 =	vld [tilespmem:s25+$0x11760]  }
0x1d5: {  	v39 =	vld [tilespmem:s25+$0x7760]  }
0x1d6: {  	v41 =	vld [tilespmem:s25+$0x7770]  }
0x1d7: {  	v42 =	vld [tilespmem:s25+$0x11770]  }
0x1d8: {  	v43 =	vld [tilespmem:s25+$0x7780]  }
0x1d9: {  	v44 =	vld [tilespmem:s25+$0x11780]  }
0x1da: {  	v45 =	vld [tilespmem:s25+$0x7790]  }
0x1db: {  	v46 =	vld [tilespmem:s25+$0x11790]  }
0x1dc: {  	v17 =	vld [tilespmem:s25+$0x77A0]  }
0x1dd: {  	v18 =	vld [tilespmem:s25+$0x117A0]  }
0x1de: {  	v19 =	vld [tilespmem:s25+$0x77B0]  }
0x1df: {  	v21 =	vld [tilespmem:s25+$0x117B0]  }
0x1e0: {  	v20 =	vld [tilespmem:s25+$0x77C0]  }
0x1e1: {  	v22 =	vld [tilespmem:s25+$0x117C0]  }
0x1e2: {  	v23 =	vld [tilespmem:s25+$0x77D0]  }
0x1e3: {  	v24 =	vld [tilespmem:s25+$0x117D0]  }
0x1e4: {  	v25 =	vld [tilespmem:s25+$0x77E0]  }
0x1e5: {  	v26 =	vld [tilespmem:s25+$0x117E0]  }
0x1e6: {  	v27 =	vld [tilespmem:s25+$0x77F0]  }
0x1e7: {  	v29 =	vld [tilespmem:s25+$0x117F0]  }
0x1e8: {  	v28 =	vld [tilespmem:s25+$0x7800]  }
0x1e9: {  	v30 =	vld [tilespmem:s25+$0x11800]  }
0x1ea: {  	v31 =	vld [tilespmem:s25+$0x7810]  }
0x1eb: {  	v33 =	vld [tilespmem:s25+$0x11810]  }
0x1ec: {  	v32 =	vld [tilespmem:s25+$0x7820]  }
0x1ed: {  	v34 =	vld [tilespmem:s25+$0x11820]  }
.Ltmp3:
0x1ee: {  	v35 =	vld [tilespmem:s25+$0x7830];
	(pc) =	sbr.rel @p1 .LBB2_5-.Ltmp3, $4  }
0x1ef: {  	v37 =	vld [tilespmem:s25+$0x11830]  }
0x1f0: {  	v36 =	vld [tilespmem:s25+$0x7840]  }
0x1f1: {  	v40 =	vmul.f32 v38, v39;
	v42 =	vmul.f32 v42, v41;
	v38 =	vld [tilespmem:s25+$0x11840]  }
0x1f2: {  	s1 =	sadd.s32 $0x400, s1;
	v41 =	vmul.f32 v44, v43;
	v43 =	vmul.f32 v46, v45;
	v39 =	vld [tilespmem:s25+$0x7850]  }
0x1f3: {  	v17 =	vmul.f32 v18, v17  }
0x1f4: {  	v18 =	vmul.f32 v21, v19;
	v19 =	vld [tilespmem:s25+$0x11850];
	v20 =	vmul.f32 v22, v20  }
0x1f5: {  	v21 =	vmul.f32 v24, v23;
	v44 =	vmul.f32 v34, v32;
	v32 =	vld [tilespmem:$0x1FD40]  }
0x1f6: {  	v22 =	vmul.f32 v26, v25;
	v24 =	vadd.f32 v42, v40;
	v42 =	vmul.f32 v33, v31;
	v33 =	vld [tilespmem:$0x1FD50]  }
0x1f7: {  	v46 =	vmul.f32 v29, v27;
	v40 =	vmul.f32 v30, v28;
	v34 =	vld [tilespmem:$0x1FD60]  }
0x1f8: {  	v43 =	vadd.f32 v43, v41;
	v45 =	vmul.f32 v37, v35;
	v35 =	vld [tilespmem:$0x1FD70];
	v17 =	vadd.f32 v18, v17  }
0x1f9: {  	v37 =	vld [tilespmem:$0x1FD90];
	v20 =	vadd.f32 v21, v20;
	v18 =	vmul.f32 v38, v36;
	v19 =	vmul.f32 v19, v39  }
0x1fa: {  	v41 =	vld [tilespmem:$0x1FDD0];
	v46 =	vadd.f32 v46, v22;
	v26 =	vadd.f32 v42, v40  }
0x1fb: {  	v40 =	vld [tilespmem:$0x1FDC0];
	v30 =	vadd.f32 v45, v44;
	v18 =	vadd.f32 v19, v18  }
0x1fc: {  	v42 =	vld [tilespmem:$0x1FDE0];
	v17 =	vadd.f32 v20, v17;
	v31 =	vadd.f32 v26, v46  }
0x1fd: {  	v36 =	vld [tilespmem:$0x1FD80];
	v19 =	vadd.f32 v43, v24;
	v18 =	vadd.f32 v18, v30  }
0x1fe: {  	v38 =	vld [tilespmem:$0x1FDA0]  }
0x1ff: {  	v44 =	vld [tilespmem:$0x1FE00];
	v17 =	vadd.f32 v17, v19;
	v18 =	vadd.f32 v18, v31  }
0x200: {  	v39 =	vld [tilespmem:$0x1FDB0]  }
0x201: {  	v43 =	vld [tilespmem:$0x1FDF0];
	v17 =	vadd.f32 v18, v17  }
0x202: {  	s0 =	sadd.s32 $0x10, s0;
	v19 =	vld [tilespmem:$0x1FD30]  }
0x203: {  	v18 =	vld [tilespmem:$0x1FD20];
	[tilespmem:s0+$0x0] =	vst v17  }
0x204: {  	v17 =	vld.idx.msk [tilespmem:v0+s21+$0x0], $0xffff  }
0x205: {  	v20 =	vld.idx.msk [tilespmem:v32+s21+$0x0], $0xffff  }
0x206: {  	v21 =	vld.idx.msk [tilespmem:v33+s21+$0x0], $0xffff  }
0x207: {  	v22 =	vld.idx.msk [tilespmem:v34+s21+$0x0], $0xffff  }
0x208: {  	v23 =	vld.idx.msk [tilespmem:v35+s21+$0x0], $0xffff  }
0x209: {  	v24 =	vld.idx.msk [tilespmem:v36+s21+$0x0], $0xffff  }
0x20a: {  	v25 =	vld.idx.msk [tilespmem:v37+s21+$0x0], $0xffff  }
0x20b: {  	v26 =	vld.idx.msk [tilespmem:v38+s21+$0x0], $0xffff  }
0x20c: {  	v27 =	vld.idx.msk [tilespmem:v39+s21+$0x0], $0xffff  }
0x20d: {  	v28 =	vld.idx.msk [tilespmem:v40+s21+$0x0], $0xffff  }
0x20e: {  	v29 =	vld.idx.msk [tilespmem:v41+s21+$0x0], $0xffff  }
0x20f: {  	v30 =	vld.idx.msk [tilespmem:v42+s21+$0x0], $0xffff  }
0x210: {  	v31 =	vld.idx.msk [tilespmem:v43+s21+$0x0], $0xffff  }
0x211: {  	v32 =	vld.idx.msk [tilespmem:v44+s21+$0x0], $0xffff  }
0x212: {  	v33 =	vld [tilespmem:$0x1FE50]  }
0x213: {  	v34 =	vld [tilespmem:$0x1FE60]  }
0x214: {  	v19 =	vld.idx.msk [tilespmem:v19+s21+$0x0], $0xffff  }
0x215: {  	v18 =	vld.idx.msk [tilespmem:v18+s21+$0x0], $0xffff  }
0x216: {  	v35 =	vld [tilespmem:$0x1FE70]  }
0x217: {  	v36 =	vld [tilespmem:$0x1FE80]  }
0x218: {  	v37 =	vld [tilespmem:$0x1FE90];
	v45 =	vadd.f32 v24, v23;
	v46 =	vadd.f32 v26, v25  }
0x219: {  	v38 =	vld [tilespmem:$0x1FEA0];
	v29 =	vadd.f32 v30, v29;
	v30 =	vadd.f32 v32, v31  }
0x21a: {  	v39 =	vld [tilespmem:$0x1FEB0];
	v17 =	vadd.f32 v18, v17;
	v18 =	vadd.f32 v20, v19  }
0x21b: {  	v40 =	vld [tilespmem:$0x1FEC0];
	v28 =	vadd.f32 v28, v27;
	v19 =	vadd.f32 v22, v21  }
0x21c: {  	v32 =	vld [tilespmem:$0x1FE40];
	v31 =	vadd.f32 v30, v29;
	v17 =	vadd.f32 v18, v17  }
0x21d: {  	v41 =	vld [tilespmem:$0x1FED0];
	v18 =	vadd.f32 v45, v19;
	v19 =	vadd.f32 v28, v46  }
0x21e: {  	v42 =	vld [tilespmem:$0x1FEE0]  }
0x21f: {  	v43 =	vld [tilespmem:$0x1FEF0];
	v17 =	vadd.f32 v18, v17;
	v18 =	vadd.f32 v31, v19  }
0x220: {  	v44 =	vld [tilespmem:$0x1FF00]  }
0x221: {  	v19 =	vld [tilespmem:$0x1FE30];
	v17 =	vadd.f32 v18, v17  }
0x222: {  	v18 =	vld [tilespmem:$0x1FE20]  }
0x223: {  	[tilespmem:s31+$0x16C60] =	vst v17;
	v17 =	vld [tilespmem:$0x1FE10]  }
0x224: {  	v20 =	vld.idx.msk [tilespmem:v32+s21+$0x0], $0xffff  }
0x225: {  	v21 =	vld.idx.msk [tilespmem:v33+s21+$0x0], $0xffff  }
0x226: {  	v22 =	vld.idx.msk [tilespmem:v34+s21+$0x0], $0xffff  }
0x227: {  	v23 =	vld.idx.msk [tilespmem:v35+s21+$0x0], $0xffff  }
0x228: {  	v24 =	vld.idx.msk [tilespmem:v36+s21+$0x0], $0xffff  }
0x229: {  	v25 =	vld.idx.msk [tilespmem:v37+s21+$0x0], $0xffff  }
0x22a: {  	v26 =	vld.idx.msk [tilespmem:v38+s21+$0x0], $0xffff  }
0x22b: {  	v27 =	vld.idx.msk [tilespmem:v39+s21+$0x0], $0xffff  }
0x22c: {  	v28 =	vld.idx.msk [tilespmem:v40+s21+$0x0], $0xffff  }
0x22d: {  	v29 =	vld.idx.msk [tilespmem:v41+s21+$0x0], $0xffff  }
0x22e: {  	v30 =	vld.idx.msk [tilespmem:v42+s21+$0x0], $0xffff  }
0x22f: {  	v31 =	vld.idx.msk [tilespmem:v43+s21+$0x0], $0xffff  }
0x230: {  	v32 =	vld.idx.msk [tilespmem:v44+s21+$0x0], $0xffff  }
0x231: {  	v33 =	vld [tilespmem:$0x1FF50]  }
0x232: {  	v19 =	vld.idx.msk [tilespmem:v19+s21+$0x0], $0xffff  }
0x233: {  	v18 =	vld.idx.msk [tilespmem:v18+s21+$0x0], $0xffff  }
0x234: {  	v17 =	vld.idx.msk [tilespmem:v17+s21+$0x0], $0xffff  }
0x235: {  	v34 =	vld [tilespmem:$0x1FF60]  }
0x236: {  	v35 =	vld [tilespmem:$0x1FF70]  }
0x237: {  	v36 =	vld [tilespmem:$0x1FF80];
	v45 =	vadd.f32 v24, v23;
	v46 =	vadd.f32 v26, v25  }
0x238: {  	v37 =	vld [tilespmem:$0x1FF90];
	v29 =	vadd.f32 v30, v29;
	v30 =	vadd.f32 v32, v31  }
0x239: {  	v38 =	vld [tilespmem:$0x1FFA0];
	v17 =	vadd.f32 v18, v17;
	v18 =	vadd.f32 v20, v19  }
0x23a: {  	v39 =	vld [tilespmem:$0x1FFB0];
	v28 =	vadd.f32 v28, v27;
	v19 =	vadd.f32 v22, v21  }
0x23b: {  	v32 =	vld [tilespmem:$0x1FF40];
	v31 =	vadd.f32 v30, v29;
	v17 =	vadd.f32 v18, v17  }
0x23c: {  	v40 =	vld [tilespmem:$0x1FFC0];
	v18 =	vadd.f32 v45, v19;
	v19 =	vadd.f32 v28, v46  }
0x23d: {  	v41 =	vld [tilespmem:$0x1FFD0]  }
0x23e: {  	v42 =	vld [tilespmem:$0x1FFE0];
	v17 =	vadd.f32 v18, v17;
	v18 =	vadd.f32 v31, v19  }
0x23f: {  	v43 =	vld [tilespmem:$0x1FFF0]  }
0x240: {  	v19 =	vld [tilespmem:$0x1FF30];
	v17 =	vadd.f32 v18, v17  }
0x241: {  	v18 =	vld [tilespmem:$0x1FF20]  }
0x242: {  	[tilespmem:s30+$0x16CC0] =	vst v17;
	v17 =	vld [tilespmem:$0x1FF10]  }
0x243: {  	v20 =	vld.idx.msk [tilespmem:v32+s21+$0x0], $0xffff  }
0x244: {  	v21 =	vld.idx.msk [tilespmem:v33+s21+$0x0], $0xffff  }
0x245: {  	v22 =	vld.idx.msk [tilespmem:v34+s21+$0x0], $0xffff  }
0x246: {  	v23 =	vld.idx.msk [tilespmem:v35+s21+$0x0], $0xffff  }
0x247: {  	v24 =	vld.idx.msk [tilespmem:v36+s21+$0x0], $0xffff  }
0x248: {  	v25 =	vld.idx.msk [tilespmem:v37+s21+$0x0], $0xffff  }
0x249: {  	v26 =	vld.idx.msk [tilespmem:v38+s21+$0x0], $0xffff  }
0x24a: {  	v27 =	vld.idx.msk [tilespmem:v39+s21+$0x0], $0xffff  }
0x24b: {  	v29 =	vld.idx.msk [tilespmem:v41+s21+$0x0], $0xffff  }
0x24c: {  	v30 =	vld.idx.msk [tilespmem:v42+s21+$0x0], $0xffff  }
0x24d: {  	v31 =	vld.idx.msk [tilespmem:v43+s21+$0x0], $0xffff  }
0x24e: {  	v44 =	vld.idx.msk [tilespmem:v47+s21+$0x0], $0xffff  }
0x24f: {  	v19 =	vld.idx.msk [tilespmem:v19+s21+$0x0], $0xffff  }
0x250: {  	v18 =	vld.idx.msk [tilespmem:v18+s21+$0x0], $0xffff  }
0x251: {  	v17 =	vld.idx.msk [tilespmem:v17+s21+$0x0], $0xffff  }
0x252: {  	v28 =	vld.idx.msk [tilespmem:v40+s21+$0x0], $0xffff;
	_ =	sdelay $0x1  }
0x253: {  	v45 =	vadd.f32 v24, v23;
	v46 =	vadd.f32 v26, v25  }
0x254: {  	v33 =	vadd.f32 v30, v29;
	v34 =	vadd.f32 v44, v31  }
0x255: {  	v17 =	vadd.f32 v18, v17;
	v18 =	vadd.f32 v20, v19  }
0x256: {  	v28 =	vadd.f32 v28, v27;
	v19 =	vadd.f32 v22, v21  }
0x257: {  	v35 =	vadd.f32 v34, v33;
	v17 =	vadd.f32 v18, v17  }
0x258: {  	v18 =	vadd.f32 v45, v19;
	v19 =	vadd.f32 v28, v46;
	_ =	sdelay $0x1  }
0x259: {  	v17 =	vadd.f32 v18, v17;
	v18 =	vadd.f32 v35, v19;
	_ =	sdelay $0x1  }
0x25a: {  	v17 =	vadd.f32 v18, v17;
	_ =	sdelay $0x1  }
0x25b: {  	[tilespmem:s30+$0x16CD0] =	vst v17  }
0x25c: {  	v17 =	vld.idx.msk [tilespmem:v48+s21+$0x0], $0xffff  }
0x25d: {  	v18 =	vld.idx.msk [tilespmem:v49+s21+$0x0], $0xffff  }
0x25e: {  	v19 =	vld.idx.msk [tilespmem:v50+s21+$0x0], $0xffff  }
0x25f: {  	v20 =	vld.idx.msk [tilespmem:v51+s21+$0x0], $0xffff  }
0x260: {  	v21 =	vld.idx.msk [tilespmem:v52+s21+$0x0], $0xffff  }
0x261: {  	v36 =	vld.idx.msk [tilespmem:v53+s21+$0x0], $0xffff  }
0x262: {  	v37 =	vld.idx.msk [tilespmem:v54+s21+$0x0], $0xffff  }
0x263: {  	v38 =	vld.idx.msk [tilespmem:v55+s21+$0x0], $0xffff  }
0x264: {  	v39 =	vld.idx.msk [tilespmem:v56+s21+$0x0], $0xffff  }
0x265: {  	v40 =	vld.idx.msk [tilespmem:v57+s21+$0x0], $0xffff  }
0x266: {  	v41 =	vld.idx.msk [tilespmem:v58+s21+$0x0], $0xffff  }
0x267: {  	v42 =	vld.idx.msk [tilespmem:v59+s21+$0x0], $0xffff  }
0x268: {  	v43 =	vld.idx.msk [tilespmem:v60+s21+$0x0], $0xffff  }
0x269: {  	v44 =	vld.idx.msk [tilespmem:v61+s21+$0x0], $0xffff  }
0x26a: {  	v45 =	vld.idx.msk [tilespmem:v62+s21+$0x0], $0xffff  }
0x26b: {  	v46 =	vld.idx.msk [tilespmem:v63+s21+$0x0], $0xffff;
	_ =	sdelay $0x1  }
0x26c: {  	v17 =	vadd.f32 v18, v17;
	v18 =	vadd.f32 v20, v19  }
0x26d: {  	v19 =	vadd.f32 v36, v21;
	v35 =	vadd.f32 v38, v37  }
0x26e: {  	v36 =	vadd.f32 v40, v39;
	v37 =	vadd.f32 v42, v41  }
0x26f: {  	v38 =	vadd.f32 v44, v43;
	v39 =	vadd.f32 v46, v45  }
0x270: {  	v17 =	vadd.f32 v18, v17;
	v18 =	vadd.f32 v35, v19  }
0x271: {  	v19 =	vadd.f32 v37, v36;
	v40 =	vadd.f32 v39, v38;
	_ =	sdelay $0x1  }
0x272: {  	v17 =	vadd.f32 v18, v17;
	v18 =	vadd.f32 v40, v19;
	_ =	sdelay $0x1  }
0x273: {  	v17 =	vadd.f32 v18, v17;
	_ =	sdelay $0x1  }
0x274: {  	[tilespmem:s30+$0x16CE0] =	vst v17  }
0x275: {  	v17 =	vld.idx.msk [tilespmem:v1+s21+$0x0], $0xffff  }
0x276: {  	v18 =	vld.idx.msk [tilespmem:v2+s21+$0x0], $0xffff  }
0x277: {  	v19 =	vld.idx.msk [tilespmem:v3+s21+$0x0], $0xffff  }
0x278: {  	v20 =	vld.idx.msk [tilespmem:v4+s21+$0x0], $0xffff  }
0x279: {  	v21 =	vld.idx.msk [tilespmem:v5+s21+$0x0], $0xffff  }
0x27a: {  	v41 =	vld.idx.msk [tilespmem:v6+s21+$0x0], $0xffff  }
0x27b: {  	v42 =	vld.idx.msk [tilespmem:v7+s21+$0x0], $0xffff  }
0x27c: {  	v43 =	vld.idx.msk [tilespmem:v8+s21+$0x0], $0xffff  }
0x27d: {  	v44 =	vld.idx.msk [tilespmem:v9+s21+$0x0], $0xffff  }
0x27e: {  	v45 =	vld.idx.msk [tilespmem:v10+s21+$0x0], $0xffff  }
0x27f: {  	v46 =	vld.idx.msk [tilespmem:v11+s21+$0x0], $0xffff  }
0x280: {  	v36 =	vld.idx.msk [tilespmem:v12+s21+$0x0], $0xffff  }
0x281: {  	v37 =	vld.idx.msk [tilespmem:v13+s21+$0x0], $0xffff  }
0x282: {  	v38 =	vld.idx.msk [tilespmem:v14+s21+$0x0], $0xffff  }
0x283: {  	v39 =	vld.idx.msk [tilespmem:v15+s21+$0x0], $0xffff  }
0x284: {  	v40 =	vld.idx.msk [tilespmem:v16+s21+$0x0], $0xffff;
	_ =	sdelay $0x1  }
0x285: {  	v17 =	vadd.f32 v18, v17;
	v18 =	vadd.f32 v20, v19  }
0x286: {  	v19 =	vadd.f32 v41, v21;
	v41 =	vadd.f32 v43, v42  }
0x287: {  	v42 =	vadd.f32 v45, v44;
	v43 =	vadd.f32 v36, v46  }
0x288: {  	v44 =	vadd.f32 v38, v37;
	v45 =	vadd.f32 v40, v39  }
0x289: {  	v17 =	vadd.f32 v18, v17;
	v18 =	vadd.f32 v41, v19  }
0x28a: {  	s29 =	sadd.s32 $0x1, s29;
	v19 =	vadd.f32 v43, v42;
	v46 =	vadd.f32 v45, v44  }
0x28b: {  	p1 =	sne.s32 s29, $0x1F  }
.Ltmp4:
0x28c: {  	v17 =	vadd.f32 v18, v17;
	v18 =	vadd.f32 v46, v19;
	(pc) =	sbr.rel @p1 .LBB2_2-.Ltmp4, $3  }
0x28d: {  	_ = 	snop  }
0x28e: {  	v17 =	vadd.f32 v18, v17;
	_ =	sdelay $0x1  }
0x28f: {  	[tilespmem:s30+$0x16CF0] =	vst v17  }
.Ltmp5:
0x290: {  	(pc) =	sbr.rel @p0 .LBB2_11-.Ltmp5, $1  }
0x291: {  	_ =	sdelay $0x3  }
0x292: {  	_ =	swait.ge [sflag:s19], $0x5000  }
0x293: {  	[sflag:s19] =	ssyncset.done $0x0  }
0x294: {  	[sflag:s19] =	ssyncadd.s32 $0xFFFFB000  }
0x295: {  	_ =	swait.ge [sflag:s20], $0x5000  }
0x296: {  	[sflag:s20] =	ssyncset.done $0x0  }
0x297: {  	s0 =	simm.s32 $0x0;
	[sflag:s20] =	ssyncadd.s32 $0xFFFFB000  }
0x298: {  	v17 =	vld [tilespmem:s0+$0xC760]  }
0x299: {  	v18 =	vld [tilespmem:s0+$0x2760]  }
0x29a: {  	v19 =	vld [tilespmem:s0+$0x2770]  }
0x29b: {  	v20 =	vld [tilespmem:s0+$0xC770]  }
0x29c: {  	v21 =	vld [tilespmem:s0+$0x2780]  }
0x29d: {  	v22 =	vld [tilespmem:s0+$0xC780]  }
0x29e: {  	v23 =	vld [tilespmem:s0+$0x2790]  }
0x29f: {  	v24 =	vld [tilespmem:s0+$0xC790]  }
0x2a0: {  	v25 =	vld [tilespmem:s0+$0x27A0]  }
0x2a1: {  	v26 =	vld [tilespmem:s0+$0xC7A0]  }
0x2a2: {  	v27 =	vld [tilespmem:s0+$0x27B0]  }
0x2a3: {  	v28 =	vld [tilespmem:s0+$0xC7B0]  }
0x2a4: {  	v29 =	vld [tilespmem:s0+$0x27C0]  }
0x2a5: {  	v30 =	vld [tilespmem:s0+$0xC7C0]  }
0x2a6: {  	v31 =	vld [tilespmem:s0+$0x27D0]  }
0x2a7: {  	v32 =	vld [tilespmem:s0+$0xC7D0]  }
0x2a8: {  	v33 =	vld [tilespmem:s0+$0x27E0]  }
0x2a9: {  	v34 =	vld [tilespmem:s0+$0xC7E0]  }
0x2aa: {  	v35 =	vld [tilespmem:s0+$0x27F0]  }
0x2ab: {  	v36 =	vld [tilespmem:s0+$0xC7F0]  }
0x2ac: {  	v37 =	vld [tilespmem:s0+$0x2800]  }
0x2ad: {  	v38 =	vld [tilespmem:s0+$0xC800]  }
0x2ae: {  	v39 =	vld [tilespmem:s0+$0x2810]  }
0x2af: {  	v40 =	vld [tilespmem:s0+$0xC810]  }
0x2b0: {  	v41 =	vld [tilespmem:s0+$0x2820]  }
0x2b1: {  	v42 =	vld [tilespmem:s0+$0xC820]  }
0x2b2: {  	v43 =	vld [tilespmem:s0+$0x2830]  }
0x2b3: {  	v44 =	vld [tilespmem:s0+$0xC830]  }
0x2b4: {  	v45 =	vld [tilespmem:s0+$0x2840];
	v17 =	vmul.f32 v17, v18  }
0x2b5: {  	v18 =	vmul.f32 v20, v19;
	v19 =	vld [tilespmem:s0+$0xC840];
	v20 =	vmul.f32 v22, v21  }
0x2b6: {  	v21 =	vmul.f32 v24, v23;
	v22 =	vld [tilespmem:s0+$0x2850];
	v23 =	vmul.f32 v26, v25  }
0x2b7: {  	v24 =	vmul.f32 v28, v27;
	v25 =	vld [tilespmem:s0+$0xC850];
	v26 =	vmul.f32 v30, v29  }
0x2b8: {  	v27 =	vmul.f32 v32, v31;
	v28 =	vmul.f32 v34, v33  }
0x2b9: {  	v29 =	vmul.f32 v36, v35;
	v30 =	vmul.f32 v40, v39  }
0x2ba: {  	v31 =	vmul.f32 v44, v43;
	v17 =	vadd.f32 v18, v17;
	v18 =	vmul.f32 v38, v37  }
0x2bb: {  	v20 =	vadd.f32 v21, v20;
	v21 =	vmul.f32 v42, v41;
	v23 =	vadd.f32 v24, v23  }
0x2bc: {  	v24 =	vadd.f32 v27, v26;
	v19 =	vmul.f32 v19, v45;
	v22 =	vmul.f32 v25, v22  }
0x2bd: {  	v18 =	vadd.f32 v30, v18;
	v21 =	vadd.f32 v31, v21  }
0x2be: {  	v25 =	vadd.f32 v29, v28;
	v19 =	vadd.f32 v22, v19  }
0x2bf: {  	v17 =	vadd.f32 v20, v17;
	v20 =	vadd.f32 v24, v23  }
0x2c0: {  	v18 =	vadd.f32 v18, v25;
	v19 =	vadd.f32 v19, v21;
	_ =	sdelay $0x1  }
0x2c1: {  	v17 =	vadd.f32 v20, v17;
	v18 =	vadd.f32 v19, v18;
	_ =	sdelay $0x1  }
0x2c2: {  	v17 =	vadd.f32 v18, v17  }
0x2c3: {  	s0 =	simm.s32 $0x16760  }
0x2c4: {  	s25 =	simm.s32 $0x100;
	[tilespmem:s0+$0x0] =	vst v17  }
0x2c5: {  	v38 =	vld [tilespmem:s25+$0xC760]  }
0x2c6: {  	v39 =	vld [tilespmem:s25+$0x2760]  }
0x2c7: {  	v41 =	vld [tilespmem:s25+$0x2770]  }
0x2c8: {  	v42 =	vld [tilespmem:s25+$0xC770]  }
0x2c9: {  	v43 =	vld [tilespmem:s25+$0x2780]  }
0x2ca: {  	v44 =	vld [tilespmem:s25+$0xC780]  }
0x2cb: {  	v45 =	vld [tilespmem:s25+$0x2790]  }
0x2cc: {  	v46 =	vld [tilespmem:s25+$0xC790]  }
0x2cd: {  	v17 =	vld [tilespmem:s25+$0x27A0]  }
0x2ce: {  	v18 =	vld [tilespmem:s25+$0xC7A0]  }
0x2cf: {  	v19 =	vld [tilespmem:s25+$0x27B0]  }
0x2d0: {  	v21 =	vld [tilespmem:s25+$0xC7B0]  }
0x2d1: {  	v20 =	vld [tilespmem:s25+$0x27C0]  }
0x2d2: {  	v22 =	vld [tilespmem:s25+$0xC7C0]  }
0x2d3: {  	v23 =	vld [tilespmem:s25+$0x27D0]  }
0x2d4: {  	v24 =	vld [tilespmem:s25+$0xC7D0]  }
0x2d5: {  	v25 =	vld [tilespmem:s25+$0x27E0]  }
0x2d6: {  	v26 =	vld [tilespmem:s25+$0xC7E0]  }
0x2d7: {  	v27 =	vld [tilespmem:s25+$0x27F0]  }
0x2d8: {  	v29 =	vld [tilespmem:s25+$0xC7F0]  }
0x2d9: {  	v28 =	vld [tilespmem:s25+$0x2800]  }
0x2da: {  	v30 =	vld [tilespmem:s25+$0xC800]  }
0x2db: {  	v31 =	vld [tilespmem:s25+$0x2810]  }
0x2dc: {  	v33 =	vld [tilespmem:s25+$0xC810]  }
0x2dd: {  	v32 =	vld [tilespmem:s25+$0x2820]  }
0x2de: {  	v34 =	vld [tilespmem:s25+$0xC820]  }
0x2df: {  	v35 =	vld [tilespmem:s25+$0x2830]  }
0x2e0: {  	v37 =	vld [tilespmem:s25+$0xC830]  }
0x2e1: {  	v36 =	vld [tilespmem:s25+$0x2840]  }
0x2e2: {  	v40 =	vmul.f32 v38, v39;
	v42 =	vmul.f32 v42, v41;
	v38 =	vld [tilespmem:s25+$0xC840]  }
0x2e3: {  	s1 =	simm.s32 $0x800;
	v41 =	vmul.f32 v44, v43;
	v43 =	vmul.f32 v46, v45;
	v39 =	vld [tilespmem:s25+$0x2850]  }
.LBB2_9:
0x2e4: {  	p1 =	sne.s32 s1, $0x13C00;
	v17 =	vmul.f32 v18, v17;
	v18 =	vmul.f32 v21, v19;
	v19 =	vld [tilespmem:s25+$0xC850]  }
0x2e5: {  	v20 =	vmul.f32 v22, v20;
	v21 =	vmul.f32 v24, v23  }
0x2e6: {  	v22 =	vmul.f32 v26, v25;
	v23 =	vmul.f32 v29, v27;
	v24 =	vadd.f32 v42, v40  }
0x2e7: {  	v25 =	vmul.f32 v30, v28;
	v26 =	vmul.f32 v33, v31;
	v27 =	vadd.f32 v43, v41  }
0x2e8: {  	v28 =	vmul.f32 v34, v32;
	v29 =	vmul.f32 v37, v35;
	v17 =	vadd.f32 v18, v17  }
0x2e9: {  	v20 =	vadd.f32 v21, v20;
	v18 =	vmul.f32 v38, v36;
	v19 =	vmul.f32 v19, v39  }
0x2ea: {  	v21 =	vadd.f32 v23, v22;
	v22 =	vadd.f32 v26, v25  }
0x2eb: {  	v23 =	vadd.f32 v29, v28;
	v18 =	vadd.f32 v19, v18  }
0x2ec: {  	v17 =	vadd.f32 v20, v17;
	v19 =	vadd.f32 v27, v24  }
0x2ed: {  	v20 =	vadd.f32 v22, v21;
	v18 =	vadd.f32 v18, v23;
	_ =	sdelay $0x1  }
0x2ee: {  	v17 =	vadd.f32 v17, v19;
	v18 =	vadd.f32 v18, v20;
	_ =	sdelay $0x1  }
0x2ef: {  	v17 =	vadd.f32 v18, v17  }
0x2f0: {  	s0 =	sadd.s32 $0x10, s0  }
0x2f1: {  	s25 =	sshra.s32 s1, $0x2;
	[tilespmem:s0+$0x0] =	vst v17  }
0x2f2: {  	v38 =	vld [tilespmem:s25+$0xC760]  }
0x2f3: {  	v39 =	vld [tilespmem:s25+$0x2760]  }
0x2f4: {  	v41 =	vld [tilespmem:s25+$0x2770]  }
0x2f5: {  	v42 =	vld [tilespmem:s25+$0xC770]  }
0x2f6: {  	v43 =	vld [tilespmem:s25+$0x2780]  }
0x2f7: {  	v44 =	vld [tilespmem:s25+$0xC780]  }
0x2f8: {  	v45 =	vld [tilespmem:s25+$0x2790]  }
0x2f9: {  	v46 =	vld [tilespmem:s25+$0xC790]  }
0x2fa: {  	v17 =	vld [tilespmem:s25+$0x27A0]  }
0x2fb: {  	v18 =	vld [tilespmem:s25+$0xC7A0]  }
0x2fc: {  	v19 =	vld [tilespmem:s25+$0x27B0]  }
0x2fd: {  	v21 =	vld [tilespmem:s25+$0xC7B0]  }
0x2fe: {  	v20 =	vld [tilespmem:s25+$0x27C0]  }
0x2ff: {  	v22 =	vld [tilespmem:s25+$0xC7C0]  }
0x300: {  	v23 =	vld [tilespmem:s25+$0x27D0]  }
0x301: {  	v24 =	vld [tilespmem:s25+$0xC7D0]  }
0x302: {  	v25 =	vld [tilespmem:s25+$0x27E0]  }
0x303: {  	v26 =	vld [tilespmem:s25+$0xC7E0]  }
0x304: {  	v27 =	vld [tilespmem:s25+$0x27F0]  }
0x305: {  	v29 =	vld [tilespmem:s25+$0xC7F0]  }
0x306: {  	v28 =	vld [tilespmem:s25+$0x2800]  }
0x307: {  	v30 =	vld [tilespmem:s25+$0xC800]  }
0x308: {  	v31 =	vld [tilespmem:s25+$0x2810]  }
0x309: {  	v33 =	vld [tilespmem:s25+$0xC810]  }
0x30a: {  	v32 =	vld [tilespmem:s25+$0x2820]  }
0x30b: {  	v34 =	vld [tilespmem:s25+$0xC820]  }
.Ltmp6:
0x30c: {  	v35 =	vld [tilespmem:s25+$0x2830];
	(pc) =	sbr.rel @p1 .LBB2_9-.Ltmp6, $4  }
0x30d: {  	v37 =	vld [tilespmem:s25+$0xC830]  }
0x30e: {  	v36 =	vld [tilespmem:s25+$0x2840]  }
0x30f: {  	v40 =	vmul.f32 v38, v39;
	v42 =	vmul.f32 v42, v41;
	v38 =	vld [tilespmem:s25+$0xC840]  }
0x310: {  	s1 =	sadd.s32 $0x400, s1;
	v41 =	vmul.f32 v44, v43;
	v43 =	vmul.f32 v46, v45;
	v39 =	vld [tilespmem:s25+$0x2850]  }
0x311: {  	v17 =	vmul.f32 v18, v17  }
0x312: {  	v18 =	vmul.f32 v21, v19;
	v19 =	vld [tilespmem:s25+$0xC850];
	v20 =	vmul.f32 v22, v20  }
0x313: {  	v21 =	vmul.f32 v24, v23;
	v22 =	vmul.f32 v26, v25;
	v23 =	vld [tilespmem:$0x1FD30]  }
0x314: {  	v44 =	vmul.f32 v29, v27;
	v45 =	vmul.f32 v30, v28;
	v25 =	vld [tilespmem:$0x1FD50]  }
0x315: {  	v24 =	vadd.f32 v42, v40;
	v46 =	vmul.f32 v33, v31;
	v34 =	vmul.f32 v34, v32;
	v26 =	vld [tilespmem:$0x1FD60]  }
0x316: {  	v27 =	vld [tilespmem:$0x1FD70];
	v33 =	vadd.f32 v43, v41;
	v40 =	vmul.f32 v37, v35;
	v17 =	vadd.f32 v18, v17  }
0x317: {  	v28 =	vld [tilespmem:$0x1FD80];
	v20 =	vadd.f32 v21, v20;
	v41 =	vmul.f32 v38, v36;
	v19 =	vmul.f32 v19, v39  }
0x318: {  	v29 =	vld [tilespmem:$0x1FD90];
	v42 =	vadd.f32 v44, v22;
	v43 =	vadd.f32 v46, v45  }
0x319: {  	v30 =	vld [tilespmem:$0x1FDA0];
	v44 =	vadd.f32 v40, v34;
	v18 =	vadd.f32 v19, v41  }
0x31a: {  	v31 =	vld [tilespmem:$0x1FDB0];
	v45 =	vadd.f32 v33, v24;
	v17 =	vadd.f32 v20, v17  }
0x31b: {  	v22 =	vld [tilespmem:$0x1FD20];
	v46 =	vadd.f32 v43, v42;
	v18 =	vadd.f32 v18, v44  }
0x31c: {  	v32 =	vld [tilespmem:$0x1FDC0]  }
0x31d: {  	v24 =	vld [tilespmem:$0x1FD40];
	v17 =	vadd.f32 v17, v45;
	v18 =	vadd.f32 v18, v46  }
0x31e: {  	v35 =	vld [tilespmem:$0x1FDF0]  }
0x31f: {  	v33 =	vld [tilespmem:$0x1FDD0];
	v17 =	vadd.f32 v18, v17  }
0x320: {  	s0 =	sadd.s32 $0x10, s0;
	v34 =	vld [tilespmem:$0x1FDE0]  }
0x321: {  	v36 =	vld [tilespmem:$0x1FE00];
	[tilespmem:s0+$0x0] =	vst v17  }
0x322: {  	v17 =	vld.idx.msk [tilespmem:v0+s21+$0x0], $0xffff  }
0x323: {  	v18 =	vld.idx.msk [tilespmem:v22+s21+$0x0], $0xffff  }
0x324: {  	v19 =	vld.idx.msk [tilespmem:v23+s21+$0x0], $0xffff  }
0x325: {  	v20 =	vld.idx.msk [tilespmem:v24+s21+$0x0], $0xffff  }
0x326: {  	v21 =	vld.idx.msk [tilespmem:v25+s21+$0x0], $0xffff  }
0x327: {  	v22 =	vld.idx.msk [tilespmem:v26+s21+$0x0], $0xffff  }
0x328: {  	v23 =	vld.idx.msk [tilespmem:v27+s21+$0x0], $0xffff  }
0x329: {  	v24 =	vld.idx.msk [tilespmem:v28+s21+$0x0], $0xffff  }
0x32a: {  	v25 =	vld.idx.msk [tilespmem:v29+s21+$0x0], $0xffff  }
0x32b: {  	v26 =	vld.idx.msk [tilespmem:v30+s21+$0x0], $0xffff  }
0x32c: {  	v27 =	vld.idx.msk [tilespmem:v31+s21+$0x0], $0xffff  }
0x32d: {  	v28 =	vld.idx.msk [tilespmem:v32+s21+$0x0], $0xffff  }
0x32e: {  	v29 =	vld.idx.msk [tilespmem:v33+s21+$0x0], $0xffff  }
0x32f: {  	v30 =	vld.idx.msk [tilespmem:v34+s21+$0x0], $0xffff  }
0x330: {  	v31 =	vld.idx.msk [tilespmem:v35+s21+$0x0], $0xffff  }
0x331: {  	v32 =	vld.idx.msk [tilespmem:v36+s21+$0x0], $0xffff  }
0x332: {  	v33 =	vld [tilespmem:$0x1FEA0]  }
0x333: {  	v34 =	vld [tilespmem:$0x1FEB0]  }
0x334: {  	v35 =	vld [tilespmem:$0x1FEC0]  }
0x335: {  	v36 =	vld [tilespmem:$0x1FED0]  }
0x336: {  	v17 =	vadd.f32 v18, v17;
	v39 =	vadd.f32 v24, v23;
	v24 =	vld [tilespmem:$0x1FE10]  }
0x337: {  	v37 =	vadd.f32 v20, v19;
	v40 =	vadd.f32 v26, v25;
	v25 =	vld [tilespmem:$0x1FE20]  }
0x338: {  	v38 =	vadd.f32 v22, v21;
	v41 =	vadd.f32 v28, v27;
	v26 =	vld [tilespmem:$0x1FE30]  }
0x339: {  	v42 =	vadd.f32 v30, v29;
	v43 =	vadd.f32 v32, v31;
	v27 =	vld [tilespmem:$0x1FE40]  }
0x33a: {  	v28 =	vld [tilespmem:$0x1FE50];
	v17 =	vadd.f32 v37, v17;
	v44 =	vadd.f32 v39, v38  }
0x33b: {  	v29 =	vld [tilespmem:$0x1FE60];
	v45 =	vadd.f32 v41, v40;
	v46 =	vadd.f32 v43, v42  }
0x33c: {  	v30 =	vld [tilespmem:$0x1FE70]  }
0x33d: {  	v31 =	vld [tilespmem:$0x1FE80];
	v17 =	vadd.f32 v44, v17;
	v23 =	vadd.f32 v46, v45  }
0x33e: {  	v32 =	vld [tilespmem:$0x1FE90]  }
0x33f: {  	v37 =	vld [tilespmem:$0x1FEE0];
	v17 =	vadd.f32 v23, v17  }
0x340: {  	v38 =	vld [tilespmem:$0x1FEF0]  }
0x341: {  	v39 =	vld [tilespmem:$0x1FF00];
	[tilespmem:$0x17FC0] =	vst v17  }
0x342: {  	v17 =	vld.idx.msk [tilespmem:v24+s21+$0x0], $0xffff  }
0x343: {  	v18 =	vld.idx.msk [tilespmem:v25+s21+$0x0], $0xffff  }
0x344: {  	v19 =	vld.idx.msk [tilespmem:v26+s21+$0x0], $0xffff  }
0x345: {  	v20 =	vld.idx.msk [tilespmem:v27+s21+$0x0], $0xffff  }
0x346: {  	v21 =	vld.idx.msk [tilespmem:v28+s21+$0x0], $0xffff  }
0x347: {  	v22 =	vld.idx.msk [tilespmem:v29+s21+$0x0], $0xffff  }
0x348: {  	v23 =	vld.idx.msk [tilespmem:v30+s21+$0x0], $0xffff  }
0x349: {  	v24 =	vld.idx.msk [tilespmem:v31+s21+$0x0], $0xffff  }
0x34a: {  	v25 =	vld.idx.msk [tilespmem:v32+s21+$0x0], $0xffff  }
0x34b: {  	v26 =	vld.idx.msk [tilespmem:v33+s21+$0x0], $0xffff  }
0x34c: {  	v27 =	vld.idx.msk [tilespmem:v34+s21+$0x0], $0xffff  }
0x34d: {  	v28 =	vld.idx.msk [tilespmem:v35+s21+$0x0], $0xffff  }
0x34e: {  	v29 =	vld.idx.msk [tilespmem:v36+s21+$0x0], $0xffff  }
0x34f: {  	v33 =	vld [tilespmem:$0x1FF30]  }
0x350: {  	v34 =	vld [tilespmem:$0x1FF40]  }
0x351: {  	v30 =	vld.idx.msk [tilespmem:v37+s21+$0x0], $0xffff  }
0x352: {  	v31 =	vld.idx.msk [tilespmem:v38+s21+$0x0], $0xffff  }
0x353: {  	v32 =	vld.idx.msk [tilespmem:v39+s21+$0x0], $0xffff  }
0x354: {  	v35 =	vld [tilespmem:$0x1FF50]  }
0x355: {  	v36 =	vld [tilespmem:$0x1FF60];
	v17 =	vadd.f32 v18, v17;
	v40 =	vadd.f32 v20, v19  }
0x356: {  	v37 =	vld [tilespmem:$0x1FF70];
	v41 =	vadd.f32 v22, v21;
	v42 =	vadd.f32 v24, v23  }
0x357: {  	v38 =	vld [tilespmem:$0x1FF80];
	v43 =	vadd.f32 v26, v25;
	v44 =	vadd.f32 v28, v27  }
0x358: {  	v39 =	vld [tilespmem:$0x1FF90];
	v45 =	vadd.f32 v30, v29;
	v46 =	vadd.f32 v32, v31  }
0x359: {  	v31 =	vld [tilespmem:$0x1FF10];
	v17 =	vadd.f32 v40, v17;
	v27 =	vadd.f32 v42, v41  }
0x35a: {  	v32 =	vld [tilespmem:$0x1FF20];
	v28 =	vadd.f32 v44, v43;
	v29 =	vadd.f32 v46, v45  }
0x35b: {  	v40 =	vld [tilespmem:$0x1FFA0]  }
0x35c: {  	v41 =	vld [tilespmem:$0x1FFB0];
	v17 =	vadd.f32 v27, v17;
	v30 =	vadd.f32 v29, v28  }
0x35d: {  	v42 =	vld [tilespmem:$0x1FFC0]  }
0x35e: {  	v43 =	vld [tilespmem:$0x1FFD0];
	v17 =	vadd.f32 v30, v17  }
0x35f: {  	v44 =	vld [tilespmem:$0x1FFE0]  }
0x360: {  	v45 =	vld [tilespmem:$0x1FFF0];
	[tilespmem:$0x17FD0] =	vst v17  }
0x361: {  	v17 =	vld.idx.msk [tilespmem:v31+s21+$0x0], $0xffff  }
0x362: {  	v18 =	vld.idx.msk [tilespmem:v32+s21+$0x0], $0xffff  }
0x363: {  	v19 =	vld.idx.msk [tilespmem:v33+s21+$0x0], $0xffff  }
0x364: {  	v20 =	vld.idx.msk [tilespmem:v34+s21+$0x0], $0xffff  }
0x365: {  	v21 =	vld.idx.msk [tilespmem:v35+s21+$0x0], $0xffff  }
0x366: {  	v22 =	vld.idx.msk [tilespmem:v36+s21+$0x0], $0xffff  }
0x367: {  	v23 =	vld.idx.msk [tilespmem:v37+s21+$0x0], $0xffff  }
0x368: {  	v24 =	vld.idx.msk [tilespmem:v38+s21+$0x0], $0xffff  }
0x369: {  	v25 =	vld.idx.msk [tilespmem:v39+s21+$0x0], $0xffff  }
0x36a: {  	v26 =	vld.idx.msk [tilespmem:v40+s21+$0x0], $0xffff  }
0x36b: {  	v27 =	vld.idx.msk [tilespmem:v41+s21+$0x0], $0xffff  }
0x36c: {  	v28 =	vld.idx.msk [tilespmem:v42+s21+$0x0], $0xffff  }
0x36d: {  	v29 =	vld.idx.msk [tilespmem:v43+s21+$0x0], $0xffff  }
0x36e: {  	v30 =	vld.idx.msk [tilespmem:v44+s21+$0x0], $0xffff  }
0x36f: {  	v46 =	vld.idx.msk [tilespmem:v47+s21+$0x0], $0xffff  }
0x370: {  	v31 =	vld.idx.msk [tilespmem:v45+s21+$0x0], $0xffff;
	_ =	sdelay $0x1  }
0x371: {  	v17 =	vadd.f32 v18, v17;
	v33 =	vadd.f32 v20, v19  }
0x372: {  	v34 =	vadd.f32 v22, v21;
	v35 =	vadd.f32 v24, v23  }
0x373: {  	v36 =	vadd.f32 v26, v25;
	v37 =	vadd.f32 v28, v27  }
0x374: {  	v38 =	vadd.f32 v30, v29;
	v39 =	vadd.f32 v46, v31  }
0x375: {  	v17 =	vadd.f32 v33, v17;
	v40 =	vadd.f32 v35, v34  }
0x376: {  	v41 =	vadd.f32 v37, v36;
	v42 =	vadd.f32 v39, v38;
	_ =	sdelay $0x1  }
0x377: {  	v17 =	vadd.f32 v40, v17;
	v43 =	vadd.f32 v42, v41;
	_ =	sdelay $0x1  }
0x378: {  	v17 =	vadd.f32 v43, v17;
	_ =	sdelay $0x1  }
0x379: {  	[tilespmem:$0x17FE0] =	vst v17  }
0x37a: {  	v17 =	vld.idx.msk [tilespmem:v48+s21+$0x0], $0xffff  }
0x37b: {  	v18 =	vld.idx.msk [tilespmem:v49+s21+$0x0], $0xffff  }
0x37c: {  	v19 =	vld.idx.msk [tilespmem:v50+s21+$0x0], $0xffff  }
0x37d: {  	v44 =	vld.idx.msk [tilespmem:v51+s21+$0x0], $0xffff  }
0x37e: {  	v21 =	vld.idx.msk [tilespmem:v52+s21+$0x0], $0xffff  }
0x37f: {  	v45 =	vld.idx.msk [tilespmem:v53+s21+$0x0], $0xffff  }
0x380: {  	v23 =	vld.idx.msk [tilespmem:v54+s21+$0x0], $0xffff  }
0x381: {  	v46 =	vld.idx.msk [tilespmem:v55+s21+$0x0], $0xffff  }
0x382: {  	v36 =	vld.idx.msk [tilespmem:v56+s21+$0x0], $0xffff  }
0x383: {  	v37 =	vld.idx.msk [tilespmem:v57+s21+$0x0], $0xffff  }
0x384: {  	v38 =	vld.idx.msk [tilespmem:v58+s21+$0x0], $0xffff  }
0x385: {  	v39 =	vld.idx.msk [tilespmem:v59+s21+$0x0], $0xffff  }
0x386: {  	v40 =	vld.idx.msk [tilespmem:v60+s21+$0x0], $0xffff  }
0x387: {  	v41 =	vld.idx.msk [tilespmem:v61+s21+$0x0], $0xffff  }
0x388: {  	v42 =	vld.idx.msk [tilespmem:v62+s21+$0x0], $0xffff  }
0x389: {  	v43 =	vld.idx.msk [tilespmem:v63+s21+$0x0], $0xffff;
	_ =	sdelay $0x1  }
0x38a: {  	v17 =	vadd.f32 v18, v17;
	v44 =	vadd.f32 v44, v19  }
0x38b: {  	v45 =	vadd.f32 v45, v21;
	v46 =	vadd.f32 v46, v23  }
0x38c: {  	v33 =	vadd.f32 v37, v36;
	v34 =	vadd.f32 v39, v38  }
0x38d: {  	v35 =	vadd.f32 v41, v40;
	v36 =	vadd.f32 v43, v42  }
0x38e: {  	v17 =	vadd.f32 v44, v17;
	v37 =	vadd.f32 v46, v45  }
0x38f: {  	v38 =	vadd.f32 v34, v33;
	v39 =	vadd.f32 v36, v35;
	_ =	sdelay $0x1  }
0x390: {  	v17 =	vadd.f32 v37, v17;
	v40 =	vadd.f32 v39, v38;
	_ =	sdelay $0x1  }
0x391: {  	v17 =	vadd.f32 v40, v17;
	_ =	sdelay $0x1  }
0x392: {  	[tilespmem:$0x17FF0] =	vst v17  }
0x393: {  	v1 =	vld.idx.msk [tilespmem:v1+s21+$0x0], $0xffff  }
0x394: {  	v2 =	vld.idx.msk [tilespmem:v2+s21+$0x0], $0xffff  }
0x395: {  	v3 =	vld.idx.msk [tilespmem:v3+s21+$0x0], $0xffff  }
0x396: {  	v4 =	vld.idx.msk [tilespmem:v4+s21+$0x0], $0xffff  }
0x397: {  	v5 =	vld.idx.msk [tilespmem:v5+s21+$0x0], $0xffff  }
0x398: {  	v6 =	vld.idx.msk [tilespmem:v6+s21+$0x0], $0xffff  }
0x399: {  	v7 =	vld.idx.msk [tilespmem:v7+s21+$0x0], $0xffff  }
0x39a: {  	v8 =	vld.idx.msk [tilespmem:v8+s21+$0x0], $0xffff  }
0x39b: {  	v9 =	vld.idx.msk [tilespmem:v9+s21+$0x0], $0xffff  }
0x39c: {  	v10 =	vld.idx.msk [tilespmem:v10+s21+$0x0], $0xffff  }
0x39d: {  	v11 =	vld.idx.msk [tilespmem:v11+s21+$0x0], $0xffff  }
0x39e: {  	v12 =	vld.idx.msk [tilespmem:v12+s21+$0x0], $0xffff  }
0x39f: {  	v13 =	vld.idx.msk [tilespmem:v13+s21+$0x0], $0xffff  }
0x3a0: {  	v14 =	vld.idx.msk [tilespmem:v14+s21+$0x0], $0xffff  }
0x3a1: {  	v15 =	vld.idx.msk [tilespmem:v15+s21+$0x0], $0xffff  }
0x3a2: {  	v16 =	vld.idx.msk [tilespmem:v16+s21+$0x0], $0xffff;
	_ =	sdelay $0x1  }
0x3a3: {  	v1 =	vadd.f32 v2, v1;
	v2 =	vadd.f32 v4, v3  }
0x3a4: {  	v3 =	vadd.f32 v6, v5;
	v41 =	vadd.f32 v8, v7  }
0x3a5: {  	v42 =	vadd.f32 v10, v9;
	v43 =	vadd.f32 v12, v11  }
0x3a6: {  	v44 =	vadd.f32 v14, v13;
	v45 =	vadd.f32 v16, v15  }
0x3a7: {  	v1 =	vadd.f32 v2, v1;
	v2 =	vadd.f32 v41, v3  }
0x3a8: {  	v3 =	vadd.f32 v43, v42;
	v46 =	vadd.f32 v45, v44;
	_ =	sdelay $0x1  }
0x3a9: {  	v1 =	vadd.f32 v2, v1;
	v2 =	vadd.f32 v46, v3;
	_ =	sdelay $0x1  }
0x3aa: {  	v1 =	vadd.f32 v2, v1;
	_ =	sdelay $0x1  }
0x3ab: {  	[tilespmem:$0x18000] =	vst v1  }
0x3ac: {  	[hbm4b:s9+s2] =	stream.linear.scatter [tilespmem:s24], [sflag:$0x5], $0x1360, $0x38;
	[tilespmem:$0x18010] =	vst v63  }
0x3ad: {  	_ =	swait.ge [sflag:s12], $0x1360  }
0x3ae: {  	[sflag:s12] =	ssyncset.done $0x0  }
.Ltmp7:
0x3af: {  	s31 =	simm.s32 $0x17FC0;
	[sflag:s12] =	ssyncadd.s32 $0xFFFFECA0;
	(pc) =	sbr.rel .LBB2_12-.Ltmp7, $4  }
0x3b0: {  	[hbm4b:s10+s2] =	stream.linear.scatter [tilespmem:s31], [sflag:$0x5], $0x50, $0x38;
	[tilespmem:$0x18010] =	vst v63  }
0x3b1: {  	_ =	swait.ge [sflag:s12], $0x50  }
0x3b2: {  	[sflag:s12] =	ssyncset.done $0x0  }
0x3b3: {  	[sflag:s12] =	ssyncadd.s32 $0xFFFFFFB0  }
.LBB2_13:
0x3b4: {  	_ =	sfence.sel $0x180000  }
0x3b5: {  	[bflag:$0x0] =	sbarrier.arrive $0xFFFF  }
0x3b6: {  	_ =	strace $0x90000047  }
0x3b7: {  	s0 =	stileid.u32;
	[bflag:$0x2] =	sbarrier.arrive $0xFFFF  }
0x3b8: {  	p0 =	sne.s32 s0, $0x0;
	s0 =	rddreg [dreg:$0x2]  }
0x3b9: {  	s0 =	sadd.s32 @!p0 $0x100000, s0  }
0x3ba: {  	[sflag:s0] =	ssyncadd.tile.s32 @!p0 $0x1;
	_ =	shalt  }
.Lfunc_end2:
_tile_overlayer_lowered:
.L_overlay_start_2:
0x3bb: {  	(tag) =	ssettag $0x2  }
0x3bc: {  	s0 =	rddreg [dreg:$0x0];
	s2 =	stileid.u32  }
0x3bd: {  	s1 =	rddreg [dreg:$0x1];
	p0 =	sne.s32 s2, $0x0  }
0x3be: {  	s3 =	rddreg [dreg:$0x2];
	[bflag:$0x3] =	sbarrier.arrive $0xFFFF;
	s2 =	simm.s32 @!p0 $0x1C05  }
0x3bf: {  	[timem:s3], [sflag:s2] =	dma.local @!p0 [hbm:s0], s1  }
0x3c0: {  	s0 =	simm.s32 @!p0 $0x5  }
0x3c1: {  	_ =	swait.ge @!p0 [sflag:s0], s1  }
0x3c2: {  	s1 =	ssub.s32 @!p0 $0x0, s1;
	[sflag:s0] =	ssyncset.done @!p0 $0x0  }
0x3c3: {  	[sflag:s0] =	ssyncadd.s32 @!p0 s1  }
0x3c4: {  	[bflag:$0x3] =	sbarrier.arrive $0xFFFF  }
0x3c5: {  	_ =	shalt  }

</sc_bundles>
